<compile_context>
chip_gen: v7x
topology: tpu7x:2x2x1
jax: 0.10.2.dev20260603
libtpu: 0.0.44.dev20260713+nightly
codegen_flags: <defaults>
</compile_context>

<pallas_src>
import functools

import jax
import jax.numpy as jnp
import numpy as np
from jax import lax
from jax.experimental import pallas as pl
from jax.experimental.pallas import tpu as pltpu
from jax.experimental.pallas import tpu_sc as plsc

N = 10000
E = 320000
D_IN = 128
H = 8
DH = 16
D_OUT = H * DH
DW = D_OUT + 2 * H
NEG_SLOPE = 0.2

C = 80
NTILE = 16
NCHUNK = E // C
CH_PER_TILE = NCHUNK // NTILE
ROWS_PT = 624
ROWS_REM = N - ROWS_PT * NTILE


def _tc_front_body(x_ref, ws_ref, wsp_ref, crs_ref, crd_ref, wp_ref, bp_ref,
                   rel_ref, feat_ref, fbf_ref, esd_ref, edd_ref, relo_ref):
    x = x_ref[...]
    feat = jnp.dot(x, ws_ref[0], preferred_element_type=jnp.float32)
    feat_ref[...] = feat
    fbf_ref[...] = jnp.dot(x, wsp_ref[0],
                           preferred_element_type=jnp.float32
                           ).astype(jnp.bfloat16)
    cs = jnp.dot(rel_ref[0], crs_ref[0], preferred_element_type=jnp.float32)
    cd = jnp.dot(rel_ref[0], crd_ref[0], preferred_element_type=jnp.float32)
    i = lax.broadcasted_iota(jnp.int32, (D_OUT, 2 * H), 0)
    k = lax.broadcasted_iota(jnp.int32, (D_OUT, 2 * H), 1)
    m = ((i // DH) == (k % H)).astype(jnp.float32)
    esd_ref[...] = jnp.dot(feat * cs, m, preferred_element_type=jnp.float32)
    edd_ref[...] = jnp.dot(feat * cd, m, preferred_element_type=jnp.float32)
    relo_ref[...] = (jnp.dot(rel_ref[0], wp_ref[0],
                             preferred_element_type=jnp.float32)
                     + bp_ref[0])[None]


def _tc_front(x, ws, wsp, crs, crd, wp, bp, rel):
    return pl.pallas_call(
        _tc_front_body,
        grid=(2,),
        in_specs=[
            pl.BlockSpec((N, D_IN), lambda g: (0, 0)),
            pl.BlockSpec((1, D_IN, D_OUT), lambda g: (g, 0, 0)),
            pl.BlockSpec((1, D_IN, D_OUT), lambda g: (g, 0, 0)),
            pl.BlockSpec((1, 16, D_OUT), lambda g: (g, 0, 0)),
            pl.BlockSpec((1, 16, D_OUT), lambda g: (g, 0, 0)),
            pl.BlockSpec((1, 16, D_OUT), lambda g: (g, 0, 0)),
            pl.BlockSpec((1, 1, D_OUT), lambda g: (g, 0, 0)),
            pl.BlockSpec((1, 1, 16), lambda g: (g, 0, 0)),
        ],
        out_specs=[
            pl.BlockSpec((N, D_OUT), lambda g: (g, 0)),
            pl.BlockSpec((N, D_OUT), lambda g: (g, 0)),
            pl.BlockSpec((N, 2 * H), lambda g: (g, 0)),
            pl.BlockSpec((N, 2 * H), lambda g: (g, 0)),
            pl.BlockSpec((1, 1, D_OUT), lambda g: (g, 0, 0)),
        ],
        out_shape=[
            jax.ShapeDtypeStruct((2 * N, D_OUT), jnp.float32),
            jax.ShapeDtypeStruct((2 * N, D_OUT), jnp.bfloat16),
            jax.ShapeDtypeStruct((2 * N, 2 * H), jnp.float32),
            jax.ShapeDtypeStruct((2 * N, 2 * H), jnp.float32),
            jax.ShapeDtypeStruct((2, 1, D_OUT), jnp.float32),
        ],
    )(x, ws, wsp, crs, crd, wp, bp, rel)


_GDN = lax.GatherDimensionNumbers(
    offset_dims=(), collapsed_slice_dims=(0,), start_index_map=(0,))


def _bcast16(v, h):
    idx = jnp.full((16, 1), h, dtype=jnp.int32)
    return lax.gather(v, idx, _GDN, (1,),
                      mode=lax.GatherScatterMode.PROMISE_IN_BOUNDS)


def _sc_edge_body(fbf_hbm, esd_hbm, edd_hbm, src_hbm, dst_hbm, zero_hbm,
                  acc_out,
                  sraw0, draw0, sraw1, draw1, srcg, dstg, dstl,
                  ff0, esb0, edb0, mb0, ff1, esb1, edb1, mb1,
                  sem_i, sem_g, sem_s, acc_sp):
    c = lax.axis_index("c")
    s = lax.axis_index("s")
    r0 = s * ROWS_PT
    pltpu.sync_copy(zero_hbm.at[pl.ds(r0, ROWS_PT)],
                    acc_sp.at[pl.ds(r0, ROWS_PT)])

    @pl.when(s == NTILE - 1)
    def _zero_rem():
        rr = ROWS_PT * NTILE
        pltpu.sync_copy(zero_hbm.at[pl.ds(rr, ROWS_REM)],
                        acc_sp.at[pl.ds(rr, ROWS_REM)])

    plsc.subcore_barrier()

    coff = c * N
    row0 = c * NCHUNK + s * CH_PER_TILE

    def fire_idx(j, sr, dr):
        pltpu.async_copy(src_hbm.at[row0 + j], sr, sem_i)
        pltpu.async_copy(dst_hbm.at[row0 + j], dr, sem_i)

    def drain_idx(sr, dr):
        pltpu.make_async_copy(src_hbm.at[0], sr, sem_i).wait()
        pltpu.make_async_copy(dst_hbm.at[0], dr, sem_i).wait()

    def fire_gather(ff, esb, edb):
        pltpu.async_copy(fbf_hbm.at[srcg], ff, sem_g)
        pltpu.async_copy(esd_hbm.at[srcg], esb, sem_g)
        pltpu.async_copy(edd_hbm.at[dstg], edb, sem_g)

    def drain_gather(ff, esb, edb):
        pltpu.make_async_copy(fbf_hbm.at[srcg], ff, sem_g).wait()
        pltpu.make_async_copy(esd_hbm.at[srcg], esb, sem_g).wait()
        pltpu.make_async_copy(edd_hbm.at[dstg], edb, sem_g).wait()

    def globalize(sr, dr):
        for k in range(C // 16):
            sl = pl.ds(k * 16, 16)
            srcg[sl] = sr[sl] + coff
            dstg[sl] = dr[sl] + coff

    def localize(dr):
        for k in range(C // 16):
            sl = pl.ds(k * 16, 16)
            dstl[sl] = dr[sl]

    def process(j, raw_b, gb_b, mb_b, raw_n, gb_n, mb_n):
        sr_b, dr_b = raw_b
        ff_b, esb_b, edb_b = gb_b
        sr_n, dr_n = raw_n
        ff_n, esb_n, edb_n = gb_n

        drain_gather(ff_b, esb_b, edb_b)

        @pl.when(j >= 1)
        def _():
            pltpu.make_async_copy(mb_n, acc_sp.at[dstl], sem_s).wait()

        localize(dr_b)

        @pl.when(j + 1 < CH_PER_TILE)
        def _():
            drain_idx(sr_n, dr_n)
            globalize(sr_n, dr_n)
            fire_gather(ff_n, esb_n, edb_n)

        @pl.when(j + 2 < CH_PER_TILE)
        def _():
            fire_idx(j + 2, sr_b, dr_b)

        @plsc.parallel_loop(0, C, 1, unroll=2)
        def row(r):
            e = esb_b[r, :] + edb_b[r, :]
            e = jnp.where(e >= 0, e, NEG_SLOPE * e)
            ee = jnp.exp(e)
            mb_b[r, pl.ds(D_OUT, 16)] = ee
            for h2 in range(H // 2):
                v = ff_b[r, pl.ds(h2 * 32, 32)]
                a, b = plsc.unpack(v, format=plsc.PackFormat.INTERLEAVED)
                sla = pl.ds((2 * h2) * DH, DH)
                slb = pl.ds((2 * h2 + 1) * DH, DH)
                mb_b[r, sla] = a * _bcast16(ee, 2 * h2)
                mb_b[r, slb] = b * _bcast16(ee, 2 * h2 + 1)

        pltpu.async_copy(mb_b, acc_sp.at[dstl], sem_s, add=True)

    fire_idx(0, sraw0, draw0)
    drain_idx(sraw0, draw0)
    globalize(sraw0, draw0)
    fire_gather(ff0, esb0, edb0)
    fire_idx(1, sraw1, draw1)

    def pair(i, carry):
        j = 2 * i
        process(j, (sraw0, draw0), (ff0, esb0, edb0), mb0,
                (sraw1, draw1), (ff1, esb1, edb1), mb1)
        process(j + 1, (sraw1, draw1), (ff1, esb1, edb1), mb1,
                (sraw0, draw0), (ff0, esb0, edb0), mb0)
        return carry

    lax.fori_loop(0, CH_PER_TILE // 2, pair, 0)
    pltpu.make_async_copy(mb1, acc_sp.at[dstl], sem_s).wait()

    plsc.subcore_barrier()
    pltpu.sync_copy(acc_sp.at[pl.ds(r0, ROWS_PT)],
                    acc_out.at[pl.ds(coff + r0, ROWS_PT)])

    @pl.when(s == NTILE - 1)
    def _out_rem():
        rr = ROWS_PT * NTILE
        pltpu.sync_copy(acc_sp.at[pl.ds(rr, ROWS_REM)],
                        acc_out.at[pl.ds(coff + rr, ROWS_REM)])


@functools.cache
def _sc_edge():
  return pl.kernel(
    _sc_edge_body,
    out_type=[
        jax.ShapeDtypeStruct((2 * N, DW), jnp.float32),
    ],
    mesh=plsc.VectorSubcoreMesh(core_axis_name="c", subcore_axis_name="s"),
    compiler_params=pltpu.CompilerParams(use_tc_tiling_on_sc=False,
                                         needs_layout_passes=False),
    scratch_types=[
        pltpu.VMEM((C,), jnp.int32),
        pltpu.VMEM((C,), jnp.int32),
        pltpu.VMEM((C,), jnp.int32),
        pltpu.VMEM((C,), jnp.int32),
        pltpu.VMEM((C,), jnp.int32),
        pltpu.VMEM((C,), jnp.int32),
        pltpu.VMEM((C,), jnp.int32),
        pltpu.VMEM((C, D_OUT), jnp.bfloat16),
        pltpu.VMEM((C, 2 * H), jnp.float32),
        pltpu.VMEM((C, 2 * H), jnp.float32),
        pltpu.VMEM((C, DW), jnp.float32),
        pltpu.VMEM((C, D_OUT), jnp.bfloat16),
        pltpu.VMEM((C, 2 * H), jnp.float32),
        pltpu.VMEM((C, 2 * H), jnp.float32),
        pltpu.VMEM((C, DW), jnp.float32),
        pltpu.SemaphoreType.DMA,
        pltpu.SemaphoreType.DMA,
        pltpu.SemaphoreType.DMA,
        pltpu.VMEM_SHARED((N, DW), jnp.float32),
    ],
  )


def _tc_epi_body(acc_ref, out_ref):
    a = acc_ref[...]
    for h in range(H):
        zz = a[:, D_OUT + h:D_OUT + h + 1]
        inv = jnp.where(zz == 0.0, 0.0, 1.0 / zz)
        out_ref[:, h * DH:(h + 1) * DH] = jnp.maximum(
            a[:, h * DH:(h + 1) * DH] * inv, 0.0)


def _tc_epi(acc):
    return pl.pallas_call(
        _tc_epi_body,
        grid=(2,),
        in_specs=[pl.BlockSpec((N, DW), lambda g: (g, 0))],
        out_specs=pl.BlockSpec((N, D_OUT), lambda g: (g, 0)),
        out_shape=jax.ShapeDtypeStruct((2 * N, D_OUT), jnp.float32),
    )(acc)


_PERM_SRC = np.asarray([h * 2 * DH + d for h in range(H) for d in range(DH)])
_PERM_DST = _PERM_SRC + DH
_PERM_BF = np.asarray([(2 * (q // 32) + (q % 2)) * DH + (q % 32) // 2
                       for q in range(D_OUT)])


def kernel(x, edge_index_e0, edge_index_e1, rel_emb_e0, rel_emb_e1,
           W_src_e0, W_src_e1, W_rel_e0, W_rel_e1,
           W_prop_e0, W_prop_e1, b_prop_e0, b_prop_e1):
    ws = jnp.stack([W_src_e0, W_src_e1])
    wsp = jnp.stack([W_src_e0[:, _PERM_BF], W_src_e1[:, _PERM_BF]])
    crs = jnp.stack([W_rel_e0[:, _PERM_SRC], W_rel_e1[:, _PERM_SRC]])
    crd = jnp.stack([W_rel_e0[:, _PERM_DST], W_rel_e1[:, _PERM_DST]])
    wp = jnp.stack([W_prop_e0, W_prop_e1])
    bp = jnp.stack([b_prop_e0, b_prop_e1])[:, None, :]
    rel = jnp.stack([rel_emb_e0, rel_emb_e1])[:, None, :]

    feat, fbf, esd, edd, relo = _tc_front(x, ws, wsp, crs, crd, wp, bp, rel)

    src = jnp.concatenate([edge_index_e0[0], edge_index_e1[0]]).reshape(
        2 * NCHUNK, C)
    dst = jnp.concatenate([edge_index_e0[1], edge_index_e1[1]]).reshape(
        2 * NCHUNK, C)
    zero = jnp.zeros((N, DW), jnp.float32)

    (acc,) = _sc_edge()(fbf, esd, edd, src, dst, zero)
    out = _tc_epi(acc)

    rel0 = relo[0, 0]
    rel1 = relo[1, 0]
    feat0 = feat[:N].reshape(N, H, DH)
    feat1 = feat[N:].reshape(N, H, DH)
    return out[:N], out[N:], rel0, rel1, feat0, feat1

# --- scband reference (transcript-rebuilt; emitter-appended) ---
"""Pipeline reference for scband-mshgencoder-layer-72834055406086 (READ-ONLY COPY).

The authoritative reference and input builder live on the scoring server;
editing this copy changes nothing except your own understanding.
"""

import jax, jax.numpy as jnp
import numpy as np

N = 10000        # n_nodes
E = 320000       # n_edges per etype
D_IN = 128       # input_dim
H = 8            # n_heads
D_HID = 16       # hidden_dim per head
D_REL = 16       # relation_input_dim
D_RELH = 16      # relation_hidden_dim
NEG_SLOPE = 0.2


def setup_inputs(seed: int = 0) -> dict:
    key = jax.random.key(seed)
    ks = jax.random.split(key, 16)
    inp = {}
    inp['x'] = jax.random.normal(ks[0], (N, D_IN), dtype=jnp.float32)
    inp['edge_index_e0'] = jax.random.randint(ks[1], (2, E), 0, N, dtype=jnp.int32)
    inp['edge_index_e1'] = jax.random.randint(ks[2], (2, E), 0, N, dtype=jnp.int32)
    inp['rel_emb_e0'] = jax.random.normal(ks[3], (D_REL,), dtype=jnp.float32)
    inp['rel_emb_e1'] = jax.random.normal(ks[4], (D_REL,), dtype=jnp.float32)
    # learned parameters (per-etype), xavier-ish scale
    inp['W_src_e0'] = jax.random.normal(ks[5], (D_IN, H * D_HID), dtype=jnp.float32) * (2.0 / (D_IN + H * D_HID)) ** 0.5
    inp['W_src_e1'] = jax.random.normal(ks[6], (D_IN, H * D_HID), dtype=jnp.float32) * (2.0 / (D_IN + H * D_HID)) ** 0.5
    inp['W_rel_e0'] = jax.random.normal(ks[7], (D_REL, H * 2 * D_HID), dtype=jnp.float32) * (2.0 / (D_REL + H * 2 * D_HID)) ** 0.5
    inp['W_rel_e1'] = jax.random.normal(ks[8], (D_REL, H * 2 * D_HID), dtype=jnp.float32) * (2.0 / (D_REL + H * 2 * D_HID)) ** 0.5
    inp['W_prop_e0'] = jax.random.normal(ks[9], (D_REL, H * D_RELH), dtype=jnp.float32) * (1.0 / D_REL) ** 0.5
    inp['W_prop_e1'] = jax.random.normal(ks[10], (D_REL, H * D_RELH), dtype=jnp.float32) * (1.0 / D_REL) ** 0.5
    inp['b_prop_e0'] = jnp.zeros((H * D_RELH,), dtype=jnp.float32)
    inp['b_prop_e1'] = jnp.zeros((H * D_RELH,), dtype=jnp.float32)
    return inp


def _relation_attention_conv(x, src, dst, W_src, W_rel, rel_emb):
    # src-node transformation for this relation
    feat = (x @ W_src).reshape(N, H, D_HID)               # (N, H, Dh)
    # relation-specific attention weights
    rel_w = (rel_emb @ W_rel).reshape(H, 2 * D_HID)       # (H, 2*Dh)
    e_src = (feat * rel_w[:, :D_HID]).sum(-1)             # (N, H)
    e_dst = (feat * rel_w[:, D_HID:]).sum(-1)             # (N, H)
    e = jax.nn.leaky_relu(e_src[src] + e_dst[dst], NEG_SLOPE)   # (E, H)
    # edge softmax over incoming edges of each dst node
    m = jnp.full((N, H), -jnp.inf, dtype=e.dtype).at[dst].max(e)
    ee = jnp.exp(e - m[dst])                              # (E, H)
    z = jnp.zeros((N, H), dtype=e.dtype).at[dst].add(ee)
    alpha = ee / z[dst]                                   # (E, H)
    # message passing: gather src feats, weight by attention, scatter-add to dst
    msg = alpha[:, :, None] * feat[src]                   # (E, H, Dh)
    out = jnp.zeros((N, H, D_HID), dtype=feat.dtype).at[dst].add(msg)
    out = jax.nn.relu(out.reshape(N, H * D_HID))
    return out, feat  # feat doubles as dst-nodes-after-transformation (shared node type)


def reference(x, edge_index_e0, edge_index_e1, rel_emb_e0, rel_emb_e1,
              W_src_e0, W_src_e1, W_rel_e0, W_rel_e1,
              W_prop_e0, W_prop_e1, b_prop_e0, b_prop_e1):
    out0, feat0 = _relation_attention_conv(x, edge_index_e0[0], edge_index_e0[1], W_src_e0, W_rel_e0, rel_emb_e0)
    out1, feat1 = _relation_attention_conv(x, edge_index_e1[0], edge_index_e1[1], W_src_e1, W_rel_e1, rel_emb_e1)
    # relation propagation layer (per-etype Linear on relation embedding)
    rel0 = rel_emb_e0 @ W_prop_e0 + b_prop_e0
    rel1 = rel_emb_e1 @ W_prop_e1 + b_prop_e1
    output_features_dict = (out0, out1)
    relation_embedding_dict = (rel0, rel1)
    dst_nodes_after_transformation = (feat0, feat1)
    return output_features_dict + relation_embedding_dict + dst_nodes_after_transformation

if __name__ == "__main__":
    import jax
    _d = setup_inputs()
    print(jax.jit(kernel)(*tuple(_d.values())))

</pallas_src>

<mosaic_0001>
#map = affine_map<(d0, d1) -> (0, 0)>
module attributes {stable_mosaic.version = 14 : i64} {
  func.func @_sc_edge_body(%arg0: i32, %arg1: i32, %arg2: memref<20000x128xbf16, #tpu.memory_space<hbm>>, %arg3: memref<20000x16xf32, #tpu.memory_space<hbm>>, %arg4: memref<20000x16xf32, #tpu.memory_space<hbm>>, %arg5: memref<8000x80xi32, #tpu.memory_space<hbm>>, %arg6: memref<8000x80xi32, #tpu.memory_space<hbm>>, %arg7: memref<10000x144xf32, #tpu.memory_space<hbm>>, %arg8: memref<20000x144xf32, #tpu.memory_space<hbm>>, %arg9: memref<80xi32, #tpu.memory_space<vmem>>, %arg10: memref<80xi32, #tpu.memory_space<vmem>>, %arg11: memref<80xi32, #tpu.memory_space<vmem>>, %arg12: memref<80xi32, #tpu.memory_space<vmem>>, %arg13: memref<80xi32, #tpu.memory_space<vmem>>, %arg14: memref<80xi32, #tpu.memory_space<vmem>>, %arg15: memref<80xi32, #tpu.memory_space<vmem>>, %arg16: memref<80x128xbf16, #tpu.memory_space<vmem>>, %arg17: memref<80x16xf32, #tpu.memory_space<vmem>>, %arg18: memref<80x16xf32, #tpu.memory_space<vmem>>, %arg19: memref<80x144xf32, #tpu.memory_space<vmem>>, %arg20: memref<80x128xbf16, #tpu.memory_space<vmem>>, %arg21: memref<80x16xf32, #tpu.memory_space<vmem>>, %arg22: memref<80x16xf32, #tpu.memory_space<vmem>>, %arg23: memref<80x144xf32, #tpu.memory_space<vmem>>, %arg24: memref<!tpu.dma_semaphore, #tpu.memory_space<semaphore_mem>>, %arg25: memref<!tpu.dma_semaphore, #tpu.memory_space<semaphore_mem>>, %arg26: memref<!tpu.dma_semaphore, #tpu.memory_space<semaphore_mem>>, %arg27: memref<10000x144xf32, #tpu.memory_space<vmem_shared>>) attributes {dimension_semantics = [#tpu.dimension_semantics<core_parallel>, #tpu.dimension_semantics<subcore_parallel>], iteration_bounds = array<i64: 2, 16>, scalar_prefetch = 0 : i64, scratch_operands = 19 : i64, tpu.core_type = #tpu.core_type<sc_vector_subcore>, window_params = [{transform_indices = #map}, {transform_indices = #map}, {transform_indices = #map}, {transform_indices = #map}, {transform_indices = #map}, {transform_indices = #map}, {transform_indices = #map}]} {
    %mul3A = arith.constant 624 : i32
    %mul3A_0 = arith.muli %arg1, %mul3A : i32
    "tpu.region"() ({
      %run_scoped3A = tpu.sem_alloc : memref<!tpu.dma_semaphore, #tpu.memory_space<semaphore_mem>>
      %dma_start3A_135 = arith.constant 0 : i32
      %dma_start3A_136 = tpu.memref_slice %arg27[%mul3A_0, %dma_start3A_135] : memref<10000x144xf32, #tpu.memory_space<vmem_shared>> -> memref<624x144xf32, #tpu.memory_space<vmem_shared>>
      %dma_start3A_137 = arith.constant 0 : i32
      %dma_start3A_138 = tpu.memref_slice %arg7[%mul3A_0, %dma_start3A_137] : memref<10000x144xf32, #tpu.memory_space<hbm>> -> memref<624x144xf32, #tpu.memory_space<hbm>>
      tpu.enqueue_dma source(%dma_start3A_138 : memref<624x144xf32, #tpu.memory_space<hbm>>) target(%dma_start3A_136 : memref<624x144xf32, #tpu.memory_space<vmem_shared>>) target_semaphore(%run_scoped3A : memref<!tpu.dma_semaphore, #tpu.memory_space<semaphore_mem>>)
      %dma_wait3A_139 = arith.constant 0 : i32
      %dma_wait3A_140 = tpu.memref_slice %arg27[%mul3A_0, %dma_wait3A_139] : memref<10000x144xf32, #tpu.memory_space<vmem_shared>> -> memref<624x144xf32, #tpu.memory_space<vmem_shared>>
      %dma_wait3A_141 = arith.constant 0 : i32
      %dma_wait3A_142 = tpu.memref_slice %arg7[%mul3A_0, %dma_wait3A_141] : memref<10000x144xf32, #tpu.memory_space<hbm>> -> memref<624x144xf32, #tpu.memory_space<hbm>>
      tpu.wait_dma2 semaphore(%run_scoped3A : memref<!tpu.dma_semaphore, #tpu.memory_space<semaphore_mem>>) src(%dma_wait3A_142 : memref<624x144xf32, #tpu.memory_space<hbm>>) dst(%dma_wait3A_140 : memref<624x144xf32, #tpu.memory_space<vmem_shared>>)
      tpu.yield
    }) : () -> ()
    %eq3A = arith.constant 15 : i32
    %eq3A_1 = arith.cmpi eq, %arg1, %eq3A : i32
    %convert_element_type3A = arith.extui %eq3A_1 : i1 to i32
    %cond3A = arith.constant 0 : i32
    %cond3A_2 = arith.cmpi ne, %convert_element_type3A, %cond3A : i32
    scf.if %cond3A_2 {
      "tpu.region"() ({
        %run_scoped3A = tpu.sem_alloc : memref<!tpu.dma_semaphore, #tpu.memory_space<semaphore_mem>>
        %dma_start3A_135 = arith.constant 9984 : i32
        %dma_start3A_136 = arith.constant 0 : i32
        %dma_start3A_137 = tpu.memref_slice %arg27[%dma_start3A_135, %dma_start3A_136] : memref<10000x144xf32, #tpu.memory_space<vmem_shared>> -> memref<16x144xf32, #tpu.memory_space<vmem_shared>>
        %dma_start3A_138 = arith.constant 9984 : i32
        %dma_start3A_139 = arith.constant 0 : i32
        %dma_start3A_140 = tpu.memref_slice %arg7[%dma_start3A_138, %dma_start3A_139] : memref<10000x144xf32, #tpu.memory_space<hbm>> -> memref<16x144xf32, #tpu.memory_space<hbm>>
        tpu.enqueue_dma source(%dma_start3A_140 : memref<16x144xf32, #tpu.memory_space<hbm>>) target(%dma_start3A_137 : memref<16x144xf32, #tpu.memory_space<vmem_shared>>) target_semaphore(%run_scoped3A : memref<!tpu.dma_semaphore, #tpu.memory_space<semaphore_mem>>)
        %dma_wait3A_141 = arith.constant 9984 : i32
        %dma_wait3A_142 = arith.constant 0 : i32
        %dma_wait3A_143 = tpu.memref_slice %arg27[%dma_wait3A_141, %dma_wait3A_142] : memref<10000x144xf32, #tpu.memory_space<vmem_shared>> -> memref<16x144xf32, #tpu.memory_space<vmem_shared>>
        %dma_wait3A_144 = arith.constant 9984 : i32
        %dma_wait3A_145 = arith.constant 0 : i32
        %dma_wait3A_146 = tpu.memref_slice %arg7[%dma_wait3A_144, %dma_wait3A_145] : memref<10000x144xf32, #tpu.memory_space<hbm>> -> memref<16x144xf32, #tpu.memory_space<hbm>>
        tpu.wait_dma2 semaphore(%run_scoped3A : memref<!tpu.dma_semaphore, #tpu.memory_space<semaphore_mem>>) src(%dma_wait3A_146 : memref<16x144xf32, #tpu.memory_space<hbm>>) dst(%dma_wait3A_143 : memref<16x144xf32, #tpu.memory_space<vmem_shared>>)
        tpu.yield
      }) : () -> ()
    } else {
    }
    %barrier3A = arith.constant 0 : index
    tpu.barrier barrier_id(%barrier3A)
    %mul3A_3 = arith.constant 10000 : i32
    %mul3A_4 = arith.muli %arg0, %mul3A_3 : i32
    %mul3A_5 = arith.constant 4000 : i32
    %mul3A_6 = arith.muli %arg0, %mul3A_5 : i32
    %mul3A_7 = arith.constant 250 : i32
    %mul3A_8 = arith.muli %arg1, %mul3A_7 : i32
    %add3A = arith.addi %mul3A_6, %mul3A_8 : i32
    %add3A_9 = arith.constant 0 : i32
    %add3A_10 = arith.addi %add3A, %add3A_9 : i32
    %dma_start3A = arith.constant 0 : i32
    %dma_start3A_11 = tpu.memref_slice %arg5[%add3A_10, %dma_start3A] : memref<8000x80xi32, #tpu.memory_space<hbm>> -> memref<1x80xi32, #tpu.memory_space<hbm>>
    %dma_start3A_12 = tpu.memref_squeeze %dma_start3A_11 : memref<1x80xi32, #tpu.memory_space<hbm>> -> memref<80xi32, #tpu.memory_space<hbm>>
    %dma_start3A_13 = arith.constant 0 : i32
    %dma_start3A_14 = tpu.memref_slice %arg5[%add3A_10, %dma_start3A_13] : memref<8000x80xi32, #tpu.memory_space<hbm>> -> memref<1x80xi32, #tpu.memory_space<hbm>>
    %dma_start3A_15 = tpu.memref_squeeze %dma_start3A_14 : memref<1x80xi32, #tpu.memory_space<hbm>> -> memref<80xi32, #tpu.memory_space<hbm>>
    tpu.enqueue_dma source(%dma_start3A_15 : memref<80xi32, #tpu.memory_space<hbm>>) target(%arg9 : memref<80xi32, #tpu.memory_space<vmem>>) target_semaphore(%arg24 : memref<!tpu.dma_semaphore, #tpu.memory_space<semaphore_mem>>)
    %add3A_16 = arith.constant 0 : i32
    %add3A_17 = arith.addi %add3A, %add3A_16 : i32
    %dma_start3A_18 = arith.constant 0 : i32
    %dma_start3A_19 = tpu.memref_slice %arg6[%add3A_17, %dma_start3A_18] : memref<8000x80xi32, #tpu.memory_space<hbm>> -> memref<1x80xi32, #tpu.memory_space<hbm>>
    %dma_start3A_20 = tpu.memref_squeeze %dma_start3A_19 : memref<1x80xi32, #tpu.memory_space<hbm>> -> memref<80xi32, #tpu.memory_space<hbm>>
    %dma_start3A_21 = arith.constant 0 : i32
    %dma_start3A_22 = tpu.memref_slice %arg6[%add3A_17, %dma_start3A_21] : memref<8000x80xi32, #tpu.memory_space<hbm>> -> memref<1x80xi32, #tpu.memory_space<hbm>>
    %dma_start3A_23 = tpu.memref_squeeze %dma_start3A_22 : memref<1x80xi32, #tpu.memory_space<hbm>> -> memref<80xi32, #tpu.memory_space<hbm>>
    tpu.enqueue_dma source(%dma_start3A_23 : memref<80xi32, #tpu.memory_space<hbm>>) target(%arg10 : memref<80xi32, #tpu.memory_space<vmem>>) target_semaphore(%arg24 : memref<!tpu.dma_semaphore, #tpu.memory_space<semaphore_mem>>)
    %dma_wait3A = arith.constant 0 : i32
    %dma_wait3A_24 = arith.constant 0 : i32
    %dma_wait3A_25 = tpu.memref_slice %arg5[%dma_wait3A, %dma_wait3A_24] : memref<8000x80xi32, #tpu.memory_space<hbm>> -> memref<1x80xi32, #tpu.memory_space<hbm>>
    %dma_wait3A_26 = tpu.memref_squeeze %dma_wait3A_25 : memref<1x80xi32, #tpu.memory_space<hbm>> -> memref<80xi32, #tpu.memory_space<hbm>>
    %dma_wait3A_27 = arith.constant 0 : i32
    %dma_wait3A_28 = tpu.memref_slice %arg5[%dma_wait3A, %dma_wait3A_27] : memref<8000x80xi32, #tpu.memory_space<hbm>> -> memref<1x80xi32, #tpu.memory_space<hbm>>
    %dma_wait3A_29 = tpu.memref_squeeze %dma_wait3A_28 : memref<1x80xi32, #tpu.memory_space<hbm>> -> memref<80xi32, #tpu.memory_space<hbm>>
    tpu.wait_dma2 semaphore(%arg24 : memref<!tpu.dma_semaphore, #tpu.memory_space<semaphore_mem>>) src(%dma_wait3A_29 : memref<80xi32, #tpu.memory_space<hbm>>) dst(%arg9 : memref<80xi32, #tpu.memory_space<vmem>>)
    %dma_wait3A_30 = arith.constant 0 : i32
    %dma_wait3A_31 = arith.constant 0 : i32
    %dma_wait3A_32 = tpu.memref_slice %arg6[%dma_wait3A_30, %dma_wait3A_31] : memref<8000x80xi32, #tpu.memory_space<hbm>> -> memref<1x80xi32, #tpu.memory_space<hbm>>
    %dma_wait3A_33 = tpu.memref_squeeze %dma_wait3A_32 : memref<1x80xi32, #tpu.memory_space<hbm>> -> memref<80xi32, #tpu.memory_space<hbm>>
    %dma_wait3A_34 = arith.constant 0 : i32
    %dma_wait3A_35 = tpu.memref_slice %arg6[%dma_wait3A_30, %dma_wait3A_34] : memref<8000x80xi32, #tpu.memory_space<hbm>> -> memref<1x80xi32, #tpu.memory_space<hbm>>
    %dma_wait3A_36 = tpu.memref_squeeze %dma_wait3A_35 : memref<1x80xi32, #tpu.memory_space<hbm>> -> memref<80xi32, #tpu.memory_space<hbm>>
    tpu.wait_dma2 semaphore(%arg24 : memref<!tpu.dma_semaphore, #tpu.memory_space<semaphore_mem>>) src(%dma_wait3A_36 : memref<80xi32, #tpu.memory_space<hbm>>) dst(%arg10 : memref<80xi32, #tpu.memory_space<vmem>>)
    %get3A = arith.constant 0 : index
    %get3A_37 = tpu.vector_load %arg9[%get3A] {strides = array<i32>} : memref<80xi32, #tpu.memory_space<vmem>>, vector<16xi32>,
    %add3A_38 = vector.broadcast %mul3A_4 : i32 to vector<16xi32>
    %add3A_39 = arith.addi %get3A_37, %add3A_38 : vector<16xi32>
    %swap3A = arith.constant 0 : index
    %swap3A_40 = tpu.vector_load %arg13[%swap3A] {strides = array<i32>} : memref<80xi32, #tpu.memory_space<vmem>>, vector<16xi32>,
    tpu.vector_store %arg13[%swap3A], %add3A_39 {strides = array<i32>} : memref<80xi32, #tpu.memory_space<vmem>>, vector<16xi32>,
    %get3A_41 = arith.constant 0 : index
    %get3A_42 = tpu.vector_load %arg10[%get3A_41] {strides = array<i32>} : memref<80xi32, #tpu.memory_space<vmem>>, vector<16xi32>,
    %add3A_43 = vector.broadcast %mul3A_4 : i32 to vector<16xi32>
    %add3A_44 = arith.addi %get3A_42, %add3A_43 : vector<16xi32>
    %swap3A_45 = arith.constant 0 : index
    %swap3A_46 = tpu.vector_load %arg14[%swap3A_45] {strides = array<i32>} : memref<80xi32, #tpu.memory_space<vmem>>, vector<16xi32>,
    tpu.vector_store %arg14[%swap3A_45], %add3A_44 {strides = array<i32>} : memref<80xi32, #tpu.memory_space<vmem>>, vector<16xi32>,
    %get3A_47 = arith.constant 16 : index
    %get3A_48 = tpu.vector_load %arg9[%get3A_47] {strides = array<i32>} : memref<80xi32, #tpu.memory_space<vmem>>, vector<16xi32>,
    %add3A_49 = vector.broadcast %mul3A_4 : i32 to vector<16xi32>
    %add3A_50 = arith.addi %get3A_48, %add3A_49 : vector<16xi32>
    %swap3A_51 = arith.constant 16 : index
    %swap3A_52 = tpu.vector_load %arg13[%swap3A_51] {strides = array<i32>} : memref<80xi32, #tpu.memory_space<vmem>>, vector<16xi32>,
    tpu.vector_store %arg13[%swap3A_51], %add3A_50 {strides = array<i32>} : memref<80xi32, #tpu.memory_space<vmem>>, vector<16xi32>,
    %get3A_53 = arith.constant 16 : index
    %get3A_54 = tpu.vector_load %arg10[%get3A_53] {strides = array<i32>} : memref<80xi32, #tpu.memory_space<vmem>>, vector<16xi32>,
    %add3A_55 = vector.broadcast %mul3A_4 : i32 to vector<16xi32>
    %add3A_56 = arith.addi %get3A_54, %add3A_55 : vector<16xi32>
    %swap3A_57 = arith.constant 16 : index
    %swap3A_58 = tpu.vector_load %arg14[%swap3A_57] {strides = array<i32>} : memref<80xi32, #tpu.memory_space<vmem>>, vector<16xi32>,
    tpu.vector_store %arg14[%swap3A_57], %add3A_56 {strides = array<i32>} : memref<80xi32, #tpu.memory_space<vmem>>, vector<16xi32>,
    %get3A_59 = arith.constant 32 : index
    %get3A_60 = tpu.vector_load %arg9[%get3A_59] {strides = array<i32>} : memref<80xi32, #tpu.memory_space<vmem>>, vector<16xi32>,
    %add3A_61 = vector.broadcast %mul3A_4 : i32 to vector<16xi32>
    %add3A_62 = arith.addi %get3A_60, %add3A_61 : vector<16xi32>
    %swap3A_63 = arith.constant 32 : index
    %swap3A_64 = tpu.vector_load %arg13[%swap3A_63] {strides = array<i32>} : memref<80xi32, #tpu.memory_space<vmem>>, vector<16xi32>,
    tpu.vector_store %arg13[%swap3A_63], %add3A_62 {strides = array<i32>} : memref<80xi32, #tpu.memory_space<vmem>>, vector<16xi32>,
    %get3A_65 = arith.constant 32 : index
    %get3A_66 = tpu.vector_load %arg10[%get3A_65] {strides = array<i32>} : memref<80xi32, #tpu.memory_space<vmem>>, vector<16xi32>,
    %add3A_67 = vector.broadcast %mul3A_4 : i32 to vector<16xi32>
    %add3A_68 = arith.addi %get3A_66, %add3A_67 : vector<16xi32>
    %swap3A_69 = arith.constant 32 : index
    %swap3A_70 = tpu.vector_load %arg14[%swap3A_69] {strides = array<i32>} : memref<80xi32, #tpu.memory_space<vmem>>, vector<16xi32>,
    tpu.vector_store %arg14[%swap3A_69], %add3A_68 {strides = array<i32>} : memref<80xi32, #tpu.memory_space<vmem>>, vector<16xi32>,
    %get3A_71 = arith.constant 48 : index
    %get3A_72 = tpu.vector_load %arg9[%get3A_71] {strides = array<i32>} : memref<80xi32, #tpu.memory_space<vmem>>, vector<16xi32>,
    %add3A_73 = vector.broadcast %mul3A_4 : i32 to vector<16xi32>
    %add3A_74 = arith.addi %get3A_72, %add3A_73 : vector<16xi32>
    %swap3A_75 = arith.constant 48 : index
    %swap3A_76 = tpu.vector_load %arg13[%swap3A_75] {strides = array<i32>} : memref<80xi32, #tpu.memory_space<vmem>>, vector<16xi32>,
    tpu.vector_store %arg13[%swap3A_75], %add3A_74 {strides = array<i32>} : memref<80xi32, #tpu.memory_space<vmem>>, vector<16xi32>,
    %get3A_77 = arith.constant 48 : index
    %get3A_78 = tpu.vector_load %arg10[%get3A_77] {strides = array<i32>} : memref<80xi32, #tpu.memory_space<vmem>>, vector<16xi32>,
    %add3A_79 = vector.broadcast %mul3A_4 : i32 to vector<16xi32>
    %add3A_80 = arith.addi %get3A_78, %add3A_79 : vector<16xi32>
    %swap3A_81 = arith.constant 48 : index
    %swap3A_82 = tpu.vector_load %arg14[%swap3A_81] {strides = array<i32>} : memref<80xi32, #tpu.memory_space<vmem>>, vector<16xi32>,
    tpu.vector_store %arg14[%swap3A_81], %add3A_80 {strides = array<i32>} : memref<80xi32, #tpu.memory_space<vmem>>, vector<16xi32>,
    %get3A_83 = arith.constant 64 : index
    %get3A_84 = tpu.vector_load %arg9[%get3A_83] {strides = array<i32>} : memref<80xi32, #tpu.memory_space<vmem>>, vector<16xi32>,
    %add3A_85 = vector.broadcast %mul3A_4 : i32 to vector<16xi32>
    %add3A_86 = arith.addi %get3A_84, %add3A_85 : vector<16xi32>
    %swap3A_87 = arith.constant 64 : index
    %swap3A_88 = tpu.vector_load %arg13[%swap3A_87] {strides = array<i32>} : memref<80xi32, #tpu.memory_space<vmem>>, vector<16xi32>,
    tpu.vector_store %arg13[%swap3A_87], %add3A_86 {strides = array<i32>} : memref<80xi32, #tpu.memory_space<vmem>>, vector<16xi32>,
    %get3A_89 = arith.constant 64 : index
    %get3A_90 = tpu.vector_load %arg10[%get3A_89] {strides = array<i32>} : memref<80xi32, #tpu.memory_space<vmem>>, vector<16xi32>,
    %add3A_91 = vector.broadcast %mul3A_4 : i32 to vector<16xi32>
    %add3A_92 = arith.addi %get3A_90, %add3A_91 : vector<16xi32>
    %swap3A_93 = arith.constant 64 : index
    %swap3A_94 = tpu.vector_load %arg14[%swap3A_93] {strides = array<i32>} : memref<80xi32, #tpu.memory_space<vmem>>, vector<16xi32>,
    tpu.vector_store %arg14[%swap3A_93], %add3A_92 {strides = array<i32>} : memref<80xi32, #tpu.memory_space<vmem>>, vector<16xi32>,
    %dma_start3A_95 = arith.constant 0 : i32
    %dma_start3A_96 = arith.constant 0 : i32
    %dma_start3A_97 = tpu.memref_slice %arg2[%dma_start3A_95, %dma_start3A_96] : memref<20000x128xbf16, #tpu.memory_space<hbm>> -> memref<20000x128xbf16, #tpu.memory_space<hbm>>
    tpu.enqueue_indirect_dma source(%dma_start3A_97 : memref<20000x128xbf16, #tpu.memory_space<hbm>>) target(%arg16 : memref<80x128xbf16, #tpu.memory_space<vmem>>) offsets(%arg13 : memref<80xi32, #tpu.memory_space<vmem>>) semaphore(%arg25 : memref<!tpu.dma_semaphore, #tpu.memory_space<semaphore_mem>>)
    %dma_start3A_98 = arith.constant 0 : i32
    %dma_start3A_99 = arith.constant 0 : i32
    %dma_start3A_100 = tpu.memref_slice %arg3[%dma_start3A_98, %dma_start3A_99] : memref<20000x16xf32, #tpu.memory_space<hbm>> -> memref<20000x16xf32, #tpu.memory_space<hbm>>
    tpu.enqueue_indirect_dma source(%dma_start3A_100 : memref<20000x16xf32, #tpu.memory_space<hbm>>) target(%arg17 : memref<80x16xf32, #tpu.memory_space<vmem>>) offsets(%arg13 : memref<80xi32, #tpu.memory_space<vmem>>) semaphore(%arg25 : memref<!tpu.dma_semaphore, #tpu.memory_space<semaphore_mem>>)
    %dma_start3A_101 = arith.constant 0 : i32
    %dma_start3A_102 = arith.constant 0 : i32
    %dma_start3A_103 = tpu.memref_slice %arg4[%dma_start3A_101, %dma_start3A_102] : memref<20000x16xf32, #tpu.memory_space<hbm>> -> memref<20000x16xf32, #tpu.memory_space<hbm>>
    tpu.enqueue_indirect_dma source(%dma_start3A_103 : memref<20000x16xf32, #tpu.memory_space<hbm>>) target(%arg18 : memref<80x16xf32, #tpu.memory_space<vmem>>) offsets(%arg14 : memref<80xi32, #tpu.memory_space<vmem>>) semaphore(%arg25 : memref<!tpu.dma_semaphore, #tpu.memory_space<semaphore_mem>>)
    %add3A_104 = arith.constant 1 : i32
    %add3A_105 = arith.addi %add3A, %add3A_104 : i32
    %dma_start3A_106 = arith.constant 0 : i32
    %dma_start3A_107 = tpu.memref_slice %arg5[%add3A_105, %dma_start3A_106] : memref<8000x80xi32, #tpu.memory_space<hbm>> -> memref<1x80xi32, #tpu.memory_space<hbm>>
    %dma_start3A_108 = tpu.memref_squeeze %dma_start3A_107 : memref<1x80xi32, #tpu.memory_space<hbm>> -> memref<80xi32, #tpu.memory_space<hbm>>
    %dma_start3A_109 = arith.constant 0 : i32
    %dma_start3A_110 = tpu.memref_slice %arg5[%add3A_105, %dma_start3A_109] : memref<8000x80xi32, #tpu.memory_space<hbm>> -> memref<1x80xi32, #tpu.memory_space<hbm>>
    %dma_start3A_111 = tpu.memref_squeeze %dma_start3A_110 : memref<1x80xi32, #tpu.memory_space<hbm>> -> memref<80xi32, #tpu.memory_space<hbm>>
    tpu.enqueue_dma source(%dma_start3A_111 : memref<80xi32, #tpu.memory_space<hbm>>) target(%arg11 : memref<80xi32, #tpu.memory_space<vmem>>) target_semaphore(%arg24 : memref<!tpu.dma_semaphore, #tpu.memory_space<semaphore_mem>>)
    %add3A_112 = arith.constant 1 : i32
    %add3A_113 = arith.addi %add3A, %add3A_112 : i32
    %dma_start3A_114 = arith.constant 0 : i32
    %dma_start3A_115 = tpu.memref_slice %arg6[%add3A_113, %dma_start3A_114] : memref<8000x80xi32, #tpu.memory_space<hbm>> -> memref<1x80xi32, #tpu.memory_space<hbm>>
    %dma_start3A_116 = tpu.memref_squeeze %dma_start3A_115 : memref<1x80xi32, #tpu.memory_space<hbm>> -> memref<80xi32, #tpu.memory_space<hbm>>
    %dma_start3A_117 = arith.constant 0 : i32
    %dma_start3A_118 = tpu.memref_slice %arg6[%add3A_113, %dma_start3A_117] : memref<8000x80xi32, #tpu.memory_space<hbm>> -> memref<1x80xi32, #tpu.memory_space<hbm>>
    %dma_start3A_119 = tpu.memref_squeeze %dma_start3A_118 : memref<1x80xi32, #tpu.memory_space<hbm>> -> memref<80xi32, #tpu.memory_space<hbm>>
    tpu.enqueue_dma source(%dma_start3A_119 : memref<80xi32, #tpu.memory_space<hbm>>) target(%arg12 : memref<80xi32, #tpu.memory_space<vmem>>) target_semaphore(%arg24 : memref<!tpu.dma_semaphore, #tpu.memory_space<semaphore_mem>>)
    %scan3A = arith.constant 0 : i32
    %scan3A_120 = arith.constant 0 : i32
    %scan3A_121 = arith.constant 125 : i32
    %scan3A_122 = arith.addi %scan3A_120, %scan3A_121 : i32
    %scan3A_123 = arith.constant 1 : i32
    scf.for %scan3A_135 = %scan3A_120 to %scan3A_122 step %scan3A_123  : i32 {
      %mul3A_136 = arith.constant 2 : i32
      %mul3A_137 = arith.muli %mul3A_136, %scan3A_135 : i32
      %dma_wait3A_138 = arith.constant 0 : i32
      %dma_wait3A_139 = arith.constant 0 : i32
      %dma_wait3A_140 = tpu.memref_slice %arg2[%dma_wait3A_138, %dma_wait3A_139] : memref<20000x128xbf16, #tpu.memory_space<hbm>> -> memref<20000x128xbf16, #tpu.memory_space<hbm>>
      tpu.wait_indirect_dma semaphore(%arg25 : memref<!tpu.dma_semaphore, #tpu.memory_space<semaphore_mem>>) src(%dma_wait3A_140 : memref<20000x128xbf16, #tpu.memory_space<hbm>>) dst(%arg16 : memref<80x128xbf16, #tpu.memory_space<vmem>>)
      %dma_wait3A_141 = arith.constant 0 : i32
      %dma_wait3A_142 = arith.constant 0 : i32
      %dma_wait3A_143 = tpu.memref_slice %arg3[%dma_wait3A_141, %dma_wait3A_142] : memref<20000x16xf32, #tpu.memory_space<hbm>> -> memref<20000x16xf32, #tpu.memory_space<hbm>>
      tpu.wait_indirect_dma semaphore(%arg25 : memref<!tpu.dma_semaphore, #tpu.memory_space<semaphore_mem>>) src(%dma_wait3A_143 : memref<20000x16xf32, #tpu.memory_space<hbm>>) dst(%arg17 : memref<80x16xf32, #tpu.memory_space<vmem>>)
      %dma_wait3A_144 = arith.constant 0 : i32
      %dma_wait3A_145 = arith.constant 0 : i32
      %dma_wait3A_146 = tpu.memref_slice %arg4[%dma_wait3A_144, %dma_wait3A_145] : memref<20000x16xf32, #tpu.memory_space<hbm>> -> memref<20000x16xf32, #tpu.memory_space<hbm>>
      tpu.wait_indirect_dma semaphore(%arg25 : memref<!tpu.dma_semaphore, #tpu.memory_space<semaphore_mem>>) src(%dma_wait3A_146 : memref<20000x16xf32, #tpu.memory_space<hbm>>) dst(%arg18 : memref<80x16xf32, #tpu.memory_space<vmem>>)
      %ge3A = arith.constant 1 : i32
      %ge3A_147 = arith.cmpi sge, %mul3A_137, %ge3A : i32
      %convert_element_type3A_148 = arith.extui %ge3A_147 : i1 to i32
      %cond3A_149 = arith.constant 0 : i32
      %cond3A_150 = arith.cmpi ne, %convert_element_type3A_148, %cond3A_149 : i32
      scf.if %cond3A_150 {
        %dma_wait3A_245 = arith.constant 0 : i32
        %dma_wait3A_246 = arith.constant 0 : i32
        %dma_wait3A_247 = tpu.memref_slice %arg27[%dma_wait3A_245, %dma_wait3A_246] : memref<10000x144xf32, #tpu.memory_space<vmem_shared>> -> memref<10000x144xf32, #tpu.memory_space<vmem_shared>>
        tpu.wait_indirect_dma semaphore(%arg26 : memref<!tpu.dma_semaphore, #tpu.memory_space<semaphore_mem>>) src(%arg23 : memref<80x144xf32, #tpu.memory_space<vmem>>) dst(%dma_wait3A_247 : memref<10000x144xf32, #tpu.memory_space<vmem_shared>>)
      } else {
      }
      %get3A_151 = arith.constant 0 : index
      %get3A_152 = tpu.vector_load %arg10[%get3A_151] {strides = array<i32>} : memref<80xi32, #tpu.memory_space<vmem>>, vector<16xi32>,
      %swap3A_153 = arith.constant 0 : index
      %swap3A_154 = tpu.vector_load %arg15[%swap3A_153] {strides = array<i32>} : memref<80xi32, #tpu.memory_space<vmem>>, vector<16xi32>,
      tpu.vector_store %arg15[%swap3A_153], %get3A_152 {strides = array<i32>} : memref<80xi32, #tpu.memory_space<vmem>>, vector<16xi32>,
      %get3A_155 = arith.constant 16 : index
      %get3A_156 = tpu.vector_load %arg10[%get3A_155] {strides = array<i32>} : memref<80xi32, #tpu.memory_space<vmem>>, vector<16xi32>,
      %swap3A_157 = arith.constant 16 : index
      %swap3A_158 = tpu.vector_load %arg15[%swap3A_157] {strides = array<i32>} : memref<80xi32, #tpu.memory_space<vmem>>, vector<16xi32>,
      tpu.vector_store %arg15[%swap3A_157], %get3A_156 {strides = array<i32>} : memref<80xi32, #tpu.memory_space<vmem>>, vector<16xi32>,
      %get3A_159 = arith.constant 32 : index
      %get3A_160 = tpu.vector_load %arg10[%get3A_159] {strides = array<i32>} : memref<80xi32, #tpu.memory_space<vmem>>, vector<16xi32>,
      %swap3A_161 = arith.constant 32 : index
      %swap3A_162 = tpu.vector_load %arg15[%swap3A_161] {strides = array<i32>} : memref<80xi32, #tpu.memory_space<vmem>>, vector<16xi32>,
      tpu.vector_store %arg15[%swap3A_161], %get3A_160 {strides = array<i32>} : memref<80xi32, #tpu.memory_space<vmem>>, vector<16xi32>,
      %get3A_163 = arith.constant 48 : index
      %get3A_164 = tpu.vector_load %arg10[%get3A_163] {strides = array<i32>} : memref<80xi32, #tpu.memory_space<vmem>>, vector<16xi32>,
      %swap3A_165 = arith.constant 48 : index
      %swap3A_166 = tpu.vector_load %arg15[%swap3A_165] {strides = array<i32>} : memref<80xi32, #tpu.memory_space<vmem>>, vector<16xi32>,
      tpu.vector_store %arg15[%swap3A_165], %get3A_164 {strides = array<i32>} : memref<80xi32, #tpu.memory_space<vmem>>, vector<16xi32>,
      %get3A_167 = arith.constant 64 : index
      %get3A_168 = tpu.vector_load %arg10[%get3A_167] {strides = array<i32>} : memref<80xi32, #tpu.memory_space<vmem>>, vector<16xi32>,
      %swap3A_169 = arith.constant 64 : index
      %swap3A_170 = tpu.vector_load %arg15[%swap3A_169] {strides = array<i32>} : memref<80xi32, #tpu.memory_space<vmem>>, vector<16xi32>,
      tpu.vector_store %arg15[%swap3A_169], %get3A_168 {strides = array<i32>} : memref<80xi32, #tpu.memory_space<vmem>>, vector<16xi32>,
      %add3A_171 = arith.constant 1 : i32
      %add3A_172 = arith.addi %mul3A_137, %add3A_171 : i32
      %lt3A = arith.constant 250 : i32
      %lt3A_173 = arith.cmpi slt, %add3A_172, %lt3A : i32
      %convert_element_type3A_174 = arith.extui %lt3A_173 : i1 to i32
      %cond3A_175 = arith.constant 0 : i32
      %cond3A_176 = arith.cmpi ne, %convert_element_type3A_174, %cond3A_175 : i32
      scf.if %cond3A_176 {
        %dma_wait3A_245 = arith.constant 0 : i32
        %dma_wait3A_246 = arith.constant 0 : i32
        %dma_wait3A_247 = tpu.memref_slice %arg5[%dma_wait3A_245, %dma_wait3A_246] : memref<8000x80xi32, #tpu.memory_space<hbm>> -> memref<1x80xi32, #tpu.memory_space<hbm>>
        %dma_wait3A_248 = tpu.memref_squeeze %dma_wait3A_247 : memref<1x80xi32, #tpu.memory_space<hbm>> -> memref<80xi32, #tpu.memory_space<hbm>>
        %dma_wait3A_249 = arith.constant 0 : i32
        %dma_wait3A_250 = tpu.memref_slice %arg5[%dma_wait3A_245, %dma_wait3A_249] : memref<8000x80xi32, #tpu.memory_space<hbm>> -> memref<1x80xi32, #tpu.memory_space<hbm>>
        %dma_wait3A_251 = tpu.memref_squeeze %dma_wait3A_250 : memref<1x80xi32, #tpu.memory_space<hbm>> -> memref<80xi32, #tpu.memory_space<hbm>>
        tpu.wait_dma2 semaphore(%arg24 : memref<!tpu.dma_semaphore, #tpu.memory_space<semaphore_mem>>) src(%dma_wait3A_251 : memref<80xi32, #tpu.memory_space<hbm>>) dst(%arg11 : memref<80xi32, #tpu.memory_space<vmem>>)
        %dma_wait3A_252 = arith.constant 0 : i32
        %dma_wait3A_253 = arith.constant 0 : i32
        %dma_wait3A_254 = tpu.memref_slice %arg6[%dma_wait3A_252, %dma_wait3A_253] : memref<8000x80xi32, #tpu.memory_space<hbm>> -> memref<1x80xi32, #tpu.memory_space<hbm>>
        %dma_wait3A_255 = tpu.memref_squeeze %dma_wait3A_254 : memref<1x80xi32, #tpu.memory_space<hbm>> -> memref<80xi32, #tpu.memory_space<hbm>>
        %dma_wait3A_256 = arith.constant 0 : i32
        %dma_wait3A_257 = tpu.memref_slice %arg6[%dma_wait3A_252, %dma_wait3A_256] : memref<8000x80xi32, #tpu.memory_space<hbm>> -> memref<1x80xi32, #tpu.memory_space<hbm>>
        %dma_wait3A_258 = tpu.memref_squeeze %dma_wait3A_257 : memref<1x80xi32, #tpu.memory_space<hbm>> -> memref<80xi32, #tpu.memory_space<hbm>>
        tpu.wait_dma2 semaphore(%arg24 : memref<!tpu.dma_semaphore, #tpu.memory_space<semaphore_mem>>) src(%dma_wait3A_258 : memref<80xi32, #tpu.memory_space<hbm>>) dst(%arg12 : memref<80xi32, #tpu.memory_space<vmem>>)
        %get3A_259 = arith.constant 0 : index
        %get3A_260 = tpu.vector_load %arg11[%get3A_259] {strides = array<i32>} : memref<80xi32, #tpu.memory_space<vmem>>, vector<16xi32>,
        %add3A_261 = vector.broadcast %mul3A_4 : i32 to vector<16xi32>
        %add3A_262 = arith.addi %get3A_260, %add3A_261 : vector<16xi32>
        %swap3A_263 = arith.constant 0 : index
        %swap3A_264 = tpu.vector_load %arg13[%swap3A_263] {strides = array<i32>} : memref<80xi32, #tpu.memory_space<vmem>>, vector<16xi32>,
        tpu.vector_store %arg13[%swap3A_263], %add3A_262 {strides = array<i32>} : memref<80xi32, #tpu.memory_space<vmem>>, vector<16xi32>,
        %get3A_265 = arith.constant 0 : index
        %get3A_266 = tpu.vector_load %arg12[%get3A_265] {strides = array<i32>} : memref<80xi32, #tpu.memory_space<vmem>>, vector<16xi32>,
        %add3A_267 = vector.broadcast %mul3A_4 : i32 to vector<16xi32>
        %add3A_268 = arith.addi %get3A_266, %add3A_267 : vector<16xi32>
        %swap3A_269 = arith.constant 0 : index
        %swap3A_270 = tpu.vector_load %arg14[%swap3A_269] {strides = array<i32>} : memref<80xi32, #tpu.memory_space<vmem>>, vector<16xi32>,
        tpu.vector_store %arg14[%swap3A_269], %add3A_268 {strides = array<i32>} : memref<80xi32, #tpu.memory_space<vmem>>, vector<16xi32>,
        %get3A_271 = arith.constant 16 : index
        %get3A_272 = tpu.vector_load %arg11[%get3A_271] {strides = array<i32>} : memref<80xi32, #tpu.memory_space<vmem>>, vector<16xi32>,
        %add3A_273 = vector.broadcast %mul3A_4 : i32 to vector<16xi32>
        %add3A_274 = arith.addi %get3A_272, %add3A_273 : vector<16xi32>
        %swap3A_275 = arith.constant 16 : index
        %swap3A_276 = tpu.vector_load %arg13[%swap3A_275] {strides = array<i32>} : memref<80xi32, #tpu.memory_space<vmem>>, vector<16xi32>,
        tpu.vector_store %arg13[%swap3A_275], %add3A_274 {strides = array<i32>} : memref<80xi32, #tpu.memory_space<vmem>>, vector<16xi32>,
        %get3A_277 = arith.constant 16 : index
        %get3A_278 = tpu.vector_load %arg12[%get3A_277] {strides = array<i32>} : memref<80xi32, #tpu.memory_space<vmem>>, vector<16xi32>,
        %add3A_279 = vector.broadcast %mul3A_4 : i32 to vector<16xi32>
        %add3A_280 = arith.addi %get3A_278, %add3A_279 : vector<16xi32>
        %swap3A_281 = arith.constant 16 : index
        %swap3A_282 = tpu.vector_load %arg14[%swap3A_281] {strides = array<i32>} : memref<80xi32, #tpu.memory_space<vmem>>, vector<16xi32>,
        tpu.vector_store %arg14[%swap3A_281], %add3A_280 {strides = array<i32>} : memref<80xi32, #tpu.memory_space<vmem>>, vector<16xi32>,
        %get3A_283 = arith.constant 32 : index
        %get3A_284 = tpu.vector_load %arg11[%get3A_283] {strides = array<i32>} : memref<80xi32, #tpu.memory_space<vmem>>, vector<16xi32>,
        %add3A_285 = vector.broadcast %mul3A_4 : i32 to vector<16xi32>
        %add3A_286 = arith.addi %get3A_284, %add3A_285 : vector<16xi32>
        %swap3A_287 = arith.constant 32 : index
        %swap3A_288 = tpu.vector_load %arg13[%swap3A_287] {strides = array<i32>} : memref<80xi32, #tpu.memory_space<vmem>>, vector<16xi32>,
        tpu.vector_store %arg13[%swap3A_287], %add3A_286 {strides = array<i32>} : memref<80xi32, #tpu.memory_space<vmem>>, vector<16xi32>,
        %get3A_289 = arith.constant 32 : index
        %get3A_290 = tpu.vector_load %arg12[%get3A_289] {strides = array<i32>} : memref<80xi32, #tpu.memory_space<vmem>>, vector<16xi32>,
        %add3A_291 = vector.broadcast %mul3A_4 : i32 to vector<16xi32>
        %add3A_292 = arith.addi %get3A_290, %add3A_291 : vector<16xi32>
        %swap3A_293 = arith.constant 32 : index
        %swap3A_294 = tpu.vector_load %arg14[%swap3A_293] {strides = array<i32>} : memref<80xi32, #tpu.memory_space<vmem>>, vector<16xi32>,
        tpu.vector_store %arg14[%swap3A_293], %add3A_292 {strides = array<i32>} : memref<80xi32, #tpu.memory_space<vmem>>, vector<16xi32>,
        %get3A_295 = arith.constant 48 : index
        %get3A_296 = tpu.vector_load %arg11[%get3A_295] {strides = array<i32>} : memref<80xi32, #tpu.memory_space<vmem>>, vector<16xi32>,
        %add3A_297 = vector.broadcast %mul3A_4 : i32 to vector<16xi32>
        %add3A_298 = arith.addi %get3A_296, %add3A_297 : vector<16xi32>
        %swap3A_299 = arith.constant 48 : index
        %swap3A_300 = tpu.vector_load %arg13[%swap3A_299] {strides = array<i32>} : memref<80xi32, #tpu.memory_space<vmem>>, vector<16xi32>,
        tpu.vector_store %arg13[%swap3A_299], %add3A_298 {strides = array<i32>} : memref<80xi32, #tpu.memory_space<vmem>>, vector<16xi32>,
        %get3A_301 = arith.constant 48 : index
        %get3A_302 = tpu.vector_load %arg12[%get3A_301] {strides = array<i32>} : memref<80xi32, #tpu.memory_space<vmem>>, vector<16xi32>,
        %add3A_303 = vector.broadcast %mul3A_4 : i32 to vector<16xi32>
        %add3A_304 = arith.addi %get3A_302, %add3A_303 : vector<16xi32>
        %swap3A_305 = arith.constant 48 : index
        %swap3A_306 = tpu.vector_load %arg14[%swap3A_305] {strides = array<i32>} : memref<80xi32, #tpu.memory_space<vmem>>, vector<16xi32>,
        tpu.vector_store %arg14[%swap3A_305], %add3A_304 {strides = array<i32>} : memref<80xi32, #tpu.memory_space<vmem>>, vector<16xi32>,
        %get3A_307 = arith.constant 64 : index
        %get3A_308 = tpu.vector_load %arg11[%get3A_307] {strides = array<i32>} : memref<80xi32, #tpu.memory_space<vmem>>, vector<16xi32>,
        %add3A_309 = vector.broadcast %mul3A_4 : i32 to vector<16xi32>
        %add3A_310 = arith.addi %get3A_308, %add3A_309 : vector<16xi32>
        %swap3A_311 = arith.constant 64 : index
        %swap3A_312 = tpu.vector_load %arg13[%swap3A_311] {strides = array<i32>} : memref<80xi32, #tpu.memory_space<vmem>>, vector<16xi32>,
        tpu.vector_store %arg13[%swap3A_311], %add3A_310 {strides = array<i32>} : memref<80xi32, #tpu.memory_space<vmem>>, vector<16xi32>,
        %get3A_313 = arith.constant 64 : index
        %get3A_314 = tpu.vector_load %arg12[%get3A_313] {strides = array<i32>} : memref<80xi32, #tpu.memory_space<vmem>>, vector<16xi32>,
        %add3A_315 = vector.broadcast %mul3A_4 : i32 to vector<16xi32>
        %add3A_316 = arith.addi %get3A_314, %add3A_315 : vector<16xi32>
        %swap3A_317 = arith.constant 64 : index
        %swap3A_318 = tpu.vector_load %arg14[%swap3A_317] {strides = array<i32>} : memref<80xi32, #tpu.memory_space<vmem>>, vector<16xi32>,
        tpu.vector_store %arg14[%swap3A_317], %add3A_316 {strides = array<i32>} : memref<80xi32, #tpu.memory_space<vmem>>, vector<16xi32>,
        %dma_start3A_319 = arith.constant 0 : i32
        %dma_start3A_320 = arith.constant 0 : i32
        %dma_start3A_321 = tpu.memref_slice %arg2[%dma_start3A_319, %dma_start3A_320] : memref<20000x128xbf16, #tpu.memory_space<hbm>> -> memref<20000x128xbf16, #tpu.memory_space<hbm>>
        tpu.enqueue_indirect_dma source(%dma_start3A_321 : memref<20000x128xbf16, #tpu.memory_space<hbm>>) target(%arg20 : memref<80x128xbf16, #tpu.memory_space<vmem>>) offsets(%arg13 : memref<80xi32, #tpu.memory_space<vmem>>) semaphore(%arg25 : memref<!tpu.dma_semaphore, #tpu.memory_space<semaphore_mem>>)
        %dma_start3A_322 = arith.constant 0 : i32
        %dma_start3A_323 = arith.constant 0 : i32
        %dma_start3A_324 = tpu.memref_slice %arg3[%dma_start3A_322, %dma_start3A_323] : memref<20000x16xf32, #tpu.memory_space<hbm>> -> memref<20000x16xf32, #tpu.memory_space<hbm>>
        tpu.enqueue_indirect_dma source(%dma_start3A_324 : memref<20000x16xf32, #tpu.memory_space<hbm>>) target(%arg21 : memref<80x16xf32, #tpu.memory_space<vmem>>) offsets(%arg13 : memref<80xi32, #tpu.memory_space<vmem>>) semaphore(%arg25 : memref<!tpu.dma_semaphore, #tpu.memory_space<semaphore_mem>>)
        %dma_start3A_325 = arith.constant 0 : i32
        %dma_start3A_326 = arith.constant 0 : i32
        %dma_start3A_327 = tpu.memref_slice %arg4[%dma_start3A_325, %dma_start3A_326] : memref<20000x16xf32, #tpu.memory_space<hbm>> -> memref<20000x16xf32, #tpu.memory_space<hbm>>
        tpu.enqueue_indirect_dma source(%dma_start3A_327 : memref<20000x16xf32, #tpu.memory_space<hbm>>) target(%arg22 : memref<80x16xf32, #tpu.memory_space<vmem>>) offsets(%arg14 : memref<80xi32, #tpu.memory_space<vmem>>) semaphore(%arg25 : memref<!tpu.dma_semaphore, #tpu.memory_space<semaphore_mem>>)
      } else {
      }
      %add3A_177 = arith.constant 2 : i32
      %add3A_178 = arith.addi %mul3A_137, %add3A_177 : i32
      %lt3A_179 = arith.constant 250 : i32
      %lt3A_180 = arith.cmpi slt, %add3A_178, %lt3A_179 : i32
      %convert_element_type3A_181 = arith.extui %lt3A_180 : i1 to i32
      %cond3A_182 = arith.constant 0 : i32
      %cond3A_183 = arith.cmpi ne, %convert_element_type3A_181, %cond3A_182 : i32
      scf.if %cond3A_183 {
        %add3A_245 = arith.constant 2 : i32
        %add3A_246 = arith.addi %mul3A_137, %add3A_245 : i32
        %add3A_247 = arith.addi %add3A, %add3A_246 : i32
        %dma_start3A_248 = arith.constant 0 : i32
        %dma_start3A_249 = tpu.memref_slice %arg5[%add3A_247, %dma_start3A_248] : memref<8000x80xi32, #tpu.memory_space<hbm>> -> memref<1x80xi32, #tpu.memory_space<hbm>>
        %dma_start3A_250 = tpu.memref_squeeze %dma_start3A_249 : memref<1x80xi32, #tpu.memory_space<hbm>> -> memref<80xi32, #tpu.memory_space<hbm>>
        %dma_start3A_251 = arith.constant 0 : i32
        %dma_start3A_252 = tpu.memref_slice %arg5[%add3A_247, %dma_start3A_251] : memref<8000x80xi32, #tpu.memory_space<hbm>> -> memref<1x80xi32, #tpu.memory_space<hbm>>
        %dma_start3A_253 = tpu.memref_squeeze %dma_start3A_252 : memref<1x80xi32, #tpu.memory_space<hbm>> -> memref<80xi32, #tpu.memory_space<hbm>>
        tpu.enqueue_dma source(%dma_start3A_253 : memref<80xi32, #tpu.memory_space<hbm>>) target(%arg9 : memref<80xi32, #tpu.memory_space<vmem>>) target_semaphore(%arg24 : memref<!tpu.dma_semaphore, #tpu.memory_space<semaphore_mem>>)
        %add3A_254 = arith.addi %add3A, %add3A_246 : i32
        %dma_start3A_255 = arith.constant 0 : i32
        %dma_start3A_256 = tpu.memref_slice %arg6[%add3A_254, %dma_start3A_255] : memref<8000x80xi32, #tpu.memory_space<hbm>> -> memref<1x80xi32, #tpu.memory_space<hbm>>
        %dma_start3A_257 = tpu.memref_squeeze %dma_start3A_256 : memref<1x80xi32, #tpu.memory_space<hbm>> -> memref<80xi32, #tpu.memory_space<hbm>>
        %dma_start3A_258 = arith.constant 0 : i32
        %dma_start3A_259 = tpu.memref_slice %arg6[%add3A_254, %dma_start3A_258] : memref<8000x80xi32, #tpu.memory_space<hbm>> -> memref<1x80xi32, #tpu.memory_space<hbm>>
        %dma_start3A_260 = tpu.memref_squeeze %dma_start3A_259 : memref<1x80xi32, #tpu.memory_space<hbm>> -> memref<80xi32, #tpu.memory_space<hbm>>
        tpu.enqueue_dma source(%dma_start3A_260 : memref<80xi32, #tpu.memory_space<hbm>>) target(%arg10 : memref<80xi32, #tpu.memory_space<vmem>>) target_semaphore(%arg24 : memref<!tpu.dma_semaphore, #tpu.memory_space<semaphore_mem>>)
      } else {
      }
      %parallel_loop3A = arith.constant 0 : i32
      %parallel_loop3A_184 = arith.constant 80 : i32
      %parallel_loop3A_185 = arith.constant 1 : i32
      scf.for %parallel_loop3A_245 = %parallel_loop3A to %parallel_loop3A_184 step %parallel_loop3A_185  : i32 {
        %parallel_loop3A_246 = arith.index_cast %parallel_loop3A_245 : i32 to index
        %parallel_loop3A_247 = arith.constant 0 : index
        %parallel_loop3A_248 = tpu.vector_load %arg17[%parallel_loop3A_246, %parallel_loop3A_247] {strides = array<i32>} : memref<80x16xf32, #tpu.memory_space<vmem>>, vector<16xf32>,
        %parallel_loop3A_249 = arith.index_cast %parallel_loop3A_245 : i32 to index
        %parallel_loop3A_250 = arith.constant 0 : index
        %parallel_loop3A_251 = tpu.vector_load %arg18[%parallel_loop3A_249, %parallel_loop3A_250] {strides = array<i32>} : memref<80x16xf32, #tpu.memory_space<vmem>>, vector<16xf32>,
        %parallel_loop3A_252 = arith.addf %parallel_loop3A_248, %parallel_loop3A_251 : vector<16xf32>
        %parallel_loop3A_253 = arith.constant 0.000000e+00 : f32
        %parallel_loop3A_254 = vector.broadcast %parallel_loop3A_253 : f32 to vector<16xf32>
        %parallel_loop3A_255 = arith.cmpf oge, %parallel_loop3A_252, %parallel_loop3A_254 : vector<16xf32>
        %parallel_loop3A_256 = arith.constant 2.000000e-01 : f32
        %parallel_loop3A_257 = vector.broadcast %parallel_loop3A_256 : f32 to vector<16xf32>
        %parallel_loop3A_258 = arith.mulf %parallel_loop3A_257, %parallel_loop3A_252 : vector<16xf32>
        %parallel_loop3A_259 = arith.select %parallel_loop3A_255, %parallel_loop3A_252, %parallel_loop3A_258 : vector<16xi1>, vector<16xf32>
        %parallel_loop3A_260 = math.exp %parallel_loop3A_259 : vector<16xf32>
        %parallel_loop3A_261 = arith.index_cast %parallel_loop3A_245 : i32 to index
        %parallel_loop3A_262 = arith.constant 128 : index
        %parallel_loop3A_263 = tpu.vector_load %arg19[%parallel_loop3A_261, %parallel_loop3A_262] {strides = array<i32>} : memref<80x144xf32, #tpu.memory_space<vmem>>, vector<16xf32>,
        tpu.vector_store %arg19[%parallel_loop3A_261, %parallel_loop3A_262], %parallel_loop3A_260 {strides = array<i32>} : memref<80x144xf32, #tpu.memory_space<vmem>>, vector<16xf32>,
        %parallel_loop3A_264 = arith.index_cast %parallel_loop3A_245 : i32 to index
        %parallel_loop3A_265 = arith.constant 0 : index
        %parallel_loop3A_266 = tpu.vector_load %arg16[%parallel_loop3A_264, %parallel_loop3A_265] {strides = array<i32>} : memref<80x128xbf16, #tpu.memory_space<vmem>>, vector<32xbf16>,
        %parallel_loop3A_267 = tpu.unpack_subelements %parallel_loop3A_266, 0 {pack_format = #tpu.pack_format<interleaved>} : vector<32xbf16> -> vector<16xf32>
        %parallel_loop3A_268 = tpu.unpack_subelements %parallel_loop3A_266, 1 {pack_format = #tpu.pack_format<interleaved>} : vector<32xbf16> -> vector<16xf32>
        %parallel_loop3A_269 = arith.constant 0 : i32
        %parallel_loop3A_270 = vector.broadcast %parallel_loop3A_269 : i32 to vector<16x1xi32>
        %parallel_loop3A_271 = vector.shape_cast %parallel_loop3A_270 : vector<16x1xi32> to vector<16xi32>
        %parallel_loop3A_272 = tpu.dynamic_gather %parallel_loop3A_260[%parallel_loop3A_271] in [0] : vector<16xf32>, vector<16xi32> -> vector<16xf32>
        %parallel_loop3A_273 = arith.mulf %parallel_loop3A_267, %parallel_loop3A_272 : vector<16xf32>
        %parallel_loop3A_274 = arith.index_cast %parallel_loop3A_245 : i32 to index
        %parallel_loop3A_275 = arith.constant 0 : index
        %parallel_loop3A_276 = tpu.vector_load %arg19[%parallel_loop3A_274, %parallel_loop3A_275] {strides = array<i32>} : memref<80x144xf32, #tpu.memory_space<vmem>>, vector<16xf32>,
        tpu.vector_store %arg19[%parallel_loop3A_274, %parallel_loop3A_275], %parallel_loop3A_273 {strides = array<i32>} : memref<80x144xf32, #tpu.memory_space<vmem>>, vector<16xf32>,
        %parallel_loop3A_277 = arith.constant 1 : i32
        %parallel_loop3A_278 = vector.broadcast %parallel_loop3A_277 : i32 to vector<16x1xi32>
        %parallel_loop3A_279 = vector.shape_cast %parallel_loop3A_278 : vector<16x1xi32> to vector<16xi32>
        %parallel_loop3A_280 = tpu.dynamic_gather %parallel_loop3A_260[%parallel_loop3A_279] in [0] : vector<16xf32>, vector<16xi32> -> vector<16xf32>
        %parallel_loop3A_281 = arith.mulf %parallel_loop3A_268, %parallel_loop3A_280 : vector<16xf32>
        %parallel_loop3A_282 = arith.index_cast %parallel_loop3A_245 : i32 to index
        %parallel_loop3A_283 = arith.constant 16 : index
        %parallel_loop3A_284 = tpu.vector_load %arg19[%parallel_loop3A_282, %parallel_loop3A_283] {strides = array<i32>} : memref<80x144xf32, #tpu.memory_space<vmem>>, vector<16xf32>,
        tpu.vector_store %arg19[%parallel_loop3A_282, %parallel_loop3A_283], %parallel_loop3A_281 {strides = array<i32>} : memref<80x144xf32, #tpu.memory_space<vmem>>, vector<16xf32>,
        %parallel_loop3A_285 = arith.index_cast %parallel_loop3A_245 : i32 to index
        %parallel_loop3A_286 = arith.constant 32 : index
        %parallel_loop3A_287 = tpu.vector_load %arg16[%parallel_loop3A_285, %parallel_loop3A_286] {strides = array<i32>} : memref<80x128xbf16, #tpu.memory_space<vmem>>, vector<32xbf16>,
        %parallel_loop3A_288 = tpu.unpack_subelements %parallel_loop3A_287, 0 {pack_format = #tpu.pack_format<interleaved>} : vector<32xbf16> -> vector<16xf32>
        %parallel_loop3A_289 = tpu.unpack_subelements %parallel_loop3A_287, 1 {pack_format = #tpu.pack_format<interleaved>} : vector<32xbf16> -> vector<16xf32>
        %parallel_loop3A_290 = arith.constant 2 : i32
        %parallel_loop3A_291 = vector.broadcast %parallel_loop3A_290 : i32 to vector<16x1xi32>
        %parallel_loop3A_292 = vector.shape_cast %parallel_loop3A_291 : vector<16x1xi32> to vector<16xi32>
        %parallel_loop3A_293 = tpu.dynamic_gather %parallel_loop3A_260[%parallel_loop3A_292] in [0] : vector<16xf32>, vector<16xi32> -> vector<16xf32>
        %parallel_loop3A_294 = arith.mulf %parallel_loop3A_288, %parallel_loop3A_293 : vector<16xf32>
        %parallel_loop3A_295 = arith.index_cast %parallel_loop3A_245 : i32 to index
        %parallel_loop3A_296 = arith.constant 32 : index
        %parallel_loop3A_297 = tpu.vector_load %arg19[%parallel_loop3A_295, %parallel_loop3A_296] {strides = array<i32>} : memref<80x144xf32, #tpu.memory_space<vmem>>, vector<16xf32>,
        tpu.vector_store %arg19[%parallel_loop3A_295, %parallel_loop3A_296], %parallel_loop3A_294 {strides = array<i32>} : memref<80x144xf32, #tpu.memory_space<vmem>>, vector<16xf32>,
        %parallel_loop3A_298 = arith.constant 3 : i32
        %parallel_loop3A_299 = vector.broadcast %parallel_loop3A_298 : i32 to vector<16x1xi32>
        %parallel_loop3A_300 = vector.shape_cast %parallel_loop3A_299 : vector<16x1xi32> to vector<16xi32>
        %parallel_loop3A_301 = tpu.dynamic_gather %parallel_loop3A_260[%parallel_loop3A_300] in [0] : vector<16xf32>, vector<16xi32> -> vector<16xf32>
        %parallel_loop3A_302 = arith.mulf %parallel_loop3A_289, %parallel_loop3A_301 : vector<16xf32>
        %parallel_loop3A_303 = arith.index_cast %parallel_loop3A_245 : i32 to index
        %parallel_loop3A_304 = arith.constant 48 : index
        %parallel_loop3A_305 = tpu.vector_load %arg19[%parallel_loop3A_303, %parallel_loop3A_304] {strides = array<i32>} : memref<80x144xf32, #tpu.memory_space<vmem>>, vector<16xf32>,
        tpu.vector_store %arg19[%parallel_loop3A_303, %parallel_loop3A_304], %parallel_loop3A_302 {strides = array<i32>} : memref<80x144xf32, #tpu.memory_space<vmem>>, vector<16xf32>,
        %parallel_loop3A_306 = arith.index_cast %parallel_loop3A_245 : i32 to index
        %parallel_loop3A_307 = arith.constant 64 : index
        %parallel_loop3A_308 = tpu.vector_load %arg16[%parallel_loop3A_306, %parallel_loop3A_307] {strides = array<i32>} : memref<80x128xbf16, #tpu.memory_space<vmem>>, vector<32xbf16>,
        %parallel_loop3A_309 = tpu.unpack_subelements %parallel_loop3A_308, 0 {pack_format = #tpu.pack_format<interleaved>} : vector<32xbf16> -> vector<16xf32>
        %parallel_loop3A_310 = tpu.unpack_subelements %parallel_loop3A_308, 1 {pack_format = #tpu.pack_format<interleaved>} : vector<32xbf16> -> vector<16xf32>
        %parallel_loop3A_311 = arith.constant 4 : i32
        %parallel_loop3A_312 = vector.broadcast %parallel_loop3A_311 : i32 to vector<16x1xi32>
        %parallel_loop3A_313 = vector.shape_cast %parallel_loop3A_312 : vector<16x1xi32> to vector<16xi32>
        %parallel_loop3A_314 = tpu.dynamic_gather %parallel_loop3A_260[%parallel_loop3A_313] in [0] : vector<16xf32>, vector<16xi32> -> vector<16xf32>
        %parallel_loop3A_315 = arith.mulf %parallel_loop3A_309, %parallel_loop3A_314 : vector<16xf32>
        %parallel_loop3A_316 = arith.index_cast %parallel_loop3A_245 : i32 to index
        %parallel_loop3A_317 = arith.constant 64 : index
        %parallel_loop3A_318 = tpu.vector_load %arg19[%parallel_loop3A_316, %parallel_loop3A_317] {strides = array<i32>} : memref<80x144xf32, #tpu.memory_space<vmem>>, vector<16xf32>,
        tpu.vector_store %arg19[%parallel_loop3A_316, %parallel_loop3A_317], %parallel_loop3A_315 {strides = array<i32>} : memref<80x144xf32, #tpu.memory_space<vmem>>, vector<16xf32>,
        %parallel_loop3A_319 = arith.constant 5 : i32
        %parallel_loop3A_320 = vector.broadcast %parallel_loop3A_319 : i32 to vector<16x1xi32>
        %parallel_loop3A_321 = vector.shape_cast %parallel_loop3A_320 : vector<16x1xi32> to vector<16xi32>
        %parallel_loop3A_322 = tpu.dynamic_gather %parallel_loop3A_260[%parallel_loop3A_321] in [0] : vector<16xf32>, vector<16xi32> -> vector<16xf32>
        %parallel_loop3A_323 = arith.mulf %parallel_loop3A_310, %parallel_loop3A_322 : vector<16xf32>
        %parallel_loop3A_324 = arith.index_cast %parallel_loop3A_245 : i32 to index
        %parallel_loop3A_325 = arith.constant 80 : index
        %parallel_loop3A_326 = tpu.vector_load %arg19[%parallel_loop3A_324, %parallel_loop3A_325] {strides = array<i32>} : memref<80x144xf32, #tpu.memory_space<vmem>>, vector<16xf32>,
        tpu.vector_store %arg19[%parallel_loop3A_324, %parallel_loop3A_325], %parallel_loop3A_323 {strides = array<i32>} : memref<80x144xf32, #tpu.memory_space<vmem>>, vector<16xf32>,
        %parallel_loop3A_327 = arith.index_cast %parallel_loop3A_245 : i32 to index
        %parallel_loop3A_328 = arith.constant 96 : index
        %parallel_loop3A_329 = tpu.vector_load %arg16[%parallel_loop3A_327, %parallel_loop3A_328] {strides = array<i32>} : memref<80x128xbf16, #tpu.memory_space<vmem>>, vector<32xbf16>,
        %parallel_loop3A_330 = tpu.unpack_subelements %parallel_loop3A_329, 0 {pack_format = #tpu.pack_format<interleaved>} : vector<32xbf16> -> vector<16xf32>
        %parallel_loop3A_331 = tpu.unpack_subelements %parallel_loop3A_329, 1 {pack_format = #tpu.pack_format<interleaved>} : vector<32xbf16> -> vector<16xf32>
        %parallel_loop3A_332 = arith.constant 6 : i32
        %parallel_loop3A_333 = vector.broadcast %parallel_loop3A_332 : i32 to vector<16x1xi32>
        %parallel_loop3A_334 = vector.shape_cast %parallel_loop3A_333 : vector<16x1xi32> to vector<16xi32>
        %parallel_loop3A_335 = tpu.dynamic_gather %parallel_loop3A_260[%parallel_loop3A_334] in [0] : vector<16xf32>, vector<16xi32> -> vector<16xf32>
        %parallel_loop3A_336 = arith.mulf %parallel_loop3A_330, %parallel_loop3A_335 : vector<16xf32>
        %parallel_loop3A_337 = arith.index_cast %parallel_loop3A_245 : i32 to index
        %parallel_loop3A_338 = arith.constant 96 : index
        %parallel_loop3A_339 = tpu.vector_load %arg19[%parallel_loop3A_337, %parallel_loop3A_338] {strides = array<i32>} : memref<80x144xf32, #tpu.memory_space<vmem>>, vector<16xf32>,
        tpu.vector_store %arg19[%parallel_loop3A_337, %parallel_loop3A_338], %parallel_loop3A_336 {strides = array<i32>} : memref<80x144xf32, #tpu.memory_space<vmem>>, vector<16xf32>,
        %parallel_loop3A_340 = arith.constant 7 : i32
        %parallel_loop3A_341 = vector.broadcast %parallel_loop3A_340 : i32 to vector<16x1xi32>
        %parallel_loop3A_342 = vector.shape_cast %parallel_loop3A_341 : vector<16x1xi32> to vector<16xi32>
        %parallel_loop3A_343 = tpu.dynamic_gather %parallel_loop3A_260[%parallel_loop3A_342] in [0] : vector<16xf32>, vector<16xi32> -> vector<16xf32>
        %parallel_loop3A_344 = arith.mulf %parallel_loop3A_331, %parallel_loop3A_343 : vector<16xf32>
        %parallel_loop3A_345 = arith.index_cast %parallel_loop3A_245 : i32 to index
        %parallel_loop3A_346 = arith.constant 112 : index
        %parallel_loop3A_347 = tpu.vector_load %arg19[%parallel_loop3A_345, %parallel_loop3A_346] {strides = array<i32>} : memref<80x144xf32, #tpu.memory_space<vmem>>, vector<16xf32>,
        tpu.vector_store %arg19[%parallel_loop3A_345, %parallel_loop3A_346], %parallel_loop3A_344 {strides = array<i32>} : memref<80x144xf32, #tpu.memory_space<vmem>>, vector<16xf32>,
      } {sc.loop_unroll_factor = 2 : i64, sc.parallel_access}
      %dma_start3A_186 = arith.constant 0 : i32
      %dma_start3A_187 = arith.constant 0 : i32
      %dma_start3A_188 = tpu.memref_slice %arg27[%dma_start3A_186, %dma_start3A_187] : memref<10000x144xf32, #tpu.memory_space<vmem_shared>> -> memref<10000x144xf32, #tpu.memory_space<vmem_shared>>
      tpu.enqueue_indirect_dma source(%arg19 : memref<80x144xf32, #tpu.memory_space<vmem>>) target(%dma_start3A_188 : memref<10000x144xf32, #tpu.memory_space<vmem_shared>>) offsets(%arg15 : memref<80xi32, #tpu.memory_space<vmem>>) semaphore(%arg26 : memref<!tpu.dma_semaphore, #tpu.memory_space<semaphore_mem>>) {add = true}
      %add3A_189 = arith.constant 1 : i32
      %add3A_190 = arith.addi %mul3A_137, %add3A_189 : i32
      %dma_wait3A_191 = arith.constant 0 : i32
      %dma_wait3A_192 = arith.constant 0 : i32
      %dma_wait3A_193 = tpu.memref_slice %arg2[%dma_wait3A_191, %dma_wait3A_192] : memref<20000x128xbf16, #tpu.memory_space<hbm>> -> memref<20000x128xbf16, #tpu.memory_space<hbm>>
      tpu.wait_indirect_dma semaphore(%arg25 : memref<!tpu.dma_semaphore, #tpu.memory_space<semaphore_mem>>) src(%dma_wait3A_193 : memref<20000x128xbf16, #tpu.memory_space<hbm>>) dst(%arg20 : memref<80x128xbf16, #tpu.memory_space<vmem>>)
      %dma_wait3A_194 = arith.constant 0 : i32
      %dma_wait3A_195 = arith.constant 0 : i32
      %dma_wait3A_196 = tpu.memref_slice %arg3[%dma_wait3A_194, %dma_wait3A_195] : memref<20000x16xf32, #tpu.memory_space<hbm>> -> memref<20000x16xf32, #tpu.memory_space<hbm>>
      tpu.wait_indirect_dma semaphore(%arg25 : memref<!tpu.dma_semaphore, #tpu.memory_space<semaphore_mem>>) src(%dma_wait3A_196 : memref<20000x16xf32, #tpu.memory_space<hbm>>) dst(%arg21 : memref<80x16xf32, #tpu.memory_space<vmem>>)
      %dma_wait3A_197 = arith.constant 0 : i32
      %dma_wait3A_198 = arith.constant 0 : i32
      %dma_wait3A_199 = tpu.memref_slice %arg4[%dma_wait3A_197, %dma_wait3A_198] : memref<20000x16xf32, #tpu.memory_space<hbm>> -> memref<20000x16xf32, #tpu.memory_space<hbm>>
      tpu.wait_indirect_dma semaphore(%arg25 : memref<!tpu.dma_semaphore, #tpu.memory_space<semaphore_mem>>) src(%dma_wait3A_199 : memref<20000x16xf32, #tpu.memory_space<hbm>>) dst(%arg22 : memref<80x16xf32, #tpu.memory_space<vmem>>)
      %ge3A_200 = arith.constant 1 : i32
      %ge3A_201 = arith.cmpi sge, %add3A_190, %ge3A_200 : i32
      %convert_element_type3A_202 = arith.extui %ge3A_201 : i1 to i32
      %cond3A_203 = arith.constant 0 : i32
      %cond3A_204 = arith.cmpi ne, %convert_element_type3A_202, %cond3A_203 : i32
      scf.if %cond3A_204 {
        %dma_wait3A_245 = arith.constant 0 : i32
        %dma_wait3A_246 = arith.constant 0 : i32
        %dma_wait3A_247 = tpu.memref_slice %arg27[%dma_wait3A_245, %dma_wait3A_246] : memref<10000x144xf32, #tpu.memory_space<vmem_shared>> -> memref<10000x144xf32, #tpu.memory_space<vmem_shared>>
        tpu.wait_indirect_dma semaphore(%arg26 : memref<!tpu.dma_semaphore, #tpu.memory_space<semaphore_mem>>) src(%arg19 : memref<80x144xf32, #tpu.memory_space<vmem>>) dst(%dma_wait3A_247 : memref<10000x144xf32, #tpu.memory_space<vmem_shared>>)
      } else {
      }
      %get3A_205 = arith.constant 0 : index
      %get3A_206 = tpu.vector_load %arg12[%get3A_205] {strides = array<i32>} : memref<80xi32, #tpu.memory_space<vmem>>, vector<16xi32>,
      %swap3A_207 = arith.constant 0 : index
      %swap3A_208 = tpu.vector_load %arg15[%swap3A_207] {strides = array<i32>} : memref<80xi32, #tpu.memory_space<vmem>>, vector<16xi32>,
      tpu.vector_store %arg15[%swap3A_207], %get3A_206 {strides = array<i32>} : memref<80xi32, #tpu.memory_space<vmem>>, vector<16xi32>,
      %get3A_209 = arith.constant 16 : index
      %get3A_210 = tpu.vector_load %arg12[%get3A_209] {strides = array<i32>} : memref<80xi32, #tpu.memory_space<vmem>>, vector<16xi32>,
      %swap3A_211 = arith.constant 16 : index
      %swap3A_212 = tpu.vector_load %arg15[%swap3A_211] {strides = array<i32>} : memref<80xi32, #tpu.memory_space<vmem>>, vector<16xi32>,
      tpu.vector_store %arg15[%swap3A_211], %get3A_210 {strides = array<i32>} : memref<80xi32, #tpu.memory_space<vmem>>, vector<16xi32>,
      %get3A_213 = arith.constant 32 : index
      %get3A_214 = tpu.vector_load %arg12[%get3A_213] {strides = array<i32>} : memref<80xi32, #tpu.memory_space<vmem>>, vector<16xi32>,
      %swap3A_215 = arith.constant 32 : index
      %swap3A_216 = tpu.vector_load %arg15[%swap3A_215] {strides = array<i32>} : memref<80xi32, #tpu.memory_space<vmem>>, vector<16xi32>,
      tpu.vector_store %arg15[%swap3A_215], %get3A_214 {strides = array<i32>} : memref<80xi32, #tpu.memory_space<vmem>>, vector<16xi32>,
      %get3A_217 = arith.constant 48 : index
      %get3A_218 = tpu.vector_load %arg12[%get3A_217] {strides = array<i32>} : memref<80xi32, #tpu.memory_space<vmem>>, vector<16xi32>,
      %swap3A_219 = arith.constant 48 : index
      %swap3A_220 = tpu.vector_load %arg15[%swap3A_219] {strides = array<i32>} : memref<80xi32, #tpu.memory_space<vmem>>, vector<16xi32>,
      tpu.vector_store %arg15[%swap3A_219], %get3A_218 {strides = array<i32>} : memref<80xi32, #tpu.memory_space<vmem>>, vector<16xi32>,
      %get3A_221 = arith.constant 64 : index
      %get3A_222 = tpu.vector_load %arg12[%get3A_221] {strides = array<i32>} : memref<80xi32, #tpu.memory_space<vmem>>, vector<16xi32>,
      %swap3A_223 = arith.constant 64 : index
      %swap3A_224 = tpu.vector_load %arg15[%swap3A_223] {strides = array<i32>} : memref<80xi32, #tpu.memory_space<vmem>>, vector<16xi32>,
      tpu.vector_store %arg15[%swap3A_223], %get3A_222 {strides = array<i32>} : memref<80xi32, #tpu.memory_space<vmem>>, vector<16xi32>,
      %add3A_225 = arith.constant 1 : i32
      %add3A_226 = arith.addi %add3A_190, %add3A_225 : i32
      %lt3A_227 = arith.constant 250 : i32
      %lt3A_228 = arith.cmpi slt, %add3A_226, %lt3A_227 : i32
      %convert_element_type3A_229 = arith.extui %lt3A_228 : i1 to i32
      %cond3A_230 = arith.constant 0 : i32
      %cond3A_231 = arith.cmpi ne, %convert_element_type3A_229, %cond3A_230 : i32
      scf.if %cond3A_231 {
        %dma_wait3A_245 = arith.constant 0 : i32
        %dma_wait3A_246 = arith.constant 0 : i32
        %dma_wait3A_247 = tpu.memref_slice %arg5[%dma_wait3A_245, %dma_wait3A_246] : memref<8000x80xi32, #tpu.memory_space<hbm>> -> memref<1x80xi32, #tpu.memory_space<hbm>>
        %dma_wait3A_248 = tpu.memref_squeeze %dma_wait3A_247 : memref<1x80xi32, #tpu.memory_space<hbm>> -> memref<80xi32, #tpu.memory_space<hbm>>
        %dma_wait3A_249 = arith.constant 0 : i32
        %dma_wait3A_250 = tpu.memref_slice %arg5[%dma_wait3A_245, %dma_wait3A_249] : memref<8000x80xi32, #tpu.memory_space<hbm>> -> memref<1x80xi32, #tpu.memory_space<hbm>>
        %dma_wait3A_251 = tpu.memref_squeeze %dma_wait3A_250 : memref<1x80xi32, #tpu.memory_space<hbm>> -> memref<80xi32, #tpu.memory_space<hbm>>
        tpu.wait_dma2 semaphore(%arg24 : memref<!tpu.dma_semaphore, #tpu.memory_space<semaphore_mem>>) src(%dma_wait3A_251 : memref<80xi32, #tpu.memory_space<hbm>>) dst(%arg9 : memref<80xi32, #tpu.memory_space<vmem>>)
        %dma_wait3A_252 = arith.constant 0 : i32
        %dma_wait3A_253 = arith.constant 0 : i32
        %dma_wait3A_254 = tpu.memref_slice %arg6[%dma_wait3A_252, %dma_wait3A_253] : memref<8000x80xi32, #tpu.memory_space<hbm>> -> memref<1x80xi32, #tpu.memory_space<hbm>>
        %dma_wait3A_255 = tpu.memref_squeeze %dma_wait3A_254 : memref<1x80xi32, #tpu.memory_space<hbm>> -> memref<80xi32, #tpu.memory_space<hbm>>
        %dma_wait3A_256 = arith.constant 0 : i32
        %dma_wait3A_257 = tpu.memref_slice %arg6[%dma_wait3A_252, %dma_wait3A_256] : memref<8000x80xi32, #tpu.memory_space<hbm>> -> memref<1x80xi32, #tpu.memory_space<hbm>>
        %dma_wait3A_258 = tpu.memref_squeeze %dma_wait3A_257 : memref<1x80xi32, #tpu.memory_space<hbm>> -> memref<80xi32, #tpu.memory_space<hbm>>
        tpu.wait_dma2 semaphore(%arg24 : memref<!tpu.dma_semaphore, #tpu.memory_space<semaphore_mem>>) src(%dma_wait3A_258 : memref<80xi32, #tpu.memory_space<hbm>>) dst(%arg10 : memref<80xi32, #tpu.memory_space<vmem>>)
        %get3A_259 = arith.constant 0 : index
        %get3A_260 = tpu.vector_load %arg9[%get3A_259] {strides = array<i32>} : memref<80xi32, #tpu.memory_space<vmem>>, vector<16xi32>,
        %add3A_261 = vector.broadcast %mul3A_4 : i32 to vector<16xi32>
        %add3A_262 = arith.addi %get3A_260, %add3A_261 : vector<16xi32>
        %swap3A_263 = arith.constant 0 : index
        %swap3A_264 = tpu.vector_load %arg13[%swap3A_263] {strides = array<i32>} : memref<80xi32, #tpu.memory_space<vmem>>, vector<16xi32>,
        tpu.vector_store %arg13[%swap3A_263], %add3A_262 {strides = array<i32>} : memref<80xi32, #tpu.memory_space<vmem>>, vector<16xi32>,
        %get3A_265 = arith.constant 0 : index
        %get3A_266 = tpu.vector_load %arg10[%get3A_265] {strides = array<i32>} : memref<80xi32, #tpu.memory_space<vmem>>, vector<16xi32>,
        %add3A_267 = vector.broadcast %mul3A_4 : i32 to vector<16xi32>
        %add3A_268 = arith.addi %get3A_266, %add3A_267 : vector<16xi32>
        %swap3A_269 = arith.constant 0 : index
        %swap3A_270 = tpu.vector_load %arg14[%swap3A_269] {strides = array<i32>} : memref<80xi32, #tpu.memory_space<vmem>>, vector<16xi32>,
        tpu.vector_store %arg14[%swap3A_269], %add3A_268 {strides = array<i32>} : memref<80xi32, #tpu.memory_space<vmem>>, vector<16xi32>,
        %get3A_271 = arith.constant 16 : index
        %get3A_272 = tpu.vector_load %arg9[%get3A_271] {strides = array<i32>} : memref<80xi32, #tpu.memory_space<vmem>>, vector<16xi32>,
        %add3A_273 = vector.broadcast %mul3A_4 : i32 to vector<16xi32>
        %add3A_274 = arith.addi %get3A_272, %add3A_273 : vector<16xi32>
        %swap3A_275 = arith.constant 16 : index
        %swap3A_276 = tpu.vector_load %arg13[%swap3A_275] {strides = array<i32>} : memref<80xi32, #tpu.memory_space<vmem>>, vector<16xi32>,
        tpu.vector_store %arg13[%swap3A_275], %add3A_274 {strides = array<i32>} : memref<80xi32, #tpu.memory_space<vmem>>, vector<16xi32>,
        %get3A_277 = arith.constant 16 : index
        %get3A_278 = tpu.vector_load %arg10[%get3A_277] {strides = array<i32>} : memref<80xi32, #tpu.memory_space<vmem>>, vector<16xi32>,
        %add3A_279 = vector.broadcast %mul3A_4 : i32 to vector<16xi32>
        %add3A_280 = arith.addi %get3A_278, %add3A_279 : vector<16xi32>
        %swap3A_281 = arith.constant 16 : index
        %swap3A_282 = tpu.vector_load %arg14[%swap3A_281] {strides = array<i32>} : memref<80xi32, #tpu.memory_space<vmem>>, vector<16xi32>,
        tpu.vector_store %arg14[%swap3A_281], %add3A_280 {strides = array<i32>} : memref<80xi32, #tpu.memory_space<vmem>>, vector<16xi32>,
        %get3A_283 = arith.constant 32 : index
        %get3A_284 = tpu.vector_load %arg9[%get3A_283] {strides = array<i32>} : memref<80xi32, #tpu.memory_space<vmem>>, vector<16xi32>,
        %add3A_285 = vector.broadcast %mul3A_4 : i32 to vector<16xi32>
        %add3A_286 = arith.addi %get3A_284, %add3A_285 : vector<16xi32>
        %swap3A_287 = arith.constant 32 : index
        %swap3A_288 = tpu.vector_load %arg13[%swap3A_287] {strides = array<i32>} : memref<80xi32, #tpu.memory_space<vmem>>, vector<16xi32>,
        tpu.vector_store %arg13[%swap3A_287], %add3A_286 {strides = array<i32>} : memref<80xi32, #tpu.memory_space<vmem>>, vector<16xi32>,
        %get3A_289 = arith.constant 32 : index
        %get3A_290 = tpu.vector_load %arg10[%get3A_289] {strides = array<i32>} : memref<80xi32, #tpu.memory_space<vmem>>, vector<16xi32>,
        %add3A_291 = vector.broadcast %mul3A_4 : i32 to vector<16xi32>
        %add3A_292 = arith.addi %get3A_290, %add3A_291 : vector<16xi32>
        %swap3A_293 = arith.constant 32 : index
        %swap3A_294 = tpu.vector_load %arg14[%swap3A_293] {strides = array<i32>} : memref<80xi32, #tpu.memory_space<vmem>>, vector<16xi32>,
        tpu.vector_store %arg14[%swap3A_293], %add3A_292 {strides = array<i32>} : memref<80xi32, #tpu.memory_space<vmem>>, vector<16xi32>,
        %get3A_295 = arith.constant 48 : index
        %get3A_296 = tpu.vector_load %arg9[%get3A_295] {strides = array<i32>} : memref<80xi32, #tpu.memory_space<vmem>>, vector<16xi32>,
        %add3A_297 = vector.broadcast %mul3A_4 : i32 to vector<16xi32>
        %add3A_298 = arith.addi %get3A_296, %add3A_297 : vector<16xi32>
        %swap3A_299 = arith.constant 48 : index
        %swap3A_300 = tpu.vector_load %arg13[%swap3A_299] {strides = array<i32>} : memref<80xi32, #tpu.memory_space<vmem>>, vector<16xi32>,
        tpu.vector_store %arg13[%swap3A_299], %add3A_298 {strides = array<i32>} : memref<80xi32, #tpu.memory_space<vmem>>, vector<16xi32>,
        %get3A_301 = arith.constant 48 : index
        %get3A_302 = tpu.vector_load %arg10[%get3A_301] {strides = array<i32>} : memref<80xi32, #tpu.memory_space<vmem>>, vector<16xi32>,
        %add3A_303 = vector.broadcast %mul3A_4 : i32 to vector<16xi32>
        %add3A_304 = arith.addi %get3A_302, %add3A_303 : vector<16xi32>
        %swap3A_305 = arith.constant 48 : index
        %swap3A_306 = tpu.vector_load %arg14[%swap3A_305] {strides = array<i32>} : memref<80xi32, #tpu.memory_space<vmem>>, vector<16xi32>,
        tpu.vector_store %arg14[%swap3A_305], %add3A_304 {strides = array<i32>} : memref<80xi32, #tpu.memory_space<vmem>>, vector<16xi32>,
        %get3A_307 = arith.constant 64 : index
        %get3A_308 = tpu.vector_load %arg9[%get3A_307] {strides = array<i32>} : memref<80xi32, #tpu.memory_space<vmem>>, vector<16xi32>,
        %add3A_309 = vector.broadcast %mul3A_4 : i32 to vector<16xi32>
        %add3A_310 = arith.addi %get3A_308, %add3A_309 : vector<16xi32>
        %swap3A_311 = arith.constant 64 : index
        %swap3A_312 = tpu.vector_load %arg13[%swap3A_311] {strides = array<i32>} : memref<80xi32, #tpu.memory_space<vmem>>, vector<16xi32>,
        tpu.vector_store %arg13[%swap3A_311], %add3A_310 {strides = array<i32>} : memref<80xi32, #tpu.memory_space<vmem>>, vector<16xi32>,
        %get3A_313 = arith.constant 64 : index
        %get3A_314 = tpu.vector_load %arg10[%get3A_313] {strides = array<i32>} : memref<80xi32, #tpu.memory_space<vmem>>, vector<16xi32>,
        %add3A_315 = vector.broadcast %mul3A_4 : i32 to vector<16xi32>
        %add3A_316 = arith.addi %get3A_314, %add3A_315 : vector<16xi32>
        %swap3A_317 = arith.constant 64 : index
        %swap3A_318 = tpu.vector_load %arg14[%swap3A_317] {strides = array<i32>} : memref<80xi32, #tpu.memory_space<vmem>>, vector<16xi32>,
        tpu.vector_store %arg14[%swap3A_317], %add3A_316 {strides = array<i32>} : memref<80xi32, #tpu.memory_space<vmem>>, vector<16xi32>,
        %dma_start3A_319 = arith.constant 0 : i32
        %dma_start3A_320 = arith.constant 0 : i32
        %dma_start3A_321 = tpu.memref_slice %arg2[%dma_start3A_319, %dma_start3A_320] : memref<20000x128xbf16, #tpu.memory_space<hbm>> -> memref<20000x128xbf16, #tpu.memory_space<hbm>>
        tpu.enqueue_indirect_dma source(%dma_start3A_321 : memref<20000x128xbf16, #tpu.memory_space<hbm>>) target(%arg16 : memref<80x128xbf16, #tpu.memory_space<vmem>>) offsets(%arg13 : memref<80xi32, #tpu.memory_space<vmem>>) semaphore(%arg25 : memref<!tpu.dma_semaphore, #tpu.memory_space<semaphore_mem>>)
        %dma_start3A_322 = arith.constant 0 : i32
        %dma_start3A_323 = arith.constant 0 : i32
        %dma_start3A_324 = tpu.memref_slice %arg3[%dma_start3A_322, %dma_start3A_323] : memref<20000x16xf32, #tpu.memory_space<hbm>> -> memref<20000x16xf32, #tpu.memory_space<hbm>>
        tpu.enqueue_indirect_dma source(%dma_start3A_324 : memref<20000x16xf32, #tpu.memory_space<hbm>>) target(%arg17 : memref<80x16xf32, #tpu.memory_space<vmem>>) offsets(%arg13 : memref<80xi32, #tpu.memory_space<vmem>>) semaphore(%arg25 : memref<!tpu.dma_semaphore, #tpu.memory_space<semaphore_mem>>)
        %dma_start3A_325 = arith.constant 0 : i32
        %dma_start3A_326 = arith.constant 0 : i32
        %dma_start3A_327 = tpu.memref_slice %arg4[%dma_start3A_325, %dma_start3A_326] : memref<20000x16xf32, #tpu.memory_space<hbm>> -> memref<20000x16xf32, #tpu.memory_space<hbm>>
        tpu.enqueue_indirect_dma source(%dma_start3A_327 : memref<20000x16xf32, #tpu.memory_space<hbm>>) target(%arg18 : memref<80x16xf32, #tpu.memory_space<vmem>>) offsets(%arg14 : memref<80xi32, #tpu.memory_space<vmem>>) semaphore(%arg25 : memref<!tpu.dma_semaphore, #tpu.memory_space<semaphore_mem>>)
      } else {
      }
      %add3A_232 = arith.constant 2 : i32
      %add3A_233 = arith.addi %add3A_190, %add3A_232 : i32
      %lt3A_234 = arith.constant 250 : i32
      %lt3A_235 = arith.cmpi slt, %add3A_233, %lt3A_234 : i32
      %convert_element_type3A_236 = arith.extui %lt3A_235 : i1 to i32
      %cond3A_237 = arith.constant 0 : i32
      %cond3A_238 = arith.cmpi ne, %convert_element_type3A_236, %cond3A_237 : i32
      scf.if %cond3A_238 {
        %add3A_245 = arith.constant 2 : i32
        %add3A_246 = arith.addi %add3A_190, %add3A_245 : i32
        %add3A_247 = arith.addi %add3A, %add3A_246 : i32
        %dma_start3A_248 = arith.constant 0 : i32
        %dma_start3A_249 = tpu.memref_slice %arg5[%add3A_247, %dma_start3A_248] : memref<8000x80xi32, #tpu.memory_space<hbm>> -> memref<1x80xi32, #tpu.memory_space<hbm>>
        %dma_start3A_250 = tpu.memref_squeeze %dma_start3A_249 : memref<1x80xi32, #tpu.memory_space<hbm>> -> memref<80xi32, #tpu.memory_space<hbm>>
        %dma_start3A_251 = arith.constant 0 : i32
        %dma_start3A_252 = tpu.memref_slice %arg5[%add3A_247, %dma_start3A_251] : memref<8000x80xi32, #tpu.memory_space<hbm>> -> memref<1x80xi32, #tpu.memory_space<hbm>>
        %dma_start3A_253 = tpu.memref_squeeze %dma_start3A_252 : memref<1x80xi32, #tpu.memory_space<hbm>> -> memref<80xi32, #tpu.memory_space<hbm>>
        tpu.enqueue_dma source(%dma_start3A_253 : memref<80xi32, #tpu.memory_space<hbm>>) target(%arg11 : memref<80xi32, #tpu.memory_space<vmem>>) target_semaphore(%arg24 : memref<!tpu.dma_semaphore, #tpu.memory_space<semaphore_mem>>)
        %add3A_254 = arith.addi %add3A, %add3A_246 : i32
        %dma_start3A_255 = arith.constant 0 : i32
        %dma_start3A_256 = tpu.memref_slice %arg6[%add3A_254, %dma_start3A_255] : memref<8000x80xi32, #tpu.memory_space<hbm>> -> memref<1x80xi32, #tpu.memory_space<hbm>>
        %dma_start3A_257 = tpu.memref_squeeze %dma_start3A_256 : memref<1x80xi32, #tpu.memory_space<hbm>> -> memref<80xi32, #tpu.memory_space<hbm>>
        %dma_start3A_258 = arith.constant 0 : i32
        %dma_start3A_259 = tpu.memref_slice %arg6[%add3A_254, %dma_start3A_258] : memref<8000x80xi32, #tpu.memory_space<hbm>> -> memref<1x80xi32, #tpu.memory_space<hbm>>
        %dma_start3A_260 = tpu.memref_squeeze %dma_start3A_259 : memref<1x80xi32, #tpu.memory_space<hbm>> -> memref<80xi32, #tpu.memory_space<hbm>>
        tpu.enqueue_dma source(%dma_start3A_260 : memref<80xi32, #tpu.memory_space<hbm>>) target(%arg12 : memref<80xi32, #tpu.memory_space<vmem>>) target_semaphore(%arg24 : memref<!tpu.dma_semaphore, #tpu.memory_space<semaphore_mem>>)
      } else {
      }
      %parallel_loop3A_239 = arith.constant 0 : i32
      %parallel_loop3A_240 = arith.constant 80 : i32
      %parallel_loop3A_241 = arith.constant 1 : i32
      scf.for %parallel_loop3A_245 = %parallel_loop3A_239 to %parallel_loop3A_240 step %parallel_loop3A_241  : i32 {
        %parallel_loop3A_246 = arith.index_cast %parallel_loop3A_245 : i32 to index
        %parallel_loop3A_247 = arith.constant 0 : index
        %parallel_loop3A_248 = tpu.vector_load %arg21[%parallel_loop3A_246, %parallel_loop3A_247] {strides = array<i32>} : memref<80x16xf32, #tpu.memory_space<vmem>>, vector<16xf32>,
        %parallel_loop3A_249 = arith.index_cast %parallel_loop3A_245 : i32 to index
        %parallel_loop3A_250 = arith.constant 0 : index
        %parallel_loop3A_251 = tpu.vector_load %arg22[%parallel_loop3A_249, %parallel_loop3A_250] {strides = array<i32>} : memref<80x16xf32, #tpu.memory_space<vmem>>, vector<16xf32>,
        %parallel_loop3A_252 = arith.addf %parallel_loop3A_248, %parallel_loop3A_251 : vector<16xf32>
        %parallel_loop3A_253 = arith.constant 0.000000e+00 : f32
        %parallel_loop3A_254 = vector.broadcast %parallel_loop3A_253 : f32 to vector<16xf32>
        %parallel_loop3A_255 = arith.cmpf oge, %parallel_loop3A_252, %parallel_loop3A_254 : vector<16xf32>
        %parallel_loop3A_256 = arith.constant 2.000000e-01 : f32
        %parallel_loop3A_257 = vector.broadcast %parallel_loop3A_256 : f32 to vector<16xf32>
        %parallel_loop3A_258 = arith.mulf %parallel_loop3A_257, %parallel_loop3A_252 : vector<16xf32>
        %parallel_loop3A_259 = arith.select %parallel_loop3A_255, %parallel_loop3A_252, %parallel_loop3A_258 : vector<16xi1>, vector<16xf32>
        %parallel_loop3A_260 = math.exp %parallel_loop3A_259 : vector<16xf32>
        %parallel_loop3A_261 = arith.index_cast %parallel_loop3A_245 : i32 to index
        %parallel_loop3A_262 = arith.constant 128 : index
        %parallel_loop3A_263 = tpu.vector_load %arg23[%parallel_loop3A_261, %parallel_loop3A_262] {strides = array<i32>} : memref<80x144xf32, #tpu.memory_space<vmem>>, vector<16xf32>,
        tpu.vector_store %arg23[%parallel_loop3A_261, %parallel_loop3A_262], %parallel_loop3A_260 {strides = array<i32>} : memref<80x144xf32, #tpu.memory_space<vmem>>, vector<16xf32>,
        %parallel_loop3A_264 = arith.index_cast %parallel_loop3A_245 : i32 to index
        %parallel_loop3A_265 = arith.constant 0 : index
        %parallel_loop3A_266 = tpu.vector_load %arg20[%parallel_loop3A_264, %parallel_loop3A_265] {strides = array<i32>} : memref<80x128xbf16, #tpu.memory_space<vmem>>, vector<32xbf16>,
        %parallel_loop3A_267 = tpu.unpack_subelements %parallel_loop3A_266, 0 {pack_format = #tpu.pack_format<interleaved>} : vector<32xbf16> -> vector<16xf32>
        %parallel_loop3A_268 = tpu.unpack_subelements %parallel_loop3A_266, 1 {pack_format = #tpu.pack_format<interleaved>} : vector<32xbf16> -> vector<16xf32>
        %parallel_loop3A_269 = arith.constant 0 : i32
        %parallel_loop3A_270 = vector.broadcast %parallel_loop3A_269 : i32 to vector<16x1xi32>
        %parallel_loop3A_271 = vector.shape_cast %parallel_loop3A_270 : vector<16x1xi32> to vector<16xi32>
        %parallel_loop3A_272 = tpu.dynamic_gather %parallel_loop3A_260[%parallel_loop3A_271] in [0] : vector<16xf32>, vector<16xi32> -> vector<16xf32>
        %parallel_loop3A_273 = arith.mulf %parallel_loop3A_267, %parallel_loop3A_272 : vector<16xf32>
        %parallel_loop3A_274 = arith.index_cast %parallel_loop3A_245 : i32 to index
        %parallel_loop3A_275 = arith.constant 0 : index
        %parallel_loop3A_276 = tpu.vector_load %arg23[%parallel_loop3A_274, %parallel_loop3A_275] {strides = array<i32>} : memref<80x144xf32, #tpu.memory_space<vmem>>, vector<16xf32>,
        tpu.vector_store %arg23[%parallel_loop3A_274, %parallel_loop3A_275], %parallel_loop3A_273 {strides = array<i32>} : memref<80x144xf32, #tpu.memory_space<vmem>>, vector<16xf32>,
        %parallel_loop3A_277 = arith.constant 1 : i32
        %parallel_loop3A_278 = vector.broadcast %parallel_loop3A_277 : i32 to vector<16x1xi32>
        %parallel_loop3A_279 = vector.shape_cast %parallel_loop3A_278 : vector<16x1xi32> to vector<16xi32>
        %parallel_loop3A_280 = tpu.dynamic_gather %parallel_loop3A_260[%parallel_loop3A_279] in [0] : vector<16xf32>, vector<16xi32> -> vector<16xf32>
        %parallel_loop3A_281 = arith.mulf %parallel_loop3A_268, %parallel_loop3A_280 : vector<16xf32>
        %parallel_loop3A_282 = arith.index_cast %parallel_loop3A_245 : i32 to index
        %parallel_loop3A_283 = arith.constant 16 : index
        %parallel_loop3A_284 = tpu.vector_load %arg23[%parallel_loop3A_282, %parallel_loop3A_283] {strides = array<i32>} : memref<80x144xf32, #tpu.memory_space<vmem>>, vector<16xf32>,
        tpu.vector_store %arg23[%parallel_loop3A_282, %parallel_loop3A_283], %parallel_loop3A_281 {strides = array<i32>} : memref<80x144xf32, #tpu.memory_space<vmem>>, vector<16xf32>,
        %parallel_loop3A_285 = arith.index_cast %parallel_loop3A_245 : i32 to index
        %parallel_loop3A_286 = arith.constant 32 : index
        %parallel_loop3A_287 = tpu.vector_load %arg20[%parallel_loop3A_285, %parallel_loop3A_286] {strides = array<i32>} : memref<80x128xbf16, #tpu.memory_space<vmem>>, vector<32xbf16>,
        %parallel_loop3A_288 = tpu.unpack_subelements %parallel_loop3A_287, 0 {pack_format = #tpu.pack_format<interleaved>} : vector<32xbf16> -> vector<16xf32>
        %parallel_loop3A_289 = tpu.unpack_subelements %parallel_loop3A_287, 1 {pack_format = #tpu.pack_format<interleaved>} : vector<32xbf16> -> vector<16xf32>
        %parallel_loop3A_290 = arith.constant 2 : i32
        %parallel_loop3A_291 = vector.broadcast %parallel_loop3A_290 : i32 to vector<16x1xi32>
        %parallel_loop3A_292 = vector.shape_cast %parallel_loop3A_291 : vector<16x1xi32> to vector<16xi32>
        %parallel_loop3A_293 = tpu.dynamic_gather %parallel_loop3A_260[%parallel_loop3A_292] in [0] : vector<16xf32>, vector<16xi32> -> vector<16xf32>
        %parallel_loop3A_294 = arith.mulf %parallel_loop3A_288, %parallel_loop3A_293 : vector<16xf32>
        %parallel_loop3A_295 = arith.index_cast %parallel_loop3A_245 : i32 to index
        %parallel_loop3A_296 = arith.constant 32 : index
        %parallel_loop3A_297 = tpu.vector_load %arg23[%parallel_loop3A_295, %parallel_loop3A_296] {strides = array<i32>} : memref<80x144xf32, #tpu.memory_space<vmem>>, vector<16xf32>,
        tpu.vector_store %arg23[%parallel_loop3A_295, %parallel_loop3A_296], %parallel_loop3A_294 {strides = array<i32>} : memref<80x144xf32, #tpu.memory_space<vmem>>, vector<16xf32>,
        %parallel_loop3A_298 = arith.constant 3 : i32
        %parallel_loop3A_299 = vector.broadcast %parallel_loop3A_298 : i32 to vector<16x1xi32>
        %parallel_loop3A_300 = vector.shape_cast %parallel_loop3A_299 : vector<16x1xi32> to vector<16xi32>
        %parallel_loop3A_301 = tpu.dynamic_gather %parallel_loop3A_260[%parallel_loop3A_300] in [0] : vector<16xf32>, vector<16xi32> -> vector<16xf32>
        %parallel_loop3A_302 = arith.mulf %parallel_loop3A_289, %parallel_loop3A_301 : vector<16xf32>
        %parallel_loop3A_303 = arith.index_cast %parallel_loop3A_245 : i32 to index
        %parallel_loop3A_304 = arith.constant 48 : index
        %parallel_loop3A_305 = tpu.vector_load %arg23[%parallel_loop3A_303, %parallel_loop3A_304] {strides = array<i32>} : memref<80x144xf32, #tpu.memory_space<vmem>>, vector<16xf32>,
        tpu.vector_store %arg23[%parallel_loop3A_303, %parallel_loop3A_304], %parallel_loop3A_302 {strides = array<i32>} : memref<80x144xf32, #tpu.memory_space<vmem>>, vector<16xf32>,
        %parallel_loop3A_306 = arith.index_cast %parallel_loop3A_245 : i32 to index
        %parallel_loop3A_307 = arith.constant 64 : index
        %parallel_loop3A_308 = tpu.vector_load %arg20[%parallel_loop3A_306, %parallel_loop3A_307] {strides = array<i32>} : memref<80x128xbf16, #tpu.memory_space<vmem>>, vector<32xbf16>,
        %parallel_loop3A_309 = tpu.unpack_subelements %parallel_loop3A_308, 0 {pack_format = #tpu.pack_format<interleaved>} : vector<32xbf16> -> vector<16xf32>
        %parallel_loop3A_310 = tpu.unpack_subelements %parallel_loop3A_308, 1 {pack_format = #tpu.pack_format<interleaved>} : vector<32xbf16> -> vector<16xf32>
        %parallel_loop3A_311 = arith.constant 4 : i32
        %parallel_loop3A_312 = vector.broadcast %parallel_loop3A_311 : i32 to vector<16x1xi32>
        %parallel_loop3A_313 = vector.shape_cast %parallel_loop3A_312 : vector<16x1xi32> to vector<16xi32>
        %parallel_loop3A_314 = tpu.dynamic_gather %parallel_loop3A_260[%parallel_loop3A_313] in [0] : vector<16xf32>, vector<16xi32> -> vector<16xf32>
        %parallel_loop3A_315 = arith.mulf %parallel_loop3A_309, %parallel_loop3A_314 : vector<16xf32>
        %parallel_loop3A_316 = arith.index_cast %parallel_loop3A_245 : i32 to index
        %parallel_loop3A_317 = arith.constant 64 : index
        %parallel_loop3A_318 = tpu.vector_load %arg23[%parallel_loop3A_316, %parallel_loop3A_317] {strides = array<i32>} : memref<80x144xf32, #tpu.memory_space<vmem>>, vector<16xf32>,
        tpu.vector_store %arg23[%parallel_loop3A_316, %parallel_loop3A_317], %parallel_loop3A_315 {strides = array<i32>} : memref<80x144xf32, #tpu.memory_space<vmem>>, vector<16xf32>,
        %parallel_loop3A_319 = arith.constant 5 : i32
        %parallel_loop3A_320 = vector.broadcast %parallel_loop3A_319 : i32 to vector<16x1xi32>
        %parallel_loop3A_321 = vector.shape_cast %parallel_loop3A_320 : vector<16x1xi32> to vector<16xi32>
        %parallel_loop3A_322 = tpu.dynamic_gather %parallel_loop3A_260[%parallel_loop3A_321] in [0] : vector<16xf32>, vector<16xi32> -> vector<16xf32>
        %parallel_loop3A_323 = arith.mulf %parallel_loop3A_310, %parallel_loop3A_322 : vector<16xf32>
        %parallel_loop3A_324 = arith.index_cast %parallel_loop3A_245 : i32 to index
        %parallel_loop3A_325 = arith.constant 80 : index
        %parallel_loop3A_326 = tpu.vector_load %arg23[%parallel_loop3A_324, %parallel_loop3A_325] {strides = array<i32>} : memref<80x144xf32, #tpu.memory_space<vmem>>, vector<16xf32>,
        tpu.vector_store %arg23[%parallel_loop3A_324, %parallel_loop3A_325], %parallel_loop3A_323 {strides = array<i32>} : memref<80x144xf32, #tpu.memory_space<vmem>>, vector<16xf32>,
        %parallel_loop3A_327 = arith.index_cast %parallel_loop3A_245 : i32 to index
        %parallel_loop3A_328 = arith.constant 96 : index
        %parallel_loop3A_329 = tpu.vector_load %arg20[%parallel_loop3A_327, %parallel_loop3A_328] {strides = array<i32>} : memref<80x128xbf16, #tpu.memory_space<vmem>>, vector<32xbf16>,
        %parallel_loop3A_330 = tpu.unpack_subelements %parallel_loop3A_329, 0 {pack_format = #tpu.pack_format<interleaved>} : vector<32xbf16> -> vector<16xf32>
        %parallel_loop3A_331 = tpu.unpack_subelements %parallel_loop3A_329, 1 {pack_format = #tpu.pack_format<interleaved>} : vector<32xbf16> -> vector<16xf32>
        %parallel_loop3A_332 = arith.constant 6 : i32
        %parallel_loop3A_333 = vector.broadcast %parallel_loop3A_332 : i32 to vector<16x1xi32>
        %parallel_loop3A_334 = vector.shape_cast %parallel_loop3A_333 : vector<16x1xi32> to vector<16xi32>
        %parallel_loop3A_335 = tpu.dynamic_gather %parallel_loop3A_260[%parallel_loop3A_334] in [0] : vector<16xf32>, vector<16xi32> -> vector<16xf32>
        %parallel_loop3A_336 = arith.mulf %parallel_loop3A_330, %parallel_loop3A_335 : vector<16xf32>
        %parallel_loop3A_337 = arith.index_cast %parallel_loop3A_245 : i32 to index
        %parallel_loop3A_338 = arith.constant 96 : index
        %parallel_loop3A_339 = tpu.vector_load %arg23[%parallel_loop3A_337, %parallel_loop3A_338] {strides = array<i32>} : memref<80x144xf32, #tpu.memory_space<vmem>>, vector<16xf32>,
        tpu.vector_store %arg23[%parallel_loop3A_337, %parallel_loop3A_338], %parallel_loop3A_336 {strides = array<i32>} : memref<80x144xf32, #tpu.memory_space<vmem>>, vector<16xf32>,
        %parallel_loop3A_340 = arith.constant 7 : i32
        %parallel_loop3A_341 = vector.broadcast %parallel_loop3A_340 : i32 to vector<16x1xi32>
        %parallel_loop3A_342 = vector.shape_cast %parallel_loop3A_341 : vector<16x1xi32> to vector<16xi32>
        %parallel_loop3A_343 = tpu.dynamic_gather %parallel_loop3A_260[%parallel_loop3A_342] in [0] : vector<16xf32>, vector<16xi32> -> vector<16xf32>
        %parallel_loop3A_344 = arith.mulf %parallel_loop3A_331, %parallel_loop3A_343 : vector<16xf32>
        %parallel_loop3A_345 = arith.index_cast %parallel_loop3A_245 : i32 to index
        %parallel_loop3A_346 = arith.constant 112 : index
        %parallel_loop3A_347 = tpu.vector_load %arg23[%parallel_loop3A_345, %parallel_loop3A_346] {strides = array<i32>} : memref<80x144xf32, #tpu.memory_space<vmem>>, vector<16xf32>,
        tpu.vector_store %arg23[%parallel_loop3A_345, %parallel_loop3A_346], %parallel_loop3A_344 {strides = array<i32>} : memref<80x144xf32, #tpu.memory_space<vmem>>, vector<16xf32>,
      } {sc.loop_unroll_factor = 2 : i64, sc.parallel_access}
      %dma_start3A_242 = arith.constant 0 : i32
      %dma_start3A_243 = arith.constant 0 : i32
      %dma_start3A_244 = tpu.memref_slice %arg27[%dma_start3A_242, %dma_start3A_243] : memref<10000x144xf32, #tpu.memory_space<vmem_shared>> -> memref<10000x144xf32, #tpu.memory_space<vmem_shared>>
      tpu.enqueue_indirect_dma source(%arg23 : memref<80x144xf32, #tpu.memory_space<vmem>>) target(%dma_start3A_244 : memref<10000x144xf32, #tpu.memory_space<vmem_shared>>) offsets(%arg15 : memref<80xi32, #tpu.memory_space<vmem>>) semaphore(%arg26 : memref<!tpu.dma_semaphore, #tpu.memory_space<semaphore_mem>>) {add = true}
    }
    %scan3A_124 = arith.constant 125 : i32
    %dma_wait3A_125 = arith.constant 0 : i32
    %dma_wait3A_126 = arith.constant 0 : i32
    %dma_wait3A_127 = tpu.memref_slice %arg27[%dma_wait3A_125, %dma_wait3A_126] : memref<10000x144xf32, #tpu.memory_space<vmem_shared>> -> memref<10000x144xf32, #tpu.memory_space<vmem_shared>>
    tpu.wait_indirect_dma semaphore(%arg26 : memref<!tpu.dma_semaphore, #tpu.memory_space<semaphore_mem>>) src(%arg23 : memref<80x144xf32, #tpu.memory_space<vmem>>) dst(%dma_wait3A_127 : memref<10000x144xf32, #tpu.memory_space<vmem_shared>>)
    %barrier3A_128 = arith.constant 0 : index
    tpu.barrier barrier_id(%barrier3A_128)
    %add3A_129 = arith.addi %mul3A_4, %mul3A_0 : i32
    "tpu.region"() ({
      %run_scoped3A = tpu.sem_alloc : memref<!tpu.dma_semaphore, #tpu.memory_space<semaphore_mem>>
      %dma_start3A_135 = arith.constant 0 : i32
      %dma_start3A_136 = tpu.memref_slice %arg8[%add3A_129, %dma_start3A_135] : memref<20000x144xf32, #tpu.memory_space<hbm>> -> memref<624x144xf32, #tpu.memory_space<hbm>>
      %dma_start3A_137 = arith.constant 0 : i32
      %dma_start3A_138 = tpu.memref_slice %arg27[%mul3A_0, %dma_start3A_137] : memref<10000x144xf32, #tpu.memory_space<vmem_shared>> -> memref<624x144xf32, #tpu.memory_space<vmem_shared>>
      tpu.enqueue_dma source(%dma_start3A_138 : memref<624x144xf32, #tpu.memory_space<vmem_shared>>) target(%dma_start3A_136 : memref<624x144xf32, #tpu.memory_space<hbm>>) target_semaphore(%run_scoped3A : memref<!tpu.dma_semaphore, #tpu.memory_space<semaphore_mem>>)
      %dma_wait3A_139 = arith.constant 0 : i32
      %dma_wait3A_140 = tpu.memref_slice %arg8[%add3A_129, %dma_wait3A_139] : memref<20000x144xf32, #tpu.memory_space<hbm>> -> memref<624x144xf32, #tpu.memory_space<hbm>>
      %dma_wait3A_141 = arith.constant 0 : i32
      %dma_wait3A_142 = tpu.memref_slice %arg27[%mul3A_0, %dma_wait3A_141] : memref<10000x144xf32, #tpu.memory_space<vmem_shared>> -> memref<624x144xf32, #tpu.memory_space<vmem_shared>>
      tpu.wait_dma2 semaphore(%run_scoped3A : memref<!tpu.dma_semaphore, #tpu.memory_space<semaphore_mem>>) src(%dma_wait3A_142 : memref<624x144xf32, #tpu.memory_space<vmem_shared>>) dst(%dma_wait3A_140 : memref<624x144xf32, #tpu.memory_space<hbm>>)
      tpu.yield
    }) : () -> ()
    %eq3A_130 = arith.constant 15 : i32
    %eq3A_131 = arith.cmpi eq, %arg1, %eq3A_130 : i32
    %convert_element_type3A_132 = arith.extui %eq3A_131 : i1 to i32
    %cond3A_133 = arith.constant 0 : i32
    %cond3A_134 = arith.cmpi ne, %convert_element_type3A_132, %cond3A_133 : i32
    scf.if %cond3A_134 {
      %add3A_135 = arith.constant 9984 : i32
      %add3A_136 = arith.addi %mul3A_4, %add3A_135 : i32
      "tpu.region"() ({
        %run_scoped3A = tpu.sem_alloc : memref<!tpu.dma_semaphore, #tpu.memory_space<semaphore_mem>>
        %dma_start3A_137 = arith.constant 0 : i32
        %dma_start3A_138 = tpu.memref_slice %arg8[%add3A_136, %dma_start3A_137] : memref<20000x144xf32, #tpu.memory_space<hbm>> -> memref<16x144xf32, #tpu.memory_space<hbm>>
        %dma_start3A_139 = arith.constant 9984 : i32
        %dma_start3A_140 = arith.constant 0 : i32
        %dma_start3A_141 = tpu.memref_slice %arg27[%dma_start3A_139, %dma_start3A_140] : memref<10000x144xf32, #tpu.memory_space<vmem_shared>> -> memref<16x144xf32, #tpu.memory_space<vmem_shared>>
        tpu.enqueue_dma source(%dma_start3A_141 : memref<16x144xf32, #tpu.memory_space<vmem_shared>>) target(%dma_start3A_138 : memref<16x144xf32, #tpu.memory_space<hbm>>) target_semaphore(%run_scoped3A : memref<!tpu.dma_semaphore, #tpu.memory_space<semaphore_mem>>)
        %dma_wait3A_142 = arith.constant 0 : i32
        %dma_wait3A_143 = tpu.memref_slice %arg8[%add3A_136, %dma_wait3A_142] : memref<20000x144xf32, #tpu.memory_space<hbm>> -> memref<16x144xf32, #tpu.memory_space<hbm>>
        %dma_wait3A_144 = arith.constant 9984 : i32
        %dma_wait3A_145 = arith.constant 0 : i32
        %dma_wait3A_146 = tpu.memref_slice %arg27[%dma_wait3A_144, %dma_wait3A_145] : memref<10000x144xf32, #tpu.memory_space<vmem_shared>> -> memref<16x144xf32, #tpu.memory_space<vmem_shared>>
        tpu.wait_dma2 semaphore(%run_scoped3A : memref<!tpu.dma_semaphore, #tpu.memory_space<semaphore_mem>>) src(%dma_wait3A_146 : memref<16x144xf32, #tpu.memory_space<vmem_shared>>) dst(%dma_wait3A_143 : memref<16x144xf32, #tpu.memory_space<hbm>>)
        tpu.yield
      }) : () -> ()
    } else {
    }
    return
  }
}

module attributes {stable_mosaic.version = 14 : i64} {
  func.func @_tc_front_body(%arg0: i32, %arg1: memref<10000x128xf32, #tpu.memory_space<vmem>>, %arg2: memref<1x128x128xf32, #tpu.memory_space<vmem>>, %arg3: memref<1x128x128xf32, #tpu.memory_space<vmem>>, %arg4: memref<1x16x128xf32, #tpu.memory_space<vmem>>, %arg5: memref<1x16x128xf32, #tpu.memory_space<vmem>>, %arg6: memref<1x16x128xf32, #tpu.memory_space<vmem>>, %arg7: memref<1x1x128xf32, #tpu.memory_space<vmem>>, %arg8: memref<1x1x16xf32, #tpu.memory_space<vmem>>, %arg9: memref<10000x128xf32, #tpu.memory_space<vmem>>, %arg10: memref<10000x128xbf16, #tpu.memory_space<vmem>>, %arg11: memref<10000x16xf32, #tpu.memory_space<vmem>>, %arg12: memref<10000x16xf32, #tpu.memory_space<vmem>>, %arg13: memref<1x1x128xf32, #tpu.memory_space<vmem>>) attributes {dimension_semantics = [#tpu.dimension_semantics<arbitrary>], iteration_bounds = array<i64: 2>, scalar_prefetch = 0 : i64, scratch_operands = 0 : i64, tpu.core_type = #tpu.core_type<tc>, window_params = [{pipeline_mode = #tpu.pipeline_mode<synchronous>, transform_indices = @transform_0, window_bounds = array<i64: 10000, 128>}, {transform_indices = @transform_1, window_bounds = array<i64: 1, 128, 128>}, {transform_indices = @transform_2, window_bounds = array<i64: 1, 128, 128>}, {transform_indices = @transform_3, window_bounds = array<i64: 1, 16, 128>}, {transform_indices = @transform_4, window_bounds = array<i64: 1, 16, 128>}, {transform_indices = @transform_5, window_bounds = array<i64: 1, 16, 128>}, {transform_indices = @transform_6, window_bounds = array<i64: 1, 1, 128>}, {transform_indices = @transform_7, window_bounds = array<i64: 1, 1, 16>}, {transform_indices = @transform_8, window_bounds = array<i64: 10000, 128>}, {transform_indices = @transform_9, window_bounds = array<i64: 10000, 128>}, {transform_indices = @transform_10, window_bounds = array<i64: 10000, 16>}, {transform_indices = @transform_11, window_bounds = array<i64: 10000, 16>}, {transform_indices = @transform_12, window_bounds = array<i64: 1, 1, 128>}]} {
    %get3A = arith.constant 0 : index
    %get3A_0 = arith.constant 0 : index
    %get3A_1 = vector.load %arg1[%get3A, %get3A_0] : memref<10000x128xf32, #tpu.memory_space<vmem>>, vector<10000x128xf32>
    %get3A_2 = arith.constant 0 : index
    %get3A_3 = arith.constant 0 : index
    %get3A_4 = arith.constant 0 : index
    %get3A_5 = vector.load %arg2[%get3A_2, %get3A_3, %get3A_4] : memref<1x128x128xf32, #tpu.memory_space<vmem>>, vector<1x128x128xf32>
    %get3A_6 = vector.shape_cast %get3A_5 : vector<1x128x128xf32> to vector<128x128xf32>
    %dot_general3A = arith.constant dense<0.000000e+00> : vector<10000x128xf32>
    %dot_general3A_7 = tpu.matmul %get3A_1, %get3A_6, %dot_general3A {dimension_numbers = #tpu.dot_dimension_numbers<[1], [0], [0], [1], [0, 0, 1, 1], [], []>, transpose_lhs_hint = false} : vector<10000x128xf32>, vector<128x128xf32>, vector<10000x128xf32> -> vector<10000x128xf32>
    %swap3A = arith.constant 0 : index
    %swap3A_8 = arith.constant 0 : index
    %swap3A_9 = vector.load %arg9[%swap3A, %swap3A_8] : memref<10000x128xf32, #tpu.memory_space<vmem>>, vector<10000x128xf32>
    tpu.vector_store %arg9[%swap3A, %swap3A_8], %dot_general3A_7 {strides = array<i32>} : memref<10000x128xf32, #tpu.memory_space<vmem>>, vector<10000x128xf32>,
    %get3A_10 = arith.constant 0 : index
    %get3A_11 = arith.constant 0 : index
    %get3A_12 = arith.constant 0 : index
    %get3A_13 = vector.load %arg3[%get3A_10, %get3A_11, %get3A_12] : memref<1x128x128xf32, #tpu.memory_space<vmem>>, vector<1x128x128xf32>
    %get3A_14 = vector.shape_cast %get3A_13 : vector<1x128x128xf32> to vector<128x128xf32>
    %dot_general3A_15 = arith.constant dense<0.000000e+00> : vector<10000x128xf32>
    %dot_general3A_16 = tpu.matmul %get3A_1, %get3A_14, %dot_general3A_15 {dimension_numbers = #tpu.dot_dimension_numbers<[1], [0], [0], [1], [0, 0, 1, 1], [], []>, transpose_lhs_hint = false} : vector<10000x128xf32>, vector<128x128xf32>, vector<10000x128xf32> -> vector<10000x128xf32>
    %convert_element_type3A = arith.truncf %dot_general3A_16 : vector<10000x128xf32> to vector<10000x128xbf16>
    %swap3A_17 = arith.constant 0 : index
    %swap3A_18 = arith.constant 0 : index
    %swap3A_19 = vector.load %arg10[%swap3A_17, %swap3A_18] : memref<10000x128xbf16, #tpu.memory_space<vmem>>, vector<10000x128xbf16>
    tpu.vector_store %arg10[%swap3A_17, %swap3A_18], %convert_element_type3A {strides = array<i32>} : memref<10000x128xbf16, #tpu.memory_space<vmem>>, vector<10000x128xbf16>,
    %get3A_20 = arith.constant 0 : index
    %get3A_21 = arith.constant 0 : index
    %get3A_22 = arith.constant 0 : index
    %get3A_23 = vector.load %arg8[%get3A_20, %get3A_21, %get3A_22] : memref<1x1x16xf32, #tpu.memory_space<vmem>>, vector<1x1x16xf32>
    %get3A_24 = vector.shape_cast %get3A_23 : vector<1x1x16xf32> to vector<1x16xf32>
    %get3A_25 = arith.constant 0 : index
    %get3A_26 = arith.constant 0 : index
    %get3A_27 = arith.constant 0 : index
    %get3A_28 = vector.load %arg4[%get3A_25, %get3A_26, %get3A_27] : memref<1x16x128xf32, #tpu.memory_space<vmem>>, vector<1x16x128xf32>
    %get3A_29 = vector.shape_cast %get3A_28 : vector<1x16x128xf32> to vector<16x128xf32>
    %dot_general3A_30 = arith.constant dense<0.000000e+00> : vector<1x128xf32>
    %dot_general3A_31 = tpu.matmul %get3A_24, %get3A_29, %dot_general3A_30 {dimension_numbers = #tpu.dot_dimension_numbers<[1], [0], [0], [1], [0, 0, 1, 1], [], []>, transpose_lhs_hint = false} : vector<1x16xf32>, vector<16x128xf32>, vector<1x128xf32> -> vector<1x128xf32>
    %get3A_32 = arith.constant 0 : index
    %get3A_33 = arith.constant 0 : index
    %get3A_34 = arith.constant 0 : index
    %get3A_35 = vector.load %arg8[%get3A_32, %get3A_33, %get3A_34] : memref<1x1x16xf32, #tpu.memory_space<vmem>>, vector<1x1x16xf32>
    %get3A_36 = vector.shape_cast %get3A_35 : vector<1x1x16xf32> to vector<1x16xf32>
    %get3A_37 = arith.constant 0 : index
    %get3A_38 = arith.constant 0 : index
    %get3A_39 = arith.constant 0 : index
    %get3A_40 = vector.load %arg5[%get3A_37, %get3A_38, %get3A_39] : memref<1x16x128xf32, #tpu.memory_space<vmem>>, vector<1x16x128xf32>
    %get3A_41 = vector.shape_cast %get3A_40 : vector<1x16x128xf32> to vector<16x128xf32>
    %dot_general3A_42 = arith.constant dense<0.000000e+00> : vector<1x128xf32>
    %dot_general3A_43 = tpu.matmul %get3A_36, %get3A_41, %dot_general3A_42 {dimension_numbers = #tpu.dot_dimension_numbers<[1], [0], [0], [1], [0, 0, 1, 1], [], []>, transpose_lhs_hint = false} : vector<1x16xf32>, vector<16x128xf32>, vector<1x128xf32> -> vector<1x128xf32>
    %iota3A = tpu.iota {dimensions = array<i32: 0>} : vector<128x16xi32>
    %iota3A_44 = tpu.iota {dimensions = array<i32: 1>} : vector<128x16xi32>
    %jit3A = arith.constant 16 : i32
    %div3A = vector.broadcast %jit3A : i32 to vector<128x16xi32>
    %div3A_45 = arith.divsi %iota3A, %div3A : vector<128x16xi32>
    %sign3A = arith.constant 0 : i32
    %sign3A_46 = vector.broadcast %sign3A : i32 to vector<128x16xi32>
    %sign3A_47 = arith.cmpi sgt, %iota3A, %sign3A_46 : vector<128x16xi32>
    %sign3A_48 = arith.extui %sign3A_47 : vector<128x16xi1> to vector<128x16xi32>
    %sign3A_49 = arith.constant 0 : i32
    %sign3A_50 = vector.broadcast %sign3A_49 : i32 to vector<128x16xi32>
    %sign3A_51 = arith.cmpi slt, %iota3A, %sign3A_50 : vector<128x16xi32>
    %sign3A_52 = arith.extui %sign3A_51 : vector<128x16xi1> to vector<128x16xi32>
    %sign3A_53 = arith.subi %sign3A_48, %sign3A_52 : vector<128x16xi32>
    %sign3A_54 = arith.constant 0 : i32
    %sign3A_55 = arith.cmpi sgt, %jit3A, %sign3A_54 : i32
    %sign3A_56 = arith.extui %sign3A_55 : i1 to i32
    %sign3A_57 = arith.constant 0 : i32
    %sign3A_58 = arith.cmpi slt, %jit3A, %sign3A_57 : i32
    %sign3A_59 = arith.extui %sign3A_58 : i1 to i32
    %sign3A_60 = arith.subi %sign3A_56, %sign3A_59 : i32
    %ne3A = vector.broadcast %sign3A_60 : i32 to vector<128x16xi32>
    %ne3A_61 = arith.cmpi ne, %sign3A_53, %ne3A : vector<128x16xi32>
    %rem3A = vector.broadcast %jit3A : i32 to vector<128x16xi32>
    %rem3A_62 = arith.remsi %iota3A, %rem3A : vector<128x16xi32>
    %ne3A_63 = arith.constant 0 : i32
    %ne3A_64 = vector.broadcast %ne3A_63 : i32 to vector<128x16xi32>
    %ne3A_65 = arith.cmpi ne, %rem3A_62, %ne3A_64 : vector<128x16xi32>
    %and3A = arith.andi %ne3A_61, %ne3A_65 : vector<128x16xi1>
    %sub3A = arith.constant 1 : i32
    %sub3A_66 = vector.broadcast %sub3A : i32 to vector<128x16xi32>
    %sub3A_67 = arith.subi %div3A_45, %sub3A_66 : vector<128x16xi32>
    %select_n3A = arith.select %and3A, %sub3A_67, %div3A_45 : vector<128x16xi1>, vector<128x16xi32>
    %jit3A_68 = arith.constant 8 : i32
    %eq3A = arith.constant 0 : i32
    %eq3A_69 = arith.cmpi eq, %jit3A_68, %eq3A : i32
    %jit3A_70 = arith.constant 1 : i32
    %select_n3A_71 = arith.select %eq3A_69, %jit3A_70, %jit3A_68 : i32
    %rem3A_72 = vector.broadcast %select_n3A_71 : i32 to vector<128x16xi32>
    %rem3A_73 = arith.remsi %iota3A_44, %rem3A_72 : vector<128x16xi32>
    %ne3A_74 = arith.constant 0 : i32
    %ne3A_75 = vector.broadcast %ne3A_74 : i32 to vector<128x16xi32>
    %ne3A_76 = arith.cmpi ne, %rem3A_73, %ne3A_75 : vector<128x16xi32>
    %lt3A = arith.constant 0 : i32
    %lt3A_77 = vector.broadcast %lt3A : i32 to vector<128x16xi32>
    %lt3A_78 = arith.cmpi slt, %rem3A_73, %lt3A_77 : vector<128x16xi32>
    %lt3A_79 = arith.constant 0 : i32
    %lt3A_80 = arith.cmpi slt, %select_n3A_71, %lt3A_79 : i32
    %ne3A_81 = vector.broadcast %lt3A_80 : i1 to vector<128x16xi1>
    %ne3A_82 = vector.broadcast %ne3A_81 : vector<128x16xi1> to vector<128x16xi1>
    %ne3A_83 = arith.xori %lt3A_78, %ne3A_82 : vector<128x16xi1>
    %and3A_84 = arith.andi %ne3A_83, %ne3A_76 : vector<128x16xi1>
    %add3A = vector.broadcast %select_n3A_71 : i32 to vector<128x16xi32>
    %add3A_85 = arith.addi %rem3A_73, %add3A : vector<128x16xi32>
    %select_n3A_86 = arith.select %and3A_84, %add3A_85, %rem3A_73 : vector<128x16xi1>, vector<128x16xi32>
    %eq3A_87 = arith.cmpi eq, %select_n3A, %select_n3A_86 : vector<128x16xi32>
    %convert_element_type3A_88 = arith.extui %eq3A_87 : vector<128x16xi1> to vector<128x16xi32>
    %convert_element_type3A_89 = arith.sitofp %convert_element_type3A_88 : vector<128x16xi32> to vector<128x16xf32>
    %mul3A = vector.broadcast %dot_general3A_31 : vector<1x128xf32> to vector<10000x128xf32>
    %mul3A_90 = arith.mulf %dot_general3A_7, %mul3A : vector<10000x128xf32>
    %dot_general3A_91 = arith.constant dense<0.000000e+00> : vector<10000x16xf32>
    %dot_general3A_92 = tpu.matmul %mul3A_90, %convert_element_type3A_89, %dot_general3A_91 {dimension_numbers = #tpu.dot_dimension_numbers<[1], [0], [0], [1], [0, 0, 1, 1], [], []>, transpose_lhs_hint = false} : vector<10000x128xf32>, vector<128x16xf32>, vector<10000x16xf32> -> vector<10000x16xf32>
    %swap3A_93 = arith.constant 0 : index
    %swap3A_94 = arith.constant 0 : index
    %swap3A_95 = vector.load %arg11[%swap3A_93, %swap3A_94] : memref<10000x16xf32, #tpu.memory_space<vmem>>, vector<10000x16xf32>
    tpu.vector_store %arg11[%swap3A_93, %swap3A_94], %dot_general3A_92 {strides = array<i32>} : memref<10000x16xf32, #tpu.memory_space<vmem>>, vector<10000x16xf32>,
    %mul3A_96 = vector.broadcast %dot_general3A_43 : vector<1x128xf32> to vector<10000x128xf32>
    %mul3A_97 = arith.mulf %dot_general3A_7, %mul3A_96 : vector<10000x128xf32>
    %dot_general3A_98 = arith.constant dense<0.000000e+00> : vector<10000x16xf32>
    %dot_general3A_99 = tpu.matmul %mul3A_97, %convert_element_type3A_89, %dot_general3A_98 {dimension_numbers = #tpu.dot_dimension_numbers<[1], [0], [0], [1], [0, 0, 1, 1], [], []>, transpose_lhs_hint = false} : vector<10000x128xf32>, vector<128x16xf32>, vector<10000x16xf32> -> vector<10000x16xf32>
    %swap3A_100 = arith.constant 0 : index
    %swap3A_101 = arith.constant 0 : index
    %swap3A_102 = vector.load %arg12[%swap3A_100, %swap3A_101] : memref<10000x16xf32, #tpu.memory_space<vmem>>, vector<10000x16xf32>
    tpu.vector_store %arg12[%swap3A_100, %swap3A_101], %dot_general3A_99 {strides = array<i32>} : memref<10000x16xf32, #tpu.memory_space<vmem>>, vector<10000x16xf32>,
    %get3A_103 = arith.constant 0 : index
    %get3A_104 = arith.constant 0 : index
    %get3A_105 = arith.constant 0 : index
    %get3A_106 = vector.load %arg8[%get3A_103, %get3A_104, %get3A_105] : memref<1x1x16xf32, #tpu.memory_space<vmem>>, vector<1x1x16xf32>
    %get3A_107 = vector.shape_cast %get3A_106 : vector<1x1x16xf32> to vector<1x16xf32>
    %get3A_108 = arith.constant 0 : index
    %get3A_109 = arith.constant 0 : index
    %get3A_110 = arith.constant 0 : index
    %get3A_111 = vector.load %arg6[%get3A_108, %get3A_109, %get3A_110] : memref<1x16x128xf32, #tpu.memory_space<vmem>>, vector<1x16x128xf32>
    %get3A_112 = vector.shape_cast %get3A_111 : vector<1x16x128xf32> to vector<16x128xf32>
    %dot_general3A_113 = arith.constant dense<0.000000e+00> : vector<1x128xf32>
    %dot_general3A_114 = tpu.matmul %get3A_107, %get3A_112, %dot_general3A_113 {dimension_numbers = #tpu.dot_dimension_numbers<[1], [0], [0], [1], [0, 0, 1, 1], [], []>, transpose_lhs_hint = false} : vector<1x16xf32>, vector<16x128xf32>, vector<1x128xf32> -> vector<1x128xf32>
    %get3A_115 = arith.constant 0 : index
    %get3A_116 = arith.constant 0 : index
    %get3A_117 = arith.constant 0 : index
    %get3A_118 = vector.load %arg7[%get3A_115, %get3A_116, %get3A_117] : memref<1x1x128xf32, #tpu.memory_space<vmem>>, vector<1x1x128xf32>
    %get3A_119 = vector.shape_cast %get3A_118 : vector<1x1x128xf32> to vector<1x128xf32>
    %add3A_120 = arith.addf %dot_general3A_114, %get3A_119 : vector<1x128xf32>
    %broadcast_in_dim3A = vector.shape_cast %add3A_120 : vector<1x128xf32> to vector<1x1x128xf32>
    %swap3A_121 = arith.constant 0 : index
    %swap3A_122 = arith.constant 0 : index
    %swap3A_123 = arith.constant 0 : index
    %swap3A_124 = vector.load %arg13[%swap3A_121, %swap3A_122, %swap3A_123] : memref<1x1x128xf32, #tpu.memory_space<vmem>>, vector<1x1x128xf32>
    tpu.vector_store %arg13[%swap3A_121, %swap3A_122, %swap3A_123], %broadcast_in_dim3A {strides = array<i32>} : memref<1x1x128xf32, #tpu.memory_space<vmem>>, vector<1x1x128xf32>,
    return
  }
  func.func @transform_0(%arg0: i32) -> (i32, i32) {
    %c0_i32 = arith.constant 0 : i32
    %c0_i32_0 = arith.constant 0 : i32
    %c0_i32_1 = arith.constant 0 : i32
    return %c0_i32, %c0_i32_0 : i32, i32
  }
  func.func @transform_1(%arg0: i32) -> (i32, i32, i32) {
    %c0_i32 = arith.constant 0 : i32
    %c0_i32_0 = arith.constant 0 : i32
    %c0_i32_1 = arith.constant 0 : i32
    return %arg0, %c0_i32, %c0_i32_0 : i32, i32, i32
  }
  func.func @transform_2(%arg0: i32) -> (i32, i32, i32) {
    %c0_i32 = arith.constant 0 : i32
    %c0_i32_0 = arith.constant 0 : i32
    %c0_i32_1 = arith.constant 0 : i32
    return %arg0, %c0_i32, %c0_i32_0 : i32, i32, i32
  }
  func.func @transform_3(%arg0: i32) -> (i32, i32, i32) {
    %c0_i32 = arith.constant 0 : i32
    %c0_i32_0 = arith.constant 0 : i32
    %c0_i32_1 = arith.constant 0 : i32
    return %arg0, %c0_i32, %c0_i32_0 : i32, i32, i32
  }
  func.func @transform_4(%arg0: i32) -> (i32, i32, i32) {
    %c0_i32 = arith.constant 0 : i32
    %c0_i32_0 = arith.constant 0 : i32
    %c0_i32_1 = arith.constant 0 : i32
    return %arg0, %c0_i32, %c0_i32_0 : i32, i32, i32
  }
  func.func @transform_5(%arg0: i32) -> (i32, i32, i32) {
    %c0_i32 = arith.constant 0 : i32
    %c0_i32_0 = arith.constant 0 : i32
    %c0_i32_1 = arith.constant 0 : i32
    return %arg0, %c0_i32, %c0_i32_0 : i32, i32, i32
  }
  func.func @transform_6(%arg0: i32) -> (i32, i32, i32) {
    %c0_i32 = arith.constant 0 : i32
    %c0_i32_0 = arith.constant 0 : i32
    %c0_i32_1 = arith.constant 0 : i32
    return %arg0, %c0_i32, %c0_i32_0 : i32, i32, i32
  }
  func.func @transform_7(%arg0: i32) -> (i32, i32, i32) {
    %c0_i32 = arith.constant 0 : i32
    %c0_i32_0 = arith.constant 0 : i32
    %c0_i32_1 = arith.constant 0 : i32
    return %arg0, %c0_i32, %c0_i32_0 : i32, i32, i32
  }
  func.func @transform_8(%arg0: i32) -> (i32, i32) {
    %c0_i32 = arith.constant 0 : i32
    %c0_i32_0 = arith.constant 0 : i32
    return %arg0, %c0_i32 : i32, i32
  }
  func.func @transform_9(%arg0: i32) -> (i32, i32) {
    %c0_i32 = arith.constant 0 : i32
    %c0_i32_0 = arith.constant 0 : i32
    return %arg0, %c0_i32 : i32, i32
  }
  func.func @transform_10(%arg0: i32) -> (i32, i32) {
    %c0_i32 = arith.constant 0 : i32
    %c0_i32_0 = arith.constant 0 : i32
    return %arg0, %c0_i32 : i32, i32
  }
  func.func @transform_11(%arg0: i32) -> (i32, i32) {
    %c0_i32 = arith.constant 0 : i32
    %c0_i32_0 = arith.constant 0 : i32
    return %arg0, %c0_i32 : i32, i32
  }
  func.func @transform_12(%arg0: i32) -> (i32, i32, i32) {
    %c0_i32 = arith.constant 0 : i32
    %c0_i32_0 = arith.constant 0 : i32
    %c0_i32_1 = arith.constant 0 : i32
    return %arg0, %c0_i32, %c0_i32_0 : i32, i32, i32
  }
}

module attributes {stable_mosaic.version = 14 : i64} {
  func.func @_tc_epi_body(%arg0: i32, %arg1: memref<10000x144xf32, #tpu.memory_space<vmem>>, %arg2: memref<10000x128xf32, #tpu.memory_space<vmem>>) attributes {dimension_semantics = [#tpu.dimension_semantics<arbitrary>], iteration_bounds = array<i64: 2>, scalar_prefetch = 0 : i64, scratch_operands = 0 : i64, tpu.core_type = #tpu.core_type<tc>, window_params = [{transform_indices = @transform_0, window_bounds = array<i64: 10000, 144>}, {transform_indices = @transform_1, window_bounds = array<i64: 10000, 128>}]} {
    %get3A = arith.constant 0 : index
    %get3A_0 = arith.constant 0 : index
    %get3A_1 = vector.load %arg1[%get3A, %get3A_0] : memref<10000x144xf32, #tpu.memory_space<vmem>>, vector<10000x144xf32>
    %slice3A = vector.extract_strided_slice %get3A_1 {offsets = [0, 128], sizes = [10000, 1], strides = [1, 1]} : vector<10000x144xf32> to vector<10000x1xf32>
    %eq3A = arith.constant 0.000000e+00 : f32
    %eq3A_2 = vector.broadcast %eq3A : f32 to vector<10000x1xf32>
    %eq3A_3 = arith.cmpf oeq, %slice3A, %eq3A_2 : vector<10000x1xf32>
    %div3A = arith.constant 1.000000e+00 : f32
    %div3A_4 = vector.broadcast %div3A : f32 to vector<10000x1xf32>
    %div3A_5 = arith.divf %div3A_4, %slice3A : vector<10000x1xf32>
    %jit3A = arith.constant 0.000000e+00 : f32
    %broadcast_in_dim3A = vector.broadcast %jit3A : f32 to vector<10000x1xf32>
    %select_n3A = arith.select %eq3A_3, %broadcast_in_dim3A, %div3A_5 : vector<10000x1xi1>, vector<10000x1xf32>
    %slice3A_6 = vector.extract_strided_slice %get3A_1 {offsets = [0, 0], sizes = [10000, 16], strides = [1, 1]} : vector<10000x144xf32> to vector<10000x16xf32>
    %mul3A = vector.broadcast %select_n3A : vector<10000x1xf32> to vector<10000x16xf32>
    %mul3A_7 = arith.mulf %slice3A_6, %mul3A : vector<10000x16xf32>
    %max3A = arith.constant 0.000000e+00 : f32
    %max3A_8 = vector.broadcast %max3A : f32 to vector<10000x16xf32>
    %max3A_9 = arith.maximumf %mul3A_7, %max3A_8 : vector<10000x16xf32>
    %swap3A = arith.constant 0 : index
    %swap3A_10 = arith.constant 0 : index
    %swap3A_11 = vector.load %arg2[%swap3A, %swap3A_10] : memref<10000x128xf32, #tpu.memory_space<vmem>>, vector<10000x16xf32>
    tpu.vector_store %arg2[%swap3A, %swap3A_10], %max3A_9 {strides = array<i32>} : memref<10000x128xf32, #tpu.memory_space<vmem>>, vector<10000x16xf32>,
    %slice3A_12 = vector.extract_strided_slice %get3A_1 {offsets = [0, 129], sizes = [10000, 1], strides = [1, 1]} : vector<10000x144xf32> to vector<10000x1xf32>
    %eq3A_13 = arith.constant 0.000000e+00 : f32
    %eq3A_14 = vector.broadcast %eq3A_13 : f32 to vector<10000x1xf32>
    %eq3A_15 = arith.cmpf oeq, %slice3A_12, %eq3A_14 : vector<10000x1xf32>
    %div3A_16 = arith.constant 1.000000e+00 : f32
    %div3A_17 = vector.broadcast %div3A_16 : f32 to vector<10000x1xf32>
    %div3A_18 = arith.divf %div3A_17, %slice3A_12 : vector<10000x1xf32>
    %jit3A_19 = arith.constant 0.000000e+00 : f32
    %broadcast_in_dim3A_20 = vector.broadcast %jit3A_19 : f32 to vector<10000x1xf32>
    %select_n3A_21 = arith.select %eq3A_15, %broadcast_in_dim3A_20, %div3A_18 : vector<10000x1xi1>, vector<10000x1xf32>
    %slice3A_22 = vector.extract_strided_slice %get3A_1 {offsets = [0, 16], sizes = [10000, 16], strides = [1, 1]} : vector<10000x144xf32> to vector<10000x16xf32>
    %mul3A_23 = vector.broadcast %select_n3A_21 : vector<10000x1xf32> to vector<10000x16xf32>
    %mul3A_24 = arith.mulf %slice3A_22, %mul3A_23 : vector<10000x16xf32>
    %max3A_25 = arith.constant 0.000000e+00 : f32
    %max3A_26 = vector.broadcast %max3A_25 : f32 to vector<10000x16xf32>
    %max3A_27 = arith.maximumf %mul3A_24, %max3A_26 : vector<10000x16xf32>
    %swap3A_28 = arith.constant 0 : index
    %swap3A_29 = arith.constant 16 : index
    %swap3A_30 = vector.load %arg2[%swap3A_28, %swap3A_29] : memref<10000x128xf32, #tpu.memory_space<vmem>>, vector<10000x16xf32>
    tpu.vector_store %arg2[%swap3A_28, %swap3A_29], %max3A_27 {strides = array<i32>} : memref<10000x128xf32, #tpu.memory_space<vmem>>, vector<10000x16xf32>,
    %slice3A_31 = vector.extract_strided_slice %get3A_1 {offsets = [0, 130], sizes = [10000, 1], strides = [1, 1]} : vector<10000x144xf32> to vector<10000x1xf32>
    %eq3A_32 = arith.constant 0.000000e+00 : f32
    %eq3A_33 = vector.broadcast %eq3A_32 : f32 to vector<10000x1xf32>
    %eq3A_34 = arith.cmpf oeq, %slice3A_31, %eq3A_33 : vector<10000x1xf32>
    %div3A_35 = arith.constant 1.000000e+00 : f32
    %div3A_36 = vector.broadcast %div3A_35 : f32 to vector<10000x1xf32>
    %div3A_37 = arith.divf %div3A_36, %slice3A_31 : vector<10000x1xf32>
    %jit3A_38 = arith.constant 0.000000e+00 : f32
    %broadcast_in_dim3A_39 = vector.broadcast %jit3A_38 : f32 to vector<10000x1xf32>
    %select_n3A_40 = arith.select %eq3A_34, %broadcast_in_dim3A_39, %div3A_37 : vector<10000x1xi1>, vector<10000x1xf32>
    %slice3A_41 = vector.extract_strided_slice %get3A_1 {offsets = [0, 32], sizes = [10000, 16], strides = [1, 1]} : vector<10000x144xf32> to vector<10000x16xf32>
    %mul3A_42 = vector.broadcast %select_n3A_40 : vector<10000x1xf32> to vector<10000x16xf32>
    %mul3A_43 = arith.mulf %slice3A_41, %mul3A_42 : vector<10000x16xf32>
    %max3A_44 = arith.constant 0.000000e+00 : f32
    %max3A_45 = vector.broadcast %max3A_44 : f32 to vector<10000x16xf32>
    %max3A_46 = arith.maximumf %mul3A_43, %max3A_45 : vector<10000x16xf32>
    %swap3A_47 = arith.constant 0 : index
    %swap3A_48 = arith.constant 32 : index
    %swap3A_49 = vector.load %arg2[%swap3A_47, %swap3A_48] : memref<10000x128xf32, #tpu.memory_space<vmem>>, vector<10000x16xf32>
    tpu.vector_store %arg2[%swap3A_47, %swap3A_48], %max3A_46 {strides = array<i32>} : memref<10000x128xf32, #tpu.memory_space<vmem>>, vector<10000x16xf32>,
    %slice3A_50 = vector.extract_strided_slice %get3A_1 {offsets = [0, 131], sizes = [10000, 1], strides = [1, 1]} : vector<10000x144xf32> to vector<10000x1xf32>
    %eq3A_51 = arith.constant 0.000000e+00 : f32
    %eq3A_52 = vector.broadcast %eq3A_51 : f32 to vector<10000x1xf32>
    %eq3A_53 = arith.cmpf oeq, %slice3A_50, %eq3A_52 : vector<10000x1xf32>
    %div3A_54 = arith.constant 1.000000e+00 : f32
    %div3A_55 = vector.broadcast %div3A_54 : f32 to vector<10000x1xf32>
    %div3A_56 = arith.divf %div3A_55, %slice3A_50 : vector<10000x1xf32>
    %jit3A_57 = arith.constant 0.000000e+00 : f32
    %broadcast_in_dim3A_58 = vector.broadcast %jit3A_57 : f32 to vector<10000x1xf32>
    %select_n3A_59 = arith.select %eq3A_53, %broadcast_in_dim3A_58, %div3A_56 : vector<10000x1xi1>, vector<10000x1xf32>
    %slice3A_60 = vector.extract_strided_slice %get3A_1 {offsets = [0, 48], sizes = [10000, 16], strides = [1, 1]} : vector<10000x144xf32> to vector<10000x16xf32>
    %mul3A_61 = vector.broadcast %select_n3A_59 : vector<10000x1xf32> to vector<10000x16xf32>
    %mul3A_62 = arith.mulf %slice3A_60, %mul3A_61 : vector<10000x16xf32>
    %max3A_63 = arith.constant 0.000000e+00 : f32
    %max3A_64 = vector.broadcast %max3A_63 : f32 to vector<10000x16xf32>
    %max3A_65 = arith.maximumf %mul3A_62, %max3A_64 : vector<10000x16xf32>
    %swap3A_66 = arith.constant 0 : index
    %swap3A_67 = arith.constant 48 : index
    %swap3A_68 = vector.load %arg2[%swap3A_66, %swap3A_67] : memref<10000x128xf32, #tpu.memory_space<vmem>>, vector<10000x16xf32>
    tpu.vector_store %arg2[%swap3A_66, %swap3A_67], %max3A_65 {strides = array<i32>} : memref<10000x128xf32, #tpu.memory_space<vmem>>, vector<10000x16xf32>,
    %slice3A_69 = vector.extract_strided_slice %get3A_1 {offsets = [0, 132], sizes = [10000, 1], strides = [1, 1]} : vector<10000x144xf32> to vector<10000x1xf32>
    %eq3A_70 = arith.constant 0.000000e+00 : f32
    %eq3A_71 = vector.broadcast %eq3A_70 : f32 to vector<10000x1xf32>
    %eq3A_72 = arith.cmpf oeq, %slice3A_69, %eq3A_71 : vector<10000x1xf32>
    %div3A_73 = arith.constant 1.000000e+00 : f32
    %div3A_74 = vector.broadcast %div3A_73 : f32 to vector<10000x1xf32>
    %div3A_75 = arith.divf %div3A_74, %slice3A_69 : vector<10000x1xf32>
    %jit3A_76 = arith.constant 0.000000e+00 : f32
    %broadcast_in_dim3A_77 = vector.broadcast %jit3A_76 : f32 to vector<10000x1xf32>
    %select_n3A_78 = arith.select %eq3A_72, %broadcast_in_dim3A_77, %div3A_75 : vector<10000x1xi1>, vector<10000x1xf32>
    %slice3A_79 = vector.extract_strided_slice %get3A_1 {offsets = [0, 64], sizes = [10000, 16], strides = [1, 1]} : vector<10000x144xf32> to vector<10000x16xf32>
    %mul3A_80 = vector.broadcast %select_n3A_78 : vector<10000x1xf32> to vector<10000x16xf32>
    %mul3A_81 = arith.mulf %slice3A_79, %mul3A_80 : vector<10000x16xf32>
    %max3A_82 = arith.constant 0.000000e+00 : f32
    %max3A_83 = vector.broadcast %max3A_82 : f32 to vector<10000x16xf32>
    %max3A_84 = arith.maximumf %mul3A_81, %max3A_83 : vector<10000x16xf32>
    %swap3A_85 = arith.constant 0 : index
    %swap3A_86 = arith.constant 64 : index
    %swap3A_87 = vector.load %arg2[%swap3A_85, %swap3A_86] : memref<10000x128xf32, #tpu.memory_space<vmem>>, vector<10000x16xf32>
    tpu.vector_store %arg2[%swap3A_85, %swap3A_86], %max3A_84 {strides = array<i32>} : memref<10000x128xf32, #tpu.memory_space<vmem>>, vector<10000x16xf32>,
    %slice3A_88 = vector.extract_strided_slice %get3A_1 {offsets = [0, 133], sizes = [10000, 1], strides = [1, 1]} : vector<10000x144xf32> to vector<10000x1xf32>
    %eq3A_89 = arith.constant 0.000000e+00 : f32
    %eq3A_90 = vector.broadcast %eq3A_89 : f32 to vector<10000x1xf32>
    %eq3A_91 = arith.cmpf oeq, %slice3A_88, %eq3A_90 : vector<10000x1xf32>
    %div3A_92 = arith.constant 1.000000e+00 : f32
    %div3A_93 = vector.broadcast %div3A_92 : f32 to vector<10000x1xf32>
    %div3A_94 = arith.divf %div3A_93, %slice3A_88 : vector<10000x1xf32>
    %jit3A_95 = arith.constant 0.000000e+00 : f32
    %broadcast_in_dim3A_96 = vector.broadcast %jit3A_95 : f32 to vector<10000x1xf32>
    %select_n3A_97 = arith.select %eq3A_91, %broadcast_in_dim3A_96, %div3A_94 : vector<10000x1xi1>, vector<10000x1xf32>
    %slice3A_98 = vector.extract_strided_slice %get3A_1 {offsets = [0, 80], sizes = [10000, 16], strides = [1, 1]} : vector<10000x144xf32> to vector<10000x16xf32>
    %mul3A_99 = vector.broadcast %select_n3A_97 : vector<10000x1xf32> to vector<10000x16xf32>
    %mul3A_100 = arith.mulf %slice3A_98, %mul3A_99 : vector<10000x16xf32>
    %max3A_101 = arith.constant 0.000000e+00 : f32
    %max3A_102 = vector.broadcast %max3A_101 : f32 to vector<10000x16xf32>
    %max3A_103 = arith.maximumf %mul3A_100, %max3A_102 : vector<10000x16xf32>
    %swap3A_104 = arith.constant 0 : index
    %swap3A_105 = arith.constant 80 : index
    %swap3A_106 = vector.load %arg2[%swap3A_104, %swap3A_105] : memref<10000x128xf32, #tpu.memory_space<vmem>>, vector<10000x16xf32>
    tpu.vector_store %arg2[%swap3A_104, %swap3A_105], %max3A_103 {strides = array<i32>} : memref<10000x128xf32, #tpu.memory_space<vmem>>, vector<10000x16xf32>,
    %slice3A_107 = vector.extract_strided_slice %get3A_1 {offsets = [0, 134], sizes = [10000, 1], strides = [1, 1]} : vector<10000x144xf32> to vector<10000x1xf32>
    %eq3A_108 = arith.constant 0.000000e+00 : f32
    %eq3A_109 = vector.broadcast %eq3A_108 : f32 to vector<10000x1xf32>
    %eq3A_110 = arith.cmpf oeq, %slice3A_107, %eq3A_109 : vector<10000x1xf32>
    %div3A_111 = arith.constant 1.000000e+00 : f32
    %div3A_112 = vector.broadcast %div3A_111 : f32 to vector<10000x1xf32>
    %div3A_113 = arith.divf %div3A_112, %slice3A_107 : vector<10000x1xf32>
    %jit3A_114 = arith.constant 0.000000e+00 : f32
    %broadcast_in_dim3A_115 = vector.broadcast %jit3A_114 : f32 to vector<10000x1xf32>
    %select_n3A_116 = arith.select %eq3A_110, %broadcast_in_dim3A_115, %div3A_113 : vector<10000x1xi1>, vector<10000x1xf32>
    %slice3A_117 = vector.extract_strided_slice %get3A_1 {offsets = [0, 96], sizes = [10000, 16], strides = [1, 1]} : vector<10000x144xf32> to vector<10000x16xf32>
    %mul3A_118 = vector.broadcast %select_n3A_116 : vector<10000x1xf32> to vector<10000x16xf32>
    %mul3A_119 = arith.mulf %slice3A_117, %mul3A_118 : vector<10000x16xf32>
    %max3A_120 = arith.constant 0.000000e+00 : f32
    %max3A_121 = vector.broadcast %max3A_120 : f32 to vector<10000x16xf32>
    %max3A_122 = arith.maximumf %mul3A_119, %max3A_121 : vector<10000x16xf32>
    %swap3A_123 = arith.constant 0 : index
    %swap3A_124 = arith.constant 96 : index
    %swap3A_125 = vector.load %arg2[%swap3A_123, %swap3A_124] : memref<10000x128xf32, #tpu.memory_space<vmem>>, vector<10000x16xf32>
    tpu.vector_store %arg2[%swap3A_123, %swap3A_124], %max3A_122 {strides = array<i32>} : memref<10000x128xf32, #tpu.memory_space<vmem>>, vector<10000x16xf32>,
    %slice3A_126 = vector.extract_strided_slice %get3A_1 {offsets = [0, 135], sizes = [10000, 1], strides = [1, 1]} : vector<10000x144xf32> to vector<10000x1xf32>
    %eq3A_127 = arith.constant 0.000000e+00 : f32
    %eq3A_128 = vector.broadcast %eq3A_127 : f32 to vector<10000x1xf32>
    %eq3A_129 = arith.cmpf oeq, %slice3A_126, %eq3A_128 : vector<10000x1xf32>
    %div3A_130 = arith.constant 1.000000e+00 : f32
    %div3A_131 = vector.broadcast %div3A_130 : f32 to vector<10000x1xf32>
    %div3A_132 = arith.divf %div3A_131, %slice3A_126 : vector<10000x1xf32>
    %jit3A_133 = arith.constant 0.000000e+00 : f32
    %broadcast_in_dim3A_134 = vector.broadcast %jit3A_133 : f32 to vector<10000x1xf32>
    %select_n3A_135 = arith.select %eq3A_129, %broadcast_in_dim3A_134, %div3A_132 : vector<10000x1xi1>, vector<10000x1xf32>
    %slice3A_136 = vector.extract_strided_slice %get3A_1 {offsets = [0, 112], sizes = [10000, 16], strides = [1, 1]} : vector<10000x144xf32> to vector<10000x16xf32>
    %mul3A_137 = vector.broadcast %select_n3A_135 : vector<10000x1xf32> to vector<10000x16xf32>
    %mul3A_138 = arith.mulf %slice3A_136, %mul3A_137 : vector<10000x16xf32>
    %max3A_139 = arith.constant 0.000000e+00 : f32
    %max3A_140 = vector.broadcast %max3A_139 : f32 to vector<10000x16xf32>
    %max3A_141 = arith.maximumf %mul3A_138, %max3A_140 : vector<10000x16xf32>
    %swap3A_142 = arith.constant 0 : index
    %swap3A_143 = arith.constant 112 : index
    %swap3A_144 = vector.load %arg2[%swap3A_142, %swap3A_143] : memref<10000x128xf32, #tpu.memory_space<vmem>>, vector<10000x16xf32>
    tpu.vector_store %arg2[%swap3A_142, %swap3A_143], %max3A_141 {strides = array<i32>} : memref<10000x128xf32, #tpu.memory_space<vmem>>, vector<10000x16xf32>,
    return
  }
  func.func @transform_0(%arg0: i32) -> (i32, i32) {
    %c0_i32 = arith.constant 0 : i32
    %c0_i32_0 = arith.constant 0 : i32
    return %arg0, %c0_i32 : i32, i32
  }
  func.func @transform_1(%arg0: i32) -> (i32, i32) {
    %c0_i32 = arith.constant 0 : i32
    %c0_i32_0 = arith.constant 0 : i32
    return %arg0, %c0_i32 : i32, i32
  }
}

</mosaic_0001>

<sc_bundles>
// kernel: kernel.5.cloned.1.call-start
scs
__scs_entry_jumppad:
0x0: {  	(pc) =	sbr.rel $0x88, $3  }
0x1: {  	(tag) =	ssettag $0x0;
	lr =	simm.s32 $0x1  }
0x2: {  	[smem:$0x3F94] =	sst lr;
	_ =	strace $0xD0000000  }
0x3: {  	_ = 	snop  }
0x4: {  	_ = 	snop  }
0x5: {  	_ = 	snop  }
0x6: {  	_ = 	snop  }
0x7: {  	_ = 	snop  }
__scs_overlays_trampoline_lowered:
0x8: {  	[smem:$0x3FA3] =	sst s0  }
0x9: {  	[smem:$0x3FA4] =	sst s1  }
0xa: {  	[smem:$0x3FA5] =	sst s2  }
0xb: {  	[smem:$0x3FA6] =	sst s3  }
0xc: {  	[smem:$0x3FA7] =	sst s4  }
0xd: {  	[smem:$0x3FA8] =	sst s5  }
0xe: {  	[smem:$0x3FA9] =	sst s6  }
0xf: {  	[smem:$0x3FAA] =	sst s7  }
0x10: {  	[smem:$0x3FAB] =	sst s8  }
0x11: {  	[smem:$0x3FAC] =	sst s9;
	s0 =	simm.s32 @!p0 $0x0  }
0x12: {  	s1 =	sld [smem:$0x3F92];
	s0 =	simm.s32 @p0 $0x1  }
0x13: {  	[smem:$0x3FAD] =	sst s0;
	s0 =	simm.s32 @!p1 $0x0  }
0x14: {  	s2 =	sld [smem:$0x3F91];
	s0 =	simm.s32 @p1 $0x1  }
0x15: {  	[smem:$0x3FAE] =	sst s0;
	s0 =	simm.s32 @!p2 $0x0  }
0x16: {  	s3 =	sld [smem:$0x3FDB];
	s0 =	simm.s32 @p2 $0x1  }
0x17: {  	s4 =	simm.s32 $0x1BF5;
	[smem:$0x3FB0] =	sst s0  }
0x18: {  	s0 =	sld [smem:$0x3F93];
	_ =	swait.ge [sflag:s4], $0x0  }
0x19: {  	s7 =	sld [smem:$0x3F94]  }
0x1a: {  	s8 =	sadd.s32 $0xFFFFE003, lr  }
0x1b: {  	s9 =	sadd.s32 $0xFFFFFEF7, lr;
	s5 =	simm.s32 $0xFFFFFFFF;
	p2 =	slt.u32 s8, $0xFFFFF086  }
0x1c: {  	p1 =	slt.u32 s9, $0xF7A;
	s5 =	simm.s32 @!p2 $0x0  }
0x1d: {  	s5 =	simm.s32 @p1 $0x1;
	p0 =	seq.s32 s7, s2  }
0x1e: {  	s7 =	smul.u32 @!p0 $0xF7A, s2;
	p2 =	seq.s32 @!p0 s5, $0x0  }
0x1f: {  	s9 =	smul.u32 $0xF7A, s1;
	s8 =	simm.s32 @!p0 $0x1BF5;
	p2 =	por !p2, p0  }
0x20: {  	[sflag:s8] =	ssyncset.s32 @!p0 $0xFFFFF086;
	s6 =	sadd.s32 @!p0 s3, s7;
	s7 =	simm.s32 @!p0 $0x108  }
0x21: {  	s3 =	sadd.s32 s3, s9;
	s6 =	sadd.s32 @!p0 $0x88, s6;
	s7 =	simm.s32 @p2 $0x1082  }
0x22: {  	[simem:s7], [sflag:s8] =	dma.local @!p0 [hbm:s6], $0xF7A  }
0x23: {  	s9 =	sor.u32 $0xD0000000, s2;
	s6 =	simm.s32 $0x108;
	_ =	swait.ge @!p0 [sflag:s8], $0x0  }
0x24: {  	s3 =	sadd.s32 $0x88, s3;
	s6 =	simm.s32 @!p1 $0x1082;
	[sflag:s4] =	ssyncset.s32 $0xFFFFF086  }
0x25: {  	[simem:s6], [sflag:s4] =	dma.local [hbm:s3], $0xF7A  }
0x26: {  	[smem:$0x3F94] =	sst s1;
	(tag) =	ssettag s2;
	_ =	strace s9  }
0x27: {  	s1 =	sld [smem:$0x3FA4]  }
0x28: {  	s2 =	sld [smem:$0x3FA5]  }
0x29: {  	s4 =	sld [smem:$0x3FA7]  }
0x2a: {  	p0 =	seq.s32 s5, $0x0;
	s5 =	sld [smem:$0x3FA8]  }
0x2b: {  	s6 =	sld [smem:$0x3FA9]  }
0x2c: {  	s7 =	sld [smem:$0x3FAA]  }
0x2d: {  	s3 =	simm.s32 $0x108;
	s8 =	sld [smem:$0x3FAB]  }
0x2e: {  	s3 =	simm.s32 @!p0 $0x1082;
	s9 =	sld [smem:$0x3FAC]  }
0x2f: {  	lr =	sadd.s32 s0, s3;
	s0 =	sld [smem:$0x3FA3]  }
0x30: {  	s3 =	sld [smem:$0x3FA6]  }
0x31: {  	[smem:$0x3FAF] =	sst s10  }
0x32: {  	s10 =	sld [smem:$0x3FAD];
	_ =	sdelay $0x3  }
0x33: {  	p0 =	seq.s32 s10, $0x1;
	s10 =	sld [smem:$0x3FAF];
	_ =	sdelay $0x3  }
0x34: {  	[smem:$0x3FAF] =	sst s10  }
0x35: {  	s10 =	sld [smem:$0x3FAE];
	_ =	sdelay $0x3  }
0x36: {  	p1 =	seq.s32 s10, $0x1;
	s10 =	sld [smem:$0x3FAF];
	_ =	sdelay $0x3  }
0x37: {  	[smem:$0x3FAF] =	sst s10  }
0x38: {  	s10 =	sld [smem:$0x3FB0]  }
0x39: {  	_ = 	snop;
	(pc) =	sbr.ind lr, $3  }
0x3a: {  	_ = 	snop  }
0x3b: {  	_ = 	snop  }
0x3c: {  	p2 =	seq.s32 s10, $0x1;
	s10 =	sld [smem:$0x3FAF]  }
0x3d: {  	_ =	shalt  }
0x3e: {  	_ =	shalt  }
0x3f: {  	_ =	shalt  }
0x40: {  	_ =	shalt  }
0x41: {  	_ =	shalt  }
0x42: {  	_ =	shalt  }
0x43: {  	_ =	shalt  }
0x44: {  	_ =	shalt  }
0x45: {  	_ =	shalt  }
0x46: {  	_ =	shalt  }
0x47: {  	_ =	shalt  }
0x48: {  	_ =	shalt  }
0x49: {  	_ =	shalt  }
0x4a: {  	_ =	shalt  }
0x4b: {  	_ =	shalt  }
0x4c: {  	_ =	shalt  }
0x4d: {  	_ =	shalt  }
0x4e: {  	_ =	shalt  }
0x4f: {  	_ =	shalt  }
0x50: {  	_ =	shalt  }
0x51: {  	_ =	shalt  }
0x52: {  	_ =	shalt  }
0x53: {  	_ =	shalt  }
0x54: {  	_ =	shalt  }
0x55: {  	_ =	shalt  }
0x56: {  	_ =	shalt  }
0x57: {  	_ =	shalt  }
0x58: {  	_ =	shalt  }
0x59: {  	_ =	shalt  }
0x5a: {  	_ =	shalt  }
0x5b: {  	_ =	shalt  }
0x5c: {  	_ =	shalt  }
0x5d: {  	_ =	shalt  }
0x5e: {  	_ =	shalt  }
0x5f: {  	_ =	shalt  }
0x60: {  	_ =	shalt  }
0x61: {  	_ =	shalt  }
0x62: {  	_ =	shalt  }
0x63: {  	_ =	shalt  }
0x64: {  	_ =	shalt  }
0x65: {  	_ =	shalt  }
0x66: {  	_ =	shalt  }
0x67: {  	_ =	shalt  }
0x68: {  	_ =	shalt  }
0x69: {  	_ =	shalt  }
0x6a: {  	_ =	shalt  }
0x6b: {  	_ =	shalt  }
0x6c: {  	_ =	shalt  }
0x6d: {  	_ =	shalt  }
0x6e: {  	_ =	shalt  }
0x6f: {  	_ =	shalt  }
0x70: {  	_ =	shalt  }
0x71: {  	_ =	shalt  }
0x72: {  	_ =	shalt  }
0x73: {  	_ =	shalt  }
0x74: {  	_ =	shalt  }
0x75: {  	_ =	shalt  }
0x76: {  	_ =	shalt  }
0x77: {  	_ =	shalt  }
0x78: {  	_ =	shalt  }
0x79: {  	_ =	shalt  }
0x7a: {  	_ =	shalt  }
0x7b: {  	_ =	shalt  }
0x7c: {  	_ =	shalt  }
0x7d: {  	_ =	shalt  }
0x7e: {  	_ =	shalt  }
0x7f: {  	_ =	shalt  }
0x80: {  	_ =	shalt  }
0x81: {  	_ =	shalt  }
0x82: {  	_ =	shalt  }
0x83: {  	_ =	shalt  }
0x84: {  	_ =	shalt  }
0x85: {  	_ =	shalt  }
0x86: {  	_ =	shalt  }
0x87: {  	_ =	shalt  }
.Lfunc_end0:
.L_simem_size_0:
called_computation_lowered:
.L_overlay_start_0:
0x88: {  	s2 =	sld [smem:$0x3FD9]  }
0x89: {  	s3 =	sld [smem:$0x3FFE];
	_ =	sdelay $0x1  }
0x8a: {  	s1 =	srdreg.scid  }
0x8b: {  	s0 =	sand.u32 $0x1, s1  }
0x8c: {  	s14 =	sshll.u32 s0, $0xA;
	s2 =	sadd.s32 s3, s2  }
0x8d: {  	s2 =	sadd.s32 s2, s14  }
0x8e: {  	[smem:$0x3FBB] =	sst s2  }
0x8f: {  	_ = 	snop  }
0x90: {  	s2 =	sld [smem:$0x3FD0];
	_ =	sdelay $0x2  }
0x91: {  	s15 =	simm.s32 $0xA;
	s4 =	simm.s32 $0x10  }
0x92: {  	[smem:s4], [sflag:s15] =	dma.local [hbm:s2], $0x1  }
0x93: {  	_ =	swait.eq [sflag:s15], $0x1  }
0x94: {  	[sflag:s15] =	ssyncset.done $0x0  }
0x95: {  	s16 =	sld [smem:$0x10];
	[sflag:s15] =	ssyncadd.s32 $0xFFFFFFFF  }
0x96: {  	s17 =	sld [smem:$0x11];
	(tm) =	ssettm $0x1  }
0x97: {  	s18 =	sld [smem:$0x3FFB];
	_ =	sdelay $0x3  }
0x98: {  	_ =	strace s18  }
0x99: {  	s4 =	sld [smem:$0x3FFC];
	_ =	sdelay $0x3  }
0x9a: {  	_ =	strace s4  }
0x9b: {  	s4 =	sld [smem:$0x3FFD];
	_ =	sdelay $0x3  }
0x9c: {  	_ =	strace s4  }
0x9d: {  	_ =	strace $0x8FFFFFFF  }
0x9e: {  	s19 =	sld [smem:$0x3FDB];
	_ =	sdelay $0x1  }
0x9f: {  	s5 =	simm.s32 $_scs_section_size  }
0xa0: {  	s6 =	simm.s32 $_size__tile_overlayer_lowered;
	s7 =	simm.s32 $_tile_overlayer_lowered  }
0xa1: {  	s22 =	simm.s32 $0x1BFF;
	s21 =	sshll.u32 s7, $0x1;
	s4 =	sadd.s32 s5, s19  }
0xa2: {  	s8 =	simm.s32 $0x0;
	s20 =	sshll.u32 s6, $0x1;
	s6 =	sadd.s32 s21, s4  }
0xa3: {  	[timem:s8], [sflag:s22] =	dma.local [hbm:s6], s20  }
0xa4: {  	_ =	swait.ge [sflag:s22], s20  }
0xa5: {  	s5 =	ssub.s32 $0x0, s20;
	[sflag:s22] =	ssyncset.done $0x0  }
0xa6: {  	[sflag:s22] =	ssyncadd.s32 s5;
	_ =	sdelay $0x1  }
0xa7: {  	s23 =	simm.s32 $0x1B8B  }
0xa8: {  	_ =	swait.ge [sflag:s23], $0x1  }
0xa9: {  	[sflag:s23] =	ssyncset.done $0x0  }
0xaa: {  	s25 =	simm.s32 $0x1B8E;
	s24 =	sld [smem:$0x3FFE];
	[sflag:s23] =	ssyncadd.s32 $0xFFFFFFFF  }
0xab: {  	s26 =	simm.s32 $execute0_lowered;
	[smem:$0x3FD2] =	sst s25  }
0xac: {  	s6 =	sshll.u32 s26, $0x1;
	_ =	strace $0x80000046;
	[dreg:$0x1] =	wrdreg $0xFFFFFFFF  }
0xad: {  	s28 =	simm.s32 $_size_execute0_lowered;
	s4 =	sadd.s32 s4, s6;
	[dreg:$0x0] =	wrdreg $0x0  }
0xae: {  	s6 =	sshll.u32 s28, $0x1;
	[dreg:$0x2] =	wrdreg s4  }
0xaf: {  	[dreg:$0x3] =	wrdreg s6  }
0xb0: {  	[dreg:$0x4] =	wrdreg $0xC0  }
0xb1: {  	_ =	task [dreg:s8], $0x5FFFF  }
0xb2: {  	[dreg:$0x1] =	wrdreg $0xFFFFFFFF  }
0xb3: {  	[dreg:$0x0] =	wrdreg $0x60  }
0xb4: {  	[dreg:$0x2] =	wrdreg s16  }
0xb5: {  	[dreg:$0x3] =	wrdreg s24  }
0xb6: {  	[dreg:$0x4] =	wrdreg s17  }
0xb7: {  	[dreg:$0x5] =	wrdreg $0x98300  }
0xb8: {  	[dreg:$0x6] =	wrdreg $0x9  }
0xb9: {  	_ =	task.clear_ibuf [dreg:s8], $0x7FFFF;
	_ =	strace $0x90000046  }
0xba: {  	s29 =	simm.s32 $0x9;
	_ =	strace $0x80000048  }
0xbb: {  	_ =	swait.ge [sflag:s29], $0x1  }
0xbc: {  	[sflag:s29] =	ssyncadd.s32 $0xFFFFFFFF  }
0xbd: {  	_ =	strace $0x90000048  }
0xbe: {  	_ =	sfence  }
0xbf: {  	s30 =	sld [smem:$0x0];
	_ =	sdelay $0x2  }
0xc0: {  	s31 =	sshll.u32 s1, $0xD;
	s1 =	sshrl.u32 s1, $0x2  }
0xc1: {  	s3 =	sand.u32 $0x4000, s31;
	s1 =	sadd.s32 s1, s30  }
0xc2: {  	s0 =	sor.u32 s3, s0;
	s1 =	sshll.u32 s1, $0x11  }
0xc3: {  	s0 =	sor.u32 s1, s0  }
0xc4: {  	s0 =	sadd.s32 $0x8F2B, s0  }
0xc5: {  	[sflag:s0] =	ssyncadd.remote.s32 $0x1  }
0xc6: {  	_ =	sfence.sel $0xFFFF  }
0xc7: {  	[dreg:$0x0] =	wrdreg $0xFFFFFFFF;
	(pc) =	sbr.abs _section_cstart, $3  }
0xc8: {  	[dreg:$0x1] =	wrdreg $0xFFFFFFFF  }
0xc9: {  	_ =	task.clear_ibuf [dreg:s8], $0x2FFFF;
	_ =	strace $0x9FFFFFFF  }
0xca: {  	(tm) =	ssettm $0x7FFFFFFF  }
0xcb: {  	_ =	shalt  }
tec
execute0_lowered:
.L_overlay_start_1:
0x0: {  	(tag) =	ssettag $0x1  }
0x1: {  	s1 =	rddreg [dreg:$0x0]  }
0x2: {  	s0 =	rddreg [dreg:$0x1]  }
0x3: {  	s2 =	rddreg [dreg:$0x2]  }
0x4: {  	s3 =	rddreg [dreg:$0x3]  }
0x5: {  	s4 =	simm.s32 $0x0;
	s15 =	stileid.u32;
	s17 =	srdreg.scid  }
0x6: {  	s30 =	simm.s32 $0x190;
	s28 =	simm.s32 $0x2;
	[smem:$0x7FF] =	sst s4  }
0x7: {  	s6 =	sadd.s32 $0x1000, s0;
	s5 =	smul.u32 $0x15F00, s15;
	s4 =	sand.u32 $0x1, s17  }
0x8: {  	s7 =	sadd.s32 $0x9D400, s0;
	s8 =	sadd.s32 $0xAE00, s0;
	s12 =	smul.u32 $0xFA, s15  }
0x9: {  	s13 =	sadd.s32 $0xA7200, s0;
	s18 =	smul.u32 $0x270, s15;
	s19 =	sshll.u32 s15, $0x6  }
0xa: {  	s21 =	sadd.s32 $0x15F000, s3;
	p0 =	sne.s32 s15, $0xF;
	s9 =	smul.u32 $0xFA0, s4  }
0xb: {  	_ =	strace $0x80000047;
	s11 =	ssub.s32 $0x2, s4;
	s22 =	smul.u32 $0x2710, s4  }
0xc: {  	s16 =	sor.u32 $0x1C04, s19;
	[dreg:$0x8] =	wrdreg s21;
	s4 =	smul.u32 $0x15F900, s4  }
0xd: {  	s10 =	sshrl.u32 s5, $0x3;
	s14 =	sshrl.u32 s11, $0x1;
	s5 =	sadd.s32 s5, s3  }
0xe: {  	[dreg:$0x7] =	wrdreg s16;
	s10 =	sadd.s32 s10, s0;
	s11 =	ssub.s32 s11, s14  }
0xf: {  	s9 =	sadd.s32 s12, s9;
	[dreg:$0x5] =	wrdreg s5;
	s0 =	sadd.s32 $0x4A600, s0  }
0x10: {  	s25 =	sadd.s32 s18, s22;
	s4 =	sshrl.u32 s4, $0x3;
	s12 =	smul.u32 $0xA, s9  }
0x11: {  	s10 =	sadd.s32 $0x1E800, s10;
	s20 =	smul.u32 $0x50, s9;
	[dreg:$0x9] =	wrdreg s0  }
0x12: {  	s18 =	sadd.s32 $0x2, s9;
	s4 =	sadd.s32 s13, s4;
	s19 =	sadd.s32 $0x3, s9  }
0x13: {  	s31 =	smax.u32 s11, $0x1;
	s11 =	simm.s32 $0x4;
	s9 =	simm.s32 $0x2030  }
0x14: {  	[dreg:$0x6] =	wrdreg s10;
	s10 =	smul.u32 $0x12, s25;
	s4 =	sadd.s32 $0x2BE00, s4  }
0x15: {  	[dreg:$0x10] =	wrdreg s31;
	s25 =	simm.s32 $0x1;
	s23 =	sadd.s32 s2, s12  }
0x16: {  	s5 =	sshrl.u32 s20, $0x3;
	s24 =	sadd.s32 s8, s12;
	[dreg:$0xf] =	wrdreg s4  }
0x17: {  	s4 =	simm.s32 $0x1E0;
	s12 =	simm.s32 $0x6B30;
	[dreg:$0xa] =	wrdreg s23  }
0x18: {  	[dreg:$0xb] =	wrdreg s24;
	s5 =	sadd.s32 $0xA, s5;
	s29 =	sadd.s32 s13, s10  }
0x19: {  	v1 =	vimm.s32 $0x0;
	v2 =	vimm.s32 $0x1;
	v3 =	vimm.s32 $0x2;
	s24 =	simm.s32 $0x50;
	s26 =	sadd.s32 s2, s5;
	[dreg:$0xe] =	wrdreg s29  }
0x1a: {  	v4 =	vimm.s32 $0x3;
	v5 =	vimm.s32 $0x4;
	v6 =	vimm.s32 $0x5;
	s10 =	simm.s32 $0x3;
	s5 =	sadd.s32 s8, s5;
	[dreg:$0xc] =	wrdreg s26  }
0x1b: {  	v7 =	vimm.s32 $0x6;
	v8 =	vimm.s32 $0x7;
	v0 =	vmov s22;
	s13 =	simm.s32 $0x0;
	[dreg:$0xd] =	wrdreg s5;
	s26 =	simm.s32 $0x140  }
.LBB2_1:
0x1c: {  	[dreg:$0x11] =	wrdreg s13  }
0x1d: {  	s0 =	rddreg [dreg:$0x5]  }
0x1e: {  	s13 =	rddreg [dreg:$0x6];
	s5 =	sshrl.u32 s0, $0x3  }
0x1f: {  	[dreg:$0x12] =	wrdreg s5  }
0x20: {  	[spmem:s5], [sflag:s16] =	dma.local [hbm:s13], $0x2BE0  }
0x21: {  	_ =	swait.ge [sflag:s11], $0x2BE0  }
0x22: {  	s0 =	rddreg [dreg:$0x8]  }
0x23: {  	[sflag:s11] =	ssyncset.done $0x0;
	s5 =	sshrl.u32 @!p0 s0, $0x3;
	s0 =	rddreg [dreg:$0x9]  }
0x24: {  	[sflag:s11] =	ssyncadd.s32 $0xFFFFD420;
	[dreg:$0x13] =	wrdreg s5  }
0x25: {  	[spmem:s5], [sflag:s16] =	dma.local @!p0 [hbm:s0], $0x120  }
0x26: {  	s0 =	simm.s32 @!p0 $0x4  }
0x27: {  	_ =	swait.ge @!p0 [sflag:s0], $0x120  }
0x28: {  	[sflag:s0] =	ssyncset.done @!p0 $0x0  }
0x29: {  	[sflag:s0] =	ssyncadd.s32 @!p0 $0xFFFFFEE0  }
0x2a: {  	[bflag:$0x0] =	sbarrier.arrive $0xFFFF  }
0x2b: {  	s14 =	simm.s32 $0x0;
	s15 =	rddreg [dreg:$0xa]  }
0x2c: {  	[tilespmem:s14], [sflag:$0x1] =	stream.linear.gather [hbm4b:s15+s14], $0x50, $0x38;
	[tilespmem:$0x1F7C0] =	vst v63  }
0x2d: {  	s16 =	rddreg [dreg:$0xb]  }
0x2e: {  	[tilespmem:s24], [sflag:$0x1] =	stream.linear.gather [hbm4b:s16+s14], $0x50, $0x38;
	[tilespmem:$0x1F7C0] =	vst v63  }
0x2f: {  	_ =	swait.ge [sflag:s25], $0x50  }
0x30: {  	[sflag:s25] =	ssyncset.done $0x0  }
0x31: {  	[sflag:s25] =	ssyncadd.s32 $0xFFFFFFB0  }
0x32: {  	_ =	swait.ge [sflag:s25], $0x50  }
0x33: {  	[sflag:s25] =	ssyncset.done $0x0  }
0x34: {  	[sflag:s25] =	ssyncadd.s32 $0xFFFFFFB0  }
0x35: {  	v9 =	vld [tilespmem:$0x0]  }
0x36: {  	v10 =	vld [tilespmem:$0x50]  }
0x37: {  	v11 =	vld [tilespmem:$0x10]  }
0x38: {  	v12 =	vld [tilespmem:$0x60]  }
0x39: {  	v13 =	vld [tilespmem:$0x20]  }
0x3a: {  	v14 =	vld [tilespmem:$0x70];
	v9 =	vadd.s32 v0, v9  }
0x3b: {  	[tilespmem:$0x140] =	vst v9;
	v9 =	vadd.s32 v0, v10;
	v10 =	vld [tilespmem:$0x30]  }
0x3c: {  	[tilespmem:$0x190] =	vst v9;
	v9 =	vadd.s32 v0, v11;
	v11 =	vld [tilespmem:$0x80]  }
0x3d: {  	v62 =	vld [tilespmem:$0x40];
	[tilespmem:$0x150] =	vst v9;
	v9 =	vadd.s32 v0, v12  }
0x3e: {  	v63 =	vld [tilespmem:$0x90];
	[tilespmem:$0x1A0] =	vst v9;
	v9 =	vadd.s32 v0, v13  }
0x3f: {  	[tilespmem:$0x160] =	vst v9;
	v9 =	vadd.s32 v0, v14  }
0x40: {  	[tilespmem:$0x1B0] =	vst v9;
	v9 =	vadd.s32 v0, v10  }
0x41: {  	[tilespmem:$0x170] =	vst v9;
	v9 =	vadd.s32 v0, v11  }
0x42: {  	[tilespmem:$0x1C0] =	vst v9;
	v9 =	vadd.s32 v0, v62  }
0x43: {  	[tilespmem:$0x180] =	vst v9;
	v9 =	vadd.s32 v0, v63  }
0x44: {  	s17 =	simm.s32 $0x230;
	[tilespmem:$0x1D0] =	vst v9  }
0x45: {  	[tilespmem:s17], [sflag:$0x2] =	stream.indirect.gather [hbm4b:s1+s24], $0x40, s26, s24, $0xb8;
	[tilespmem:$0x1F7C0] =	vst v63  }
0x46: {  	s20 =	simm.s32 $0x1630  }
0x47: {  	[tilespmem:s20], [sflag:$0x2] =	stream.indirect.gather [hbm4b:s6+s24], $0x10, s26, s24, $0xb8;
	[tilespmem:$0x1F7C0] =	vst v63  }
0x48: {  	s21 =	simm.s32 $0x1B30  }
0x49: {  	[tilespmem:s21], [sflag:$0x2] =	stream.indirect.gather [hbm4b:s7+s24], $0x10, s30, s24, $0xb8;
	[tilespmem:$0x1F7C0] =	vst v63  }
0x4a: {  	s23 =	simm.s32 $0xA0;
	s22 =	rddreg [dreg:$0xc]  }
0x4b: {  	[tilespmem:s23], [sflag:$0x1] =	stream.linear.gather [hbm4b:s22+s14], $0x50, $0x38;
	[tilespmem:$0x1F7C0] =	vst v63  }
0x4c: {  	s31 =	simm.s32 $0xF0;
	s16 =	simm.s32 $0x0;
	s29 =	rddreg [dreg:$0xd]  }
0x4d: {  	[tilespmem:s31], [sflag:$0x1] =	stream.linear.gather [hbm4b:s29+s14], $0x50, $0x38;
	[tilespmem:$0x1F7C0] =	vst v63  }
.LBB2_2:
0x4e: {  	_ =	swait.ge [sflag:s28], $0x1400  }
0x4f: {  	[sflag:s28] =	ssyncset.done $0x0  }
0x50: {  	[sflag:s28] =	ssyncadd.s32 $0xFFFFEC00  }
0x51: {  	_ =	swait.ge [sflag:s28], $0x500  }
0x52: {  	[sflag:s28] =	ssyncset.done $0x0  }
0x53: {  	[sflag:s28] =	ssyncadd.s32 $0xFFFFFB00  }
0x54: {  	_ =	swait.ge [sflag:s28], $0x500  }
0x55: {  	p1 =	seq.s32 s16, $0x0;
	[sflag:s28] =	ssyncset.done $0x0  }
0x56: {  	s0 =	simm.s32 @!p1 $0x3;
	[sflag:s28] =	ssyncadd.s32 $0xFFFFFB00  }
0x57: {  	_ =	swait.ge @!p1 [sflag:s0], $0x2D00  }
0x58: {  	[sflag:s0] =	ssyncset.done @!p1 $0x0  }
0x59: {  	[sflag:s0] =	ssyncadd.s32 @!p1 $0xFFFFD300  }
0x5a: {  	v9 =	vld [tilespmem:$0x50]  }
0x5b: {  	v10 =	vld [tilespmem:$0x60]  }
0x5c: {  	v11 =	vld [tilespmem:$0x70]  }
0x5d: {  	v12 =	vld [tilespmem:$0x80]  }
0x5e: {  	v13 =	vld [tilespmem:$0x90]  }
0x5f: {  	[tilespmem:$0x1E0] =	vst v9  }
0x60: {  	[tilespmem:$0x1F0] =	vst v10  }
0x61: {  	[tilespmem:$0x200] =	vst v11  }
0x62: {  	[tilespmem:$0x210] =	vst v12  }
0x63: {  	[tilespmem:$0x220] =	vst v13  }
0x64: {  	_ =	swait.ge [sflag:s25], $0x50  }
0x65: {  	[sflag:s25] =	ssyncset.done $0x0  }
0x66: {  	[sflag:s25] =	ssyncadd.s32 $0xFFFFFFB0  }
0x67: {  	_ =	swait.ge [sflag:s25], $0x50  }
0x68: {  	[sflag:s25] =	ssyncset.done $0x0  }
0x69: {  	[sflag:s25] =	ssyncadd.s32 $0xFFFFFFB0  }
0x6a: {  	v9 =	vld [tilespmem:$0xA0]  }
0x6b: {  	v10 =	vld [tilespmem:$0xF0]  }
0x6c: {  	v11 =	vld [tilespmem:$0xB0]  }
0x6d: {  	v12 =	vld [tilespmem:$0x100]  }
0x6e: {  	v13 =	vld [tilespmem:$0xC0]  }
0x6f: {  	v14 =	vld [tilespmem:$0x110];
	v9 =	vadd.s32 v0, v9  }
0x70: {  	[tilespmem:$0x140] =	vst v9;
	v9 =	vadd.s32 v0, v10;
	v10 =	vld [tilespmem:$0xD0]  }
0x71: {  	[tilespmem:$0x190] =	vst v9;
	v9 =	vadd.s32 v0, v11;
	v11 =	vld [tilespmem:$0x120]  }
0x72: {  	[tilespmem:$0x150] =	vst v9;
	v9 =	vadd.s32 v0, v12;
	v12 =	vld [tilespmem:$0xE0]  }
0x73: {  	[tilespmem:$0x1A0] =	vst v9;
	v9 =	vadd.s32 v0, v13;
	v13 =	vld [tilespmem:$0x130]  }
0x74: {  	[tilespmem:$0x160] =	vst v9;
	v9 =	vadd.s32 v0, v14  }
0x75: {  	[tilespmem:$0x1B0] =	vst v9;
	v9 =	vadd.s32 v0, v10  }
0x76: {  	[tilespmem:$0x170] =	vst v9;
	v9 =	vadd.s32 v0, v11  }
0x77: {  	[tilespmem:$0x1C0] =	vst v9;
	v9 =	vadd.s32 v0, v12  }
0x78: {  	[tilespmem:$0x180] =	vst v9;
	v9 =	vadd.s32 v0, v13  }
0x79: {  	s5 =	simm.s32 $0x4D30;
	s17 =	sshll.u32 s16, $0x1;
	p1 =	seq.s32 s16, $0x7C;
	[tilespmem:$0x1D0] =	vst v9  }
0x7a: {  	[tilespmem:s5], [sflag:$0x2] =	stream.indirect.gather [hbm4b:s1+s24], $0x40, s26, s24, $0xb8;
	[tilespmem:$0x1F7C0] =	vst v63  }
0x7b: {  	s11 =	simm.s32 $0x6130;
	s0 =	sadd.s32 @!p1 s17, s18  }
0x7c: {  	[tilespmem:s11], [sflag:$0x2] =	stream.indirect.gather [hbm4b:s6+s24], $0x10, s26, s24, $0xb8;
	[tilespmem:$0x1F7C0] =	vst v63  }
0x7d: {  	s0 =	smul.u32 @!p1 $0xA, s0;
	s5 =	simm.s32 $0x6630  }
0x7e: {  	[tilespmem:s5], [sflag:$0x2] =	stream.indirect.gather [hbm4b:s7+s24], $0x10, s30, s24, $0xb8;
	[tilespmem:$0x1F7C0] =	vst v63  }
0x7f: {  	s11 =	simm.s32 @!p1 $0x0;
	s5 =	sadd.s32 @!p1 s2, s0  }
0x80: {  	[tilespmem:s11], [sflag:$0x1] =	stream.linear.gather @!p1 [hbm4b:s5+s11], $0x50, $0x38;
	[tilespmem:$0x1F7C0] =	vst v63  }
0x81: {  	s13 =	simm.s32 $0x1640;
	s0 =	sadd.s32 @!p1 s8, s0;
	s5 =	simm.s32 @!p1 $0x50  }
0x82: {  	[tilespmem:s5], [sflag:$0x1] =	stream.linear.gather @!p1 [hbm4b:s0+s11], $0x50, $0x38;
	[tilespmem:$0x1F7C0] =	vst v63  }
0x83: {  	s14 =	simm.s32 $0x1B40;
	v9 =	vld [tilespmem:s13+$0x0]  }
0x84: {  	v10 =	vld [tilespmem:s14+$0x0];
	_ =	sdelay $0x4  }
0x85: {  	v9 =	vadd.f32 v10, v9;
	_ =	sdelay $0x1  }
0x86: {  	v12 =	vld [tilespmem:s13+$0xFFFFFFF0];
	v11 =	vmul.f32 $2.000000030e-01, v9  }
0x87: {  	v10 =	vld [tilespmem:s14+$0xFFFFFFF0];
	vm0 =	vge.f32 v9, $0.0e+00  }
0x88: {  	v9 =	vsel vm0, v9, v11  }
0x89: {  	v9 =	vmul.f32 $1.442695020e+00, v9;
	_ =	sdelay $0x1  }
0x8a: {  	(erf) = vpow2.f32 v9  }
0x8b: {  	v9 =	vadd.f32 v10, v12;
	_ =	sdelay $0x1  }
0x8c: {  	v10 =	vmul.f32 $2.000000030e-01, v9  }
0x8d: {  	s15 =	simm.s32 $0x1660;
	vm7 =	vge.f32 v9, $0.0e+00  }
0x8e: {  	s20 =	simm.s32 $0x1B60;
	v11 =	vld [tilespmem:s15+$0x0];
	v9 =	vsel vm7, v9, v10  }
0x8f: {  	v10 =	vld [tilespmem:s20+$0x0];
	v9 =	vmul.f32 $1.442695020e+00, v9;
	_ =	sdelay $0x1  }
0x90: {  	(erf) = vpow2.f32 v9  }
0x91: {  	s21 =	simm.s32 $0x20C0;
	v12 =	vld [tilespmem:s15+$0xFFFFFFF0];
	v18 =	vpop (erf)  }
0x92: {  	s14 =	simm.s32 $0x270;
	v9 =	vld [tilespmem:s20+$0xFFFFFFF0];
	[tilespmem:s21+$0x80] =	vst v18  }
0x93: {  	v10 =	vadd.f32 v10, v11;
	v11 =	vld [tilespmem:s14+$0x0];
	_ =	sdelay $0x1  }
0x94: {  	v13 =	vmul.f32 $2.000000030e-01, v10  }
0x95: {  	vm8 =	vge.f32 v10, $0.0e+00  }
0x96: {  	v10 =	vsel vm8, v10, v13;
	v13 =	vperm.xlane v18, v1  }
0x97: {  	v14 =	vperm.xlane v18, v2;
	v9 =	vadd.f32 v9, v12;
	v12 =	vunpack.i.l.bf16.f32 v11  }
0x98: {  	v10 =	vmul.f32 $1.442695020e+00, v10;
	v15 =	vpop (erf);
	v11 =	vunpack.i.u.bf16.f32 v11;
	v12 =	vmul.f32 v13, v12  }
0x99: {  	[tilespmem:s21+$0xFFFFFFF0] =	vst v15;
	v11 =	vmul.f32 v14, v11  }
0x9a: {  	(erf) = vpow2.f32 v10;
	v10 =	vmul.f32 $2.000000030e-01, v9;
	[tilespmem:s21+$0x0] =	vst v12  }
0x9b: {  	vm9 =	vge.f32 v9, $0.0e+00;
	v12 =	vld [tilespmem:s14+$0xFFFFFFC0];
	[tilespmem:s21+$0x10] =	vst v11  }
0x9c: {  	v19 =	vperm.xlane v18, v7;
	v9 =	vsel vm9, v9, v10;
	v10 =	vld [tilespmem:s14+$0x10]  }
0x9d: {  	s22 =	simm.s32 $0x1680;
	v20 =	vperm.xlane v18, v3;
	v9 =	vmul.f32 $1.442695020e+00, v9  }
0x9e: {  	s23 =	simm.s32 $0x1B80;
	v23 =	vperm.xlane v18, v4;
	v13 =	vperm.xlane v15, v1;
	v11 =	vld [tilespmem:s22+$0x0]  }
0x9f: {  	v14 =	vperm.xlane v15, v2;
	(erf) = vpow2.f32 v9;
	v9 =	vld [tilespmem:s23+$0x0]  }
0xa0: {  	v24 =	vperm.xlane v15, v4;
	v17 =	vunpack.i.u.bf16.f32 v12;
	v12 =	vunpack.i.l.bf16.f32 v12  }
0xa1: {  	v16 =	vld [tilespmem:s23+$0xFFFFFFF0];
	v22 =	vmul.f32 v14, v17;
	v17 =	vunpack.i.l.bf16.f32 v10;
	v13 =	vmul.f32 v13, v12  }
0xa2: {  	v21 =	vld [tilespmem:s22+$0xFFFFFFF0];
	v10 =	vunpack.i.u.bf16.f32 v10;
	v12 =	vmul.f32 v20, v17;
	v20 =	vperm.xlane v15, v3  }
0xa3: {  	s20 =	simm.s32 $0x21E0;
	v14 =	vpop (erf);
	v10 =	vmul.f32 v23, v10;
	v17 =	vperm.xlane v15, v5  }
0xa4: {  	s22 =	simm.s32 $0x2F0;
	[tilespmem:s20+$0x80] =	vst v14;
	v9 =	vadd.f32 v9, v11;
	v11 =	vperm.xlane v15, v7;
	v25 =	vperm.xlane v14, v7  }
0xa5: {  	v28 =	vperm.xlane v14, v1;
	v29 =	vperm.xlane v14, v2;
	v23 =	vld [tilespmem:s22+$0x0];
	[tilespmem:s21+$0xFFFFFF80] =	vst v22  }
0xa6: {  	v35 =	vperm.xlane v14, v4;
	v41 =	vperm.xlane v14, v5;
	[tilespmem:s21+$0x20] =	vst v12  }
0xa7: {  	v43 =	vperm.xlane v14, v6;
	v22 =	vperm.xlane v18, v5;
	[tilespmem:s21+$0x30] =	vst v10;
	v10 =	vadd.f32 v16, v21  }
0xa8: {  	v12 =	vperm.xlane v15, v6;
	v16 =	vmul.f32 $2.000000030e-01, v9;
	v21 =	vld [tilespmem:s14+$0x20]  }
0xa9: {  	vm10 =	vge.f32 v9, $0.0e+00;
	v15 =	vperm.xlane v15, v8;
	v27 =	vmul.f32 $2.000000030e-01, v10  }
0xaa: {  	v26 =	vpop (erf);
	v9 =	vsel vm10, v9, v16;
	vm11 =	vge.f32 v10, $0.0e+00;
	v16 =	vunpack.i.l.bf16.f32 v23  }
0xab: {  	[tilespmem:s20+$0xFFFFFFF0] =	vst v26;
	v9 =	vmul.f32 $1.442695020e+00, v9;
	v23 =	vunpack.i.u.bf16.f32 v23;
	v16 =	vmul.f32 v28, v16  }
0xac: {  	[tilespmem:s21+$0xFFFFFF70] =	vst v13;
	v30 =	vld [tilespmem:s22+$0xFFFFFFC0];
	v10 =	vsel vm11, v10, v27;
	v23 =	vmul.f32 v29, v23;
	v28 =	vperm.xlane v18, v6  }
0xad: {  	(erf) = vpow2.f32 v9;
	v9 =	vld [tilespmem:s14+$0xFFFFFFD0];
	v10 =	vmul.f32 $1.442695020e+00, v10;
	v13 =	vunpack.i.l.bf16.f32 v21  }
0xae: {  	v29 =	vperm.xlane v26, v3;
	[tilespmem:s20+$0x0] =	vst v16;
	v13 =	vmul.f32 v22, v13  }
0xaf: {  	v16 =	vunpack.i.u.bf16.f32 v21;
	v21 =	vperm.xlane v26, v2;
	[tilespmem:s20+$0x10] =	vst v23;
	v22 =	vperm.xlane v26, v1  }
0xb0: {  	s11 =	simm.s32 $0x16A0;
	(erf) = vpow2.f32 v10;
	v16 =	vmul.f32 v28, v16;
	v27 =	vld [tilespmem:s22+$0x10]  }
0xb1: {  	v31 =	vld [tilespmem:s11+$0x0];
	s13 =	simm.s32 $0x1BA0;
	v23 =	vunpack.i.u.bf16.f32 v30;
	[tilespmem:s21+$0x40] =	vst v13;
	v13 =	vunpack.i.l.bf16.f32 v30;
	v30 =	vperm.xlane v26, v4  }
0xb2: {  	v33 =	vld [tilespmem:s13+$0xFFFFFFF0];
	v21 =	vmul.f32 v21, v23;
	[tilespmem:s21+$0x50] =	vst v16;
	v22 =	vmul.f32 v22, v13;
	v10 =	vunpack.i.l.bf16.f32 v9  }
0xb3: {  	v9 =	vunpack.i.u.bf16.f32 v9;
	v13 =	vperm.xlane v26, v5;
	v28 =	vld [tilespmem:s14+$0x30];
	v32 =	vmul.f32 v20, v10  }
0xb4: {  	v20 =	vld [tilespmem:s13+$0x0];
	v24 =	vmul.f32 v24, v9;
	v9 =	vperm.xlane v14, v3  }
0xb5: {  	v16 =	vperm.xlane v26, v6;
	v10 =	vperm.xlane v18, v8;
	v18 =	vld [tilespmem:s11+$0xFFFFFFF0];
	v34 =	vunpack.i.l.bf16.f32 v27  }
0xb6: {  	v14 =	vperm.xlane v14, v8;
	v27 =	vunpack.i.u.bf16.f32 v27;
	v23 =	vpop (erf);
	v9 =	vmul.f32 v9, v34  }
0xb7: {  	v27 =	vmul.f32 v35, v27;
	v38 =	vperm.xlane v23, v1  }
0xb8: {  	s5 =	simm.s32 $0x2300;
	v39 =	vperm.xlane v23, v2;
	v46 =	vperm.xlane v23, v3  }
0xb9: {  	s23 =	simm.s32 $0x370;
	[tilespmem:s5+$0x80] =	vst v23;
	v49 =	vperm.xlane v23, v4;
	v59 =	vperm.xlane v23, v5;
	v36 =	vunpack.i.u.bf16.f32 v28  }
0xba: {  	v31 =	vadd.f32 v20, v31;
	v61 =	vld [tilespmem:s23+$0x0];
	[tilespmem:s20+$0x20] =	vst v9;
	v9 =	vperm.xlane v26, v8;
	v18 =	vadd.f32 v33, v18  }
0xbb: {  	[tilespmem:s20+$0x30] =	vst v27;
	v60 =	vmul.f32 v10, v36;
	v10 =	vperm.xlane v26, v7;
	v26 =	vunpack.i.l.bf16.f32 v28  }
0xbc: {  	[tilespmem:s20+$0xFFFFFF80] =	vst v21;
	v27 =	vmul.f32 $2.000000030e-01, v31;
	v19 =	vmul.f32 v19, v26;
	v26 =	vld [tilespmem:s22+$0x20]  }
0xbd: {  	[tilespmem:s20+$0xFFFFFF70] =	vst v22;
	v40 =	vperm.xlane v23, v6;
	v28 =	vpop (erf);
	vm12 =	vge.f32 v31, $0.0e+00;
	v37 =	vmul.f32 $2.000000030e-01, v18  }
0xbe: {  	v42 =	vld [tilespmem:s22+$0xFFFFFFD0];
	v62 =	vperm.xlane v28, v1;
	[tilespmem:s5+$0xFFFFFFF0] =	vst v28;
	vm13 =	vge.f32 v18, $0.0e+00;
	v21 =	vsel vm12, v31, v27  }
0xbf: {  	v27 =	vld [tilespmem:s23+$0xFFFFFFC0];
	v18 =	vsel vm13, v18, v37;
	v31 =	vunpack.i.l.bf16.f32 v61;
	v21 =	vmul.f32 $1.442695020e+00, v21  }
0xc0: {  	[tilespmem:s21+$0xFFFFFF90] =	vst v32;
	v22 =	vunpack.i.u.bf16.f32 v61;
	v18 =	vmul.f32 $1.442695020e+00, v18;
	v31 =	vmul.f32 v38, v31  }
0xc1: {  	[tilespmem:s21+$0xFFFFFFA0] =	vst v24;
	v22 =	vmul.f32 v39, v22;
	v24 =	vunpack.i.l.bf16.f32 v26;
	(erf) = vpow2.f32 v21  }
0xc2: {  	v63 =	vperm.xlane v28, v2;
	v21 =	vunpack.i.u.bf16.f32 v26;
	[tilespmem:s5+$0x0] =	vst v31;
	v24 =	vmul.f32 v41, v24  }
0xc3: {  	[tilespmem:s5+$0x10] =	vst v22;
	v21 =	vmul.f32 v43, v21;
	v31 =	vld [tilespmem:s14+$0xFFFFFFE0];
	(erf) = vpow2.f32 v18  }
0xc4: {  	s15 =	simm.s32 $0x16C0;
	[tilespmem:s21+$0x70] =	vst v60;
	v18 =	vunpack.i.u.bf16.f32 v42;
	v26 =	vunpack.i.u.bf16.f32 v27;
	v22 =	vunpack.i.l.bf16.f32 v27;
	v27 =	vld [tilespmem:s23+$0x10]  }
0xc5: {  	v45 =	vld [tilespmem:s15+$0x0];
	s13 =	simm.s32 $0x1BC0;
	v20 =	vperm.xlane v23, v7;
	v30 =	vmul.f32 v30, v18;
	[tilespmem:s20+$0x40] =	vst v24  }
0xc6: {  	v18 =	vld [tilespmem:s13+$0x0];
	v26 =	vmul.f32 v63, v26;
	v22 =	vmul.f32 v62, v22;
	[tilespmem:s20+$0x50] =	vst v21  }
0xc7: {  	v32 =	vperm.xlane v28, v3;
	[tilespmem:s21+$0x60] =	vst v19;
	v19 =	vperm.xlane v28, v6;
	v21 =	vunpack.i.l.bf16.f32 v42;
	v44 =	vld [tilespmem:s22+$0x30]  }
0xc8: {  	v47 =	vld [tilespmem:s13+$0xFFFFFFF0];
	v24 =	vperm.xlane v28, v4;
	v29 =	vmul.f32 v29, v21;
	[tilespmem:s5+$0xFFFFFF80] =	vst v26;
	v26 =	vunpack.i.l.bf16.f32 v31  }
0xc9: {  	v21 =	vperm.xlane v28, v5;
	[tilespmem:s5+$0xFFFFFF70] =	vst v22;
	v48 =	vunpack.i.l.bf16.f32 v27;
	v26 =	vmul.f32 v17, v26;
	v17 =	vld [tilespmem:s15+$0xFFFFFFF0]  }
0xca: {  	s29 =	simm.s32 $0x2420;
	[tilespmem:s20+$0xFFFFFF90] =	vst v29;
	v31 =	vunpack.i.u.bf16.f32 v31;
	v27 =	vunpack.i.u.bf16.f32 v27;
	v29 =	vmul.f32 v46, v48;
	v22 =	vpop (erf)  }
0xcb: {  	s11 =	simm.s32 $0x3F0;
	v31 =	vmul.f32 v12, v31;
	v27 =	vmul.f32 v49, v27;
	[tilespmem:s29+$0x80] =	vst v22  }
0xcc: {  	v12 =	vperm.xlane v28, v8;
	v50 =	vunpack.i.u.bf16.f32 v44;
	[tilespmem:s5+$0x20] =	vst v29;
	v29 =	vadd.f32 v18, v45;
	v51 =	vld [tilespmem:s11+$0x0]  }
0xcd: {  	v35 =	vmul.f32 v14, v50;
	v14 =	vperm.xlane v28, v7;
	[tilespmem:s5+$0x30] =	vst v27  }
0xce: {  	[tilespmem:s20+$0xFFFFFFA0] =	vst v30;
	v18 =	vperm.xlane v22, v7;
	v52 =	vld [tilespmem:s23+$0x20];
	v28 =	vadd.f32 v47, v17;
	v30 =	vmul.f32 $2.000000030e-01, v29;
	v17 =	vpop (erf)  }
0xcf: {  	v27 =	vunpack.i.l.bf16.f32 v44;
	v55 =	vperm.xlane v22, v1;
	vm14 =	vge.f32 v29, $0.0e+00;
	[tilespmem:s29+$0xFFFFFFF0] =	vst v17  }
0xd0: {  	[tilespmem:s21+$0xFFFFFFB0] =	vst v26;
	v56 =	vperm.xlane v22, v2;
	v25 =	vmul.f32 v25, v27;
	v29 =	vsel vm14, v29, v30;
	v30 =	vld [tilespmem:s11+$0xFFFFFFC0]  }
0xd1: {  	[tilespmem:s21+$0xFFFFFFC0] =	vst v31;
	v27 =	vperm.xlane v17, v1;
	v53 =	vperm.xlane v17, v2;
	v26 =	vunpack.i.l.bf16.f32 v51  }
0xd2: {  	v57 =	vld [tilespmem:s23+$0xFFFFFFD0];
	[tilespmem:s20+$0x70] =	vst v35;
	v29 =	vmul.f32 $1.442695020e+00, v29;
	v31 =	vunpack.i.u.bf16.f32 v51;
	v58 =	vmul.f32 v55, v26  }
0xd3: {  	[tilespmem:s20+$0x60] =	vst v25;
	v54 =	vmul.f32 $2.000000030e-01, v28;
	v60 =	vunpack.i.l.bf16.f32 v52;
	v31 =	vmul.f32 v56, v31  }
0xd4: {  	v25 =	vunpack.i.u.bf16.f32 v52;
	v26 =	vld [tilespmem:s22+$0xFFFFFFE0];
	(erf) = vpow2.f32 v29;
	v29 =	vmul.f32 v59, v60;
	[tilespmem:s29+$0x0] =	vst v58  }
0xd5: {  	vm15 =	vge.f32 v28, $0.0e+00;
	v61 =	vunpack.i.u.bf16.f32 v30;
	[tilespmem:s29+$0x10] =	vst v31;
	v31 =	vmul.f32 v40, v25  }
0xd6: {  	v28 =	vsel vm15, v28, v54;
	v30 =	vunpack.i.l.bf16.f32 v30;
	[tilespmem:s5+$0x40] =	vst v29;
	v25 =	vld [tilespmem:s14+$0xFFFFFFF0];
	v62 =	vmul.f32 v53, v61  }
0xd7: {  	v33 =	vunpack.i.u.bf16.f32 v57;
	v35 =	vmul.f32 $1.442695020e+00, v28;
	v27 =	vmul.f32 v27, v30;
	[tilespmem:s5+$0x50] =	vst v31;
	v31 =	vld [tilespmem:s11+$0x10]  }
0xd8: {  	s31 =	simm.s32 $0x8;
	v63 =	vunpack.i.l.bf16.f32 v57;
	v29 =	vperm.xlane v17, v4;
	v30 =	vperm.xlane v17, v3;
	[tilespmem:s29+$0xFFFFFF80] =	vst v62;
	v28 =	vld [tilespmem:s23+$0x30]  }
0xd9: {  	s0 =	simm.s32 $0x16E0;
	s15 =	simm.s32 $0x3F0;
	v34 =	vmul.f32 v32, v63;
	(erf) = vpow2.f32 v35;
	s14 =	simm.s32 $0x2420;
	[tilespmem:s29+$0xFFFFFF70] =	vst v27;
	v32 =	vunpack.i.u.bf16.f32 v26  }
.LBB2_3:
0xda: {  	v35 =	vld [tilespmem:s0+$0x0];
	s13 =	sadd.s32 $0x20, s13;
	v36 =	vperm.xlane v17, v5;
	v33 =	vmul.f32 v24, v33;
	v26 =	vunpack.i.l.bf16.f32 v26;
	v27 =	vmovc v30;
	v24 =	vmovc v29  }
0xdb: {  	v30 =	vperm.xlane v17, v6;
	v37 =	vperm.xlane v22, v3;
	v29 =	vld [tilespmem:s13+$0x0];
	[tilespmem:s5+$0xFFFFFF90] =	vst v34;
	v34 =	vunpack.i.u.bf16.f32 v25  }
0xdc: {  	v23 =	vperm.xlane v23, v8;
	v38 =	vld [tilespmem:s13+$0xFFFFFFF0];
	v39 =	vunpack.i.l.bf16.f32 v31;
	[tilespmem:s5+$0xFFFFFFA0] =	vst v33;
	v33 =	vmul.f32 v13, v26;
	v13 =	vmovc v21  }
0xdd: {  	s29 =	sadd.s32 $0x120, s29;
	v40 =	vld [tilespmem:s0+$0xFFFFFFF0];
	v41 =	vpop (erf);
	v26 =	vmul.f32 v37, v39;
	v37 =	vperm.xlane v22, v4;
	v42 =	vunpack.i.u.bf16.f32 v28  }
0xde: {  	v32 =	vmul.f32 v16, v32;
	v31 =	vunpack.i.u.bf16.f32 v31;
	v21 =	vmovc v36;
	[tilespmem:s29+$0x80] =	vst v41;
	v39 =	vld [tilespmem:s11+$0xFFFFFFD0];
	v23 =	vmul.f32 v23, v42  }
0xdf: {  	v16 =	vmovc v19;
	v25 =	vunpack.i.l.bf16.f32 v25;
	v36 =	vperm.xlane v17, v7;
	s11 =	sadd.s32 $0x80, s11;
	[tilespmem:s14+$0x20] =	vst v26;
	v31 =	vmul.f32 v37, v31;
	v26 =	vld [tilespmem:s23+$0xFFFFFFE0]  }
0xe0: {  	v42 =	vperm.xlane v17, v8;
	v37 =	vperm.xlane v41, v7;
	v29 =	vadd.f32 v29, v35;
	v35 =	vld [tilespmem:s11+$0x0];
	[tilespmem:s5+$0x70] =	vst v23  }
0xe1: {  	v11 =	vmul.f32 v11, v25;
	v15 =	vmul.f32 v15, v34;
	v19 =	vmovc v30;
	v43 =	vunpack.i.l.bf16.f32 v28;
	[tilespmem:s14+$0x30] =	vst v31  }
0xe2: {  	s31 =	sadd.s32 $0x2, s31;
	v20 =	vmul.f32 v20, v43;
	v28 =	vadd.f32 v38, v40;
	v25 =	vmul.f32 $2.000000030e-01, v29;
	v17 =	vpop (erf);
	v30 =	vld [tilespmem:s15+$0x20];
	[tilespmem:s20+$0xFFFFFFB0] =	vst v33  }
0xe3: {  	p2 =	slt.u32 s31, $0x4E;
	vm0 =	vge.f32 v29, $0.0e+00;
	v23 =	vmovc v22;
	[tilespmem:s29+$0xFFFFFFF0] =	vst v17;
	v31 =	vperm.xlane v17, v1;
	v33 =	vperm.xlane v17, v2  }
0xe4: {  	v38 =	vperm.xlane v41, v1;
	v22 =	vmovc v41;
	v34 =	vmul.f32 $2.000000030e-01, v28;
	v25 =	vsel vm0, v29, v25;
	v29 =	vld [tilespmem:s11+$0xFFFFFFC0];
	[tilespmem:s20+$0xFFFFFFC0] =	vst v32  }
0xe5: {  	v41 =	vperm.xlane v22, v2;
	v32 =	vmul.f32 $1.442695020e+00, v25;
	v40 =	vunpack.i.l.bf16.f32 v35;
	v25 =	vld [tilespmem:s22+$0xFFFFFFF0];
	[tilespmem:s21+$0xFFFFFFD0] =	vst v11;
	v11 =	vmovc v10;
	v10 =	vmovc v14;
	s22 =	smov.u32 s23;
	s23 =	smov.u32 s15;
	s15 =	smov.u32 s11  }
0xe6: {  	v35 =	vunpack.i.u.bf16.f32 v35;
	v14 =	vmovc v36;
	v38 =	vmul.f32 v38, v40;
	v40 =	vperm.xlane v23, v5;
	[tilespmem:s21+$0xFFFFFFE0] =	vst v15;
	s21 =	smov.u32 s20;
	s20 =	smov.u32 s5;
	s5 =	smov.u32 s14  }
0xe7: {  	v36 =	vperm.xlane v23, v6;
	v35 =	vmul.f32 v41, v35;
	s14 =	smov.u32 s29;
	v41 =	vunpack.i.l.bf16.f32 v30;
	[tilespmem:s20+$0x60] =	vst v20;
	v20 =	vmovc v18  }
0xe8: {  	v15 =	vmovc v9;
	v30 =	vunpack.i.u.bf16.f32 v30;
	v18 =	vmovc v37;
	(erf) = vpow2.f32 v32;
	[tilespmem:s29+$0x0] =	vst v38;
	v32 =	vmul.f32 v40, v41  }
.Ltmp0:
0xe9: {  	vm0 =	vge.f32 v28, $0.0e+00;
	v9 =	vmovc v12;
	v12 =	vmovc v42;
	v30 =	vmul.f32 v36, v30;
	v37 =	vunpack.i.u.bf16.f32 v29;
	[tilespmem:s29+$0x10] =	vst v35;
	(pc) =	sbr.rel @p2 .LBB2_3-.Ltmp0, $4  }
0xea: {  	v28 =	vsel vm0, v28, v34;
	v29 =	vunpack.i.l.bf16.f32 v29;
	v34 =	vmul.f32 v33, v37;
	[tilespmem:s5+$0x40] =	vst v32  }
0xeb: {  	v32 =	vmul.f32 $1.442695020e+00, v28;
	v35 =	vmul.f32 v31, v29;
	v33 =	vunpack.i.u.bf16.f32 v39;
	v31 =	vld [tilespmem:s11+$0x10];
	[tilespmem:s5+$0x50] =	vst v30  }
0xec: {  	v29 =	vperm.xlane v17, v4;
	v30 =	vperm.xlane v17, v3;
	[tilespmem:s29+$0xFFFFFF80] =	vst v34;
	v34 =	vunpack.i.l.bf16.f32 v39;
	v28 =	vld [tilespmem:s23+$0x30]  }
0xed: {  	s0 =	sadd.s32 $0x20, s0;
	(erf) = vpow2.f32 v32;
	[tilespmem:s29+$0xFFFFFF70] =	vst v35;
	v34 =	vmul.f32 v27, v34;
	v32 =	vunpack.i.u.bf16.f32 v26  }
0xee: {  	_ =	sdelay $0x2  }
0xef: {  	s13 =	sadd.s32 $0x120, s29;
	v27 =	vpop (erf)  }
0xf0: {  	s0 =	sadd.s32 $0x80, s11;
	[tilespmem:s13+$0x80] =	vst v27  }
0xf1: {  	v24 =	vmul.f32 v24, v33;
	v35 =	vld [tilespmem:s0+$0x0];
	_ =	sdelay $0x1  }
0xf2: {  	v44 =	vperm.xlane v22, v3;
	v16 =	vmul.f32 v16, v32;
	[tilespmem:s5+$0xFFFFFF90] =	vst v34  }
0xf3: {  	v36 =	vperm.xlane v22, v4;
	v45 =	vunpack.i.l.bf16.f32 v31;
	[tilespmem:s5+$0xFFFFFFA0] =	vst v24  }
0xf4: {  	v31 =	vunpack.i.u.bf16.f32 v31;
	[tilespmem:s20+$0xFFFFFFC0] =	vst v16;
	v33 =	vmul.f32 v44, v45;
	v46 =	vperm.xlane v27, v1;
	v24 =	vpop (erf)  }
0xf5: {  	v31 =	vmul.f32 v36, v31;
	v37 =	vperm.xlane v27, v2;
	[tilespmem:s13+$0xFFFFFFF0] =	vst v24;
	v47 =	vunpack.i.l.bf16.f32 v35  }
0xf6: {  	v23 =	vperm.xlane v23, v8;
	[tilespmem:s14+$0x20] =	vst v33;
	v48 =	vld [tilespmem:s0+$0xFFFFFFC0];
	v35 =	vunpack.i.u.bf16.f32 v35;
	v34 =	vmul.f32 v46, v47  }
0xf7: {  	v49 =	vunpack.i.u.bf16.f32 v28;
	[tilespmem:s14+$0x30] =	vst v31;
	v31 =	vmul.f32 v37, v35  }
0xf8: {  	v26 =	vunpack.i.l.bf16.f32 v26;
	v23 =	vmul.f32 v23, v49;
	v50 =	vld [tilespmem:s15+$0x20];
	[tilespmem:s13+$0x0] =	vst v34  }
0xf9: {  	v13 =	vmul.f32 v13, v26;
	v26 =	vunpack.i.l.bf16.f32 v25;
	[tilespmem:s13+$0x10] =	vst v31  }
0xfa: {  	v25 =	vunpack.i.u.bf16.f32 v25;
	v11 =	vmul.f32 v11, v26;
	[tilespmem:s5+$0x70] =	vst v23;
	v23 =	vperm.xlane v24, v2;
	v31 =	vld [tilespmem:s0+$0x10]  }
0xfb: {  	v15 =	vmul.f32 v15, v25;
	[tilespmem:s20+$0xFFFFFFB0] =	vst v13;
	v13 =	vperm.xlane v24, v1;
	v26 =	vunpack.i.u.bf16.f32 v48  }
0xfc: {  	v16 =	vperm.xlane v22, v5;
	[tilespmem:s21+$0xFFFFFFD0] =	vst v11;
	v51 =	vunpack.i.l.bf16.f32 v48;
	v23 =	vmul.f32 v23, v26  }
0xfd: {  	[tilespmem:s21+$0xFFFFFFE0] =	vst v15;
	v11 =	vunpack.i.l.bf16.f32 v50;
	v26 =	vperm.xlane v22, v6;
	v13 =	vmul.f32 v13, v51  }
0xfe: {  	v52 =	vld [tilespmem:s11+$0xFFFFFFD0];
	v53 =	vunpack.i.u.bf16.f32 v50;
	v11 =	vmul.f32 v16, v11;
	v16 =	vperm.xlane v27, v3;
	[tilespmem:s13+$0xFFFFFF80] =	vst v23  }
0xff: {  	v23 =	vmul.f32 v26, v53;
	[tilespmem:s13+$0xFFFFFF70] =	vst v13;
	v26 =	vperm.xlane v27, v4;
	v13 =	vunpack.i.l.bf16.f32 v31  }
0x100: {  	[tilespmem:s14+$0x40] =	vst v11;
	v11 =	vmul.f32 v16, v13;
	v13 =	vld [tilespmem:s0+$0xFFFFFFD0];
	v16 =	vunpack.i.u.bf16.f32 v31  }
0x101: {  	[tilespmem:s14+$0x50] =	vst v23;
	v16 =	vmul.f32 v26, v16  }
0x102: {  	v23 =	vunpack.i.l.bf16.f32 v28;
	v25 =	vld [tilespmem:s15+$0x30];
	[tilespmem:s13+$0x20] =	vst v11  }
0x103: {  	v15 =	vunpack.i.u.bf16.f32 v52;
	v20 =	vmul.f32 v20, v23;
	v11 =	vld [tilespmem:s23+$0xFFFFFFE0];
	[tilespmem:s13+$0x30] =	vst v16  }
0x104: {  	v15 =	vmul.f32 v29, v15;
	v23 =	vunpack.i.l.bf16.f32 v52;
	v16 =	vperm.xlane v24, v3;
	v26 =	vld [tilespmem:s0+$0x20]  }
0x105: {  	v23 =	vmul.f32 v30, v23;
	[tilespmem:s5+$0x60] =	vst v20;
	v20 =	vperm.xlane v24, v4;
	v28 =	vunpack.i.l.bf16.f32 v13  }
0x106: {  	[tilespmem:s14+$0xFFFFFFA0] =	vst v15;
	v22 =	vperm.xlane v22, v8;
	v13 =	vunpack.i.u.bf16.f32 v13;
	v16 =	vmul.f32 v16, v28  }
0x107: {  	[tilespmem:s14+$0xFFFFFF90] =	vst v23;
	v23 =	vld [tilespmem:s22+$0xFFFFFFF0];
	v15 =	vunpack.i.u.bf16.f32 v25;
	v13 =	vmul.f32 v20, v13  }
0x108: {  	v28 =	vperm.xlane v27, v5;
	v20 =	vunpack.i.l.bf16.f32 v11;
	v15 =	vmul.f32 v22, v15;
	v22 =	vld [tilespmem:s15+$0xFFFFFFE0];
	[tilespmem:s13+$0xFFFFFF90] =	vst v16  }
0x109: {  	v16 =	vmul.f32 v21, v20;
	v21 =	vperm.xlane v27, v6;
	[tilespmem:s13+$0xFFFFFFA0] =	vst v13;
	v20 =	vunpack.i.l.bf16.f32 v26  }
0x10a: {  	[tilespmem:s14+$0x70] =	vst v15;
	v13 =	vunpack.i.u.bf16.f32 v26;
	v15 =	vmul.f32 v28, v20;
	v20 =	vld [tilespmem:s0+$0xFFFFFFE0]  }
0x10b: {  	v11 =	vunpack.i.u.bf16.f32 v11;
	[tilespmem:s5+$0xFFFFFFB0] =	vst v16;
	v13 =	vmul.f32 v21, v13  }
0x10c: {  	v11 =	vmul.f32 v19, v11;
	v19 =	vunpack.i.l.bf16.f32 v23;
	v16 =	vperm.xlane v17, v5;
	[tilespmem:s13+$0x40] =	vst v15  }
0x10d: {  	v10 =	vmul.f32 v10, v19;
	v15 =	vperm.xlane v17, v6;
	[tilespmem:s13+$0x50] =	vst v13;
	v13 =	vunpack.i.l.bf16.f32 v22  }
0x10e: {  	v19 =	vperm.xlane v24, v5;
	[tilespmem:s5+$0xFFFFFFC0] =	vst v11;
	v21 =	vunpack.i.u.bf16.f32 v22;
	v11 =	vld [tilespmem:s0+$0x30];
	v13 =	vmul.f32 v16, v13  }
0x10f: {  	v22 =	vld [tilespmem:s23+$0xFFFFFFF0];
	[tilespmem:s20+$0xFFFFFFD0] =	vst v10;
	v16 =	vperm.xlane v24, v6;
	v10 =	vmul.f32 v15, v21;
	v15 =	vunpack.i.l.bf16.f32 v20  }
0x110: {  	[tilespmem:s14+$0xFFFFFFB0] =	vst v13;
	v13 =	vunpack.i.u.bf16.f32 v20;
	v15 =	vmul.f32 v19, v15  }
0x111: {  	v19 =	vunpack.i.u.bf16.f32 v23;
	[tilespmem:s14+$0xFFFFFFC0] =	vst v10;
	v10 =	vmul.f32 v16, v13  }
0x112: {  	v13 =	vunpack.i.l.bf16.f32 v25;
	v16 =	vperm.xlane v27, v8;
	v9 =	vmul.f32 v9, v19;
	v19 =	vld [tilespmem:s15+$0xFFFFFFF0];
	[tilespmem:s13+$0xFFFFFFB0] =	vst v15  }
0x113: {  	v13 =	vmul.f32 v18, v13;
	v15 =	vunpack.i.u.bf16.f32 v11;
	[tilespmem:s13+$0xFFFFFFC0] =	vst v10  }
0x114: {  	v10 =	vunpack.i.l.bf16.f32 v22;
	[tilespmem:s20+$0xFFFFFFE0] =	vst v9;
	v9 =	vmul.f32 v16, v15;
	v15 =	vld [tilespmem:s0+$0xFFFFFFF0]  }
0x115: {  	v16 =	vperm.xlane v27, v7;
	[tilespmem:s14+$0x60] =	vst v13;
	v13 =	vunpack.i.u.bf16.f32 v22;
	v10 =	vmul.f32 v14, v10  }
0x116: {  	v14 =	vperm.xlane v17, v7;
	[tilespmem:s13+$0x70] =	vst v9;
	v9 =	vunpack.i.l.bf16.f32 v11;
	v11 =	vmul.f32 v12, v13  }
0x117: {  	v12 =	vperm.xlane v17, v8;
	[tilespmem:s5+$0xFFFFFFD0] =	vst v10;
	v9 =	vmul.f32 v16, v9;
	v10 =	vunpack.i.l.bf16.f32 v19  }
0x118: {  	v13 =	vperm.xlane v24, v7;
	[tilespmem:s5+$0xFFFFFFE0] =	vst v11;
	v11 =	vunpack.i.u.bf16.f32 v19;
	v10 =	vmul.f32 v14, v10  }
0x119: {  	v14 =	vperm.xlane v24, v8;
	[tilespmem:s13+$0x60] =	vst v9;
	v9 =	vmul.f32 v12, v11;
	v11 =	vunpack.i.l.bf16.f32 v15  }
0x11a: {  	[tilespmem:s14+$0xFFFFFFD0] =	vst v10;
	v10 =	vunpack.i.u.bf16.f32 v15;
	v11 =	vmul.f32 v13, v11  }
0x11b: {  	[tilespmem:s14+$0xFFFFFFE0] =	vst v9;
	v9 =	vmul.f32 v14, v10  }
0x11c: {  	[tilespmem:s13+$0xFFFFFFD0] =	vst v11  }
0x11d: {  	[tilespmem:s13+$0xFFFFFFE0] =	vst v9  }
0x11e: {  	[spmem:s3] =	stream.indirect.scatter.add.f32 [tilespmem:s9], [sflag:$0x3], $0x90, s4, s24, $0xb8;
	[tilespmem:$0x1F7C0] =	vst v63  }
0x11f: {  	_ =	swait.ge [sflag:s28], $0x1400  }
0x120: {  	[sflag:s28] =	ssyncset.done $0x0  }
0x121: {  	[sflag:s28] =	ssyncadd.s32 $0xFFFFEC00  }
0x122: {  	_ =	swait.ge [sflag:s28], $0x500  }
0x123: {  	[sflag:s28] =	ssyncset.done $0x0  }
0x124: {  	[sflag:s28] =	ssyncadd.s32 $0xFFFFFB00  }
0x125: {  	_ =	swait.ge [sflag:s28], $0x500  }
0x126: {  	[sflag:s28] =	ssyncset.done $0x0  }
0x127: {  	[sflag:s28] =	ssyncadd.s32 $0xFFFFFB00  }
0x128: {  	_ =	swait.ge [sflag:s10], $0x2D00  }
0x129: {  	[sflag:s10] =	ssyncset.done $0x0  }
0x12a: {  	[sflag:s10] =	ssyncadd.s32 $0xFFFFD300  }
0x12b: {  	v9 =	vld [tilespmem:$0xF0]  }
0x12c: {  	v10 =	vld [tilespmem:$0x100]  }
0x12d: {  	v11 =	vld [tilespmem:$0x110]  }
0x12e: {  	v12 =	vld [tilespmem:$0x120]  }
0x12f: {  	v13 =	vld [tilespmem:$0x130]  }
0x130: {  	[tilespmem:$0x1E0] =	vst v9  }
0x131: {  	[tilespmem:$0x1F0] =	vst v10  }
0x132: {  	[tilespmem:$0x200] =	vst v11  }
0x133: {  	[tilespmem:$0x210] =	vst v12  }
0x134: {  	s0 =	simm.s32 @!p1 $0x1;
	[tilespmem:$0x220] =	vst v13  }
0x135: {  	_ =	swait.ge @!p1 [sflag:s0], $0x50  }
0x136: {  	[sflag:s0] =	ssyncset.done @!p1 $0x0  }
0x137: {  	[sflag:s0] =	ssyncadd.s32 @!p1 $0xFFFFFFB0  }
0x138: {  	_ =	swait.ge @!p1 [sflag:s0], $0x50  }
0x139: {  	[sflag:s0] =	ssyncset.done @!p1 $0x0  }
0x13a: {  	[sflag:s0] =	ssyncadd.s32 @!p1 $0xFFFFFFB0  }
0x13b: {  	v9 =	vld @!p1 [tilespmem:$0x0]  }
0x13c: {  	v10 =	vld @!p1 [tilespmem:$0x50]  }
0x13d: {  	v11 =	vld @!p1 [tilespmem:$0x10]  }
0x13e: {  	v12 =	vld @!p1 [tilespmem:$0x60]  }
0x13f: {  	v13 =	vld @!p1 [tilespmem:$0x20]  }
0x140: {  	v14 =	vld @!p1 [tilespmem:$0x70];
	v9 =	vadd.s32 @!p1 v0, v9  }
0x141: {  	[tilespmem:$0x140] =	vst @!p1 v9;
	v9 =	vadd.s32 @!p1 v0, v10;
	v10 =	vld @!p1 [tilespmem:$0x30]  }
0x142: {  	[tilespmem:$0x190] =	vst @!p1 v9;
	v9 =	vadd.s32 @!p1 v0, v11;
	v11 =	vld @!p1 [tilespmem:$0x80]  }
0x143: {  	[tilespmem:$0x150] =	vst @!p1 v9;
	v9 =	vadd.s32 @!p1 v0, v12;
	v12 =	vld @!p1 [tilespmem:$0x40]  }
0x144: {  	[tilespmem:$0x1A0] =	vst @!p1 v9;
	v9 =	vadd.s32 @!p1 v0, v13;
	v13 =	vld @!p1 [tilespmem:$0x90]  }
0x145: {  	[tilespmem:$0x160] =	vst @!p1 v9;
	v9 =	vadd.s32 @!p1 v0, v14  }
0x146: {  	[tilespmem:$0x1B0] =	vst @!p1 v9;
	v9 =	vadd.s32 @!p1 v0, v10  }
0x147: {  	[tilespmem:$0x170] =	vst @!p1 v9;
	v9 =	vadd.s32 @!p1 v0, v11  }
0x148: {  	[tilespmem:$0x1C0] =	vst @!p1 v9;
	v9 =	vadd.s32 @!p1 v0, v12  }
0x149: {  	[tilespmem:$0x180] =	vst @!p1 v9;
	v9 =	vadd.s32 @!p1 v0, v13  }
0x14a: {  	s11 =	simm.s32 @!p1 $0x230;
	s5 =	simm.s32 @!p1 $0x140;
	s0 =	simm.s32 @!p1 $0x50;
	[tilespmem:$0x1D0] =	vst @!p1 v9  }
0x14b: {  	[tilespmem:s11], [sflag:$0x2] =	stream.indirect.gather @!p1 [hbm4b:s1+s0], $0x40, s5, s0, $0xb8;
	[tilespmem:$0x1F7C0] =	vst v63  }
0x14c: {  	s11 =	simm.s32 @!p1 $0x1630  }
0x14d: {  	[tilespmem:s11], [sflag:$0x2] =	stream.indirect.gather @!p1 [hbm4b:s6+s0], $0x10, s5, s0, $0xb8;
	[tilespmem:$0x1F7C0] =	vst v63  }
0x14e: {  	s5 =	sadd.s32 @!p1 s17, s19  }
0x14f: {  	s13 =	simm.s32 @!p1 $0x1B30;
	s11 =	simm.s32 @!p1 $0x190;
	s5 =	smul.u32 @!p1 $0xA, s5  }
0x150: {  	[tilespmem:s13], [sflag:$0x2] =	stream.indirect.gather @!p1 [hbm4b:s7+s0], $0x10, s11, s0, $0xb8;
	[tilespmem:$0x1F7C0] =	vst v63  }
0x151: {  	s11 =	simm.s32 @!p1 $0x0;
	s13 =	simm.s32 @!p1 $0xA0;
	s0 =	sadd.s32 @!p1 s2, s5  }
0x152: {  	[tilespmem:s13], [sflag:$0x1] =	stream.linear.gather @!p1 [hbm4b:s0+s11], $0x50, $0x38;
	[tilespmem:$0x1F7C0] =	vst v63  }
0x153: {  	s31 =	simm.s32 $0x6140;
	s0 =	sadd.s32 @!p1 s8, s5;
	s5 =	simm.s32 @!p1 $0xF0  }
0x154: {  	[tilespmem:s5], [sflag:$0x1] =	stream.linear.gather @!p1 [hbm4b:s0+s11], $0x50, $0x38;
	[tilespmem:$0x1F7C0] =	vst v63  }
0x155: {  	s11 =	simm.s32 $0x6640;
	v9 =	vld [tilespmem:s31+$0x0]  }
0x156: {  	v10 =	vld [tilespmem:s11+$0x0];
	_ =	sdelay $0x4  }
0x157: {  	v9 =	vadd.f32 v10, v9;
	_ =	sdelay $0x1  }
0x158: {  	v12 =	vld [tilespmem:s31+$0xFFFFFFF0];
	v11 =	vmul.f32 $2.000000030e-01, v9  }
0x159: {  	v10 =	vld [tilespmem:s11+$0xFFFFFFF0];
	vm0 =	vge.f32 v9, $0.0e+00  }
0x15a: {  	v9 =	vsel vm0, v9, v11  }
0x15b: {  	v9 =	vmul.f32 $1.442695020e+00, v9;
	_ =	sdelay $0x1  }
0x15c: {  	(erf) = vpow2.f32 v9  }
0x15d: {  	v9 =	vadd.f32 v10, v12;
	_ =	sdelay $0x1  }
0x15e: {  	v10 =	vmul.f32 $2.000000030e-01, v9  }
0x15f: {  	s13 =	simm.s32 $0x6160;
	vm7 =	vge.f32 v9, $0.0e+00  }
0x160: {  	s14 =	simm.s32 $0x6660;
	v11 =	vld [tilespmem:s13+$0x0];
	v9 =	vsel vm7, v9, v10  }
0x161: {  	v10 =	vld [tilespmem:s14+$0x0];
	v9 =	vmul.f32 $1.442695020e+00, v9;
	_ =	sdelay $0x1  }
0x162: {  	(erf) = vpow2.f32 v9  }
0x163: {  	s20 =	simm.s32 $0x6BC0;
	v12 =	vld [tilespmem:s13+$0xFFFFFFF0];
	v18 =	vpop (erf)  }
0x164: {  	s15 =	simm.s32 $0x4D70;
	v9 =	vld [tilespmem:s14+$0xFFFFFFF0];
	[tilespmem:s20+$0x80] =	vst v18  }
0x165: {  	v10 =	vadd.f32 v10, v11;
	v11 =	vld [tilespmem:s15+$0x0];
	_ =	sdelay $0x1  }
0x166: {  	v13 =	vmul.f32 $2.000000030e-01, v10  }
0x167: {  	vm8 =	vge.f32 v10, $0.0e+00  }
0x168: {  	v10 =	vsel vm8, v10, v13;
	v13 =	vperm.xlane v18, v1  }
0x169: {  	v14 =	vperm.xlane v18, v2;
	v9 =	vadd.f32 v9, v12;
	v12 =	vunpack.i.l.bf16.f32 v11  }
0x16a: {  	v10 =	vmul.f32 $1.442695020e+00, v10;
	v15 =	vpop (erf);
	v11 =	vunpack.i.u.bf16.f32 v11;
	v12 =	vmul.f32 v13, v12  }
0x16b: {  	[tilespmem:s20+$0xFFFFFFF0] =	vst v15;
	v11 =	vmul.f32 v14, v11  }
0x16c: {  	(erf) = vpow2.f32 v10;
	v10 =	vmul.f32 $2.000000030e-01, v9;
	[tilespmem:s20+$0x0] =	vst v12  }
0x16d: {  	vm9 =	vge.f32 v9, $0.0e+00;
	v12 =	vld [tilespmem:s15+$0xFFFFFFC0];
	[tilespmem:s20+$0x10] =	vst v11  }
0x16e: {  	v19 =	vperm.xlane v18, v7;
	v9 =	vsel vm9, v9, v10;
	v10 =	vld [tilespmem:s15+$0x10]  }
0x16f: {  	s17 =	simm.s32 $0x6180;
	v20 =	vperm.xlane v18, v3;
	v9 =	vmul.f32 $1.442695020e+00, v9  }
0x170: {  	s21 =	simm.s32 $0x6680;
	v23 =	vperm.xlane v18, v4;
	v13 =	vperm.xlane v15, v1;
	v11 =	vld [tilespmem:s17+$0x0]  }
0x171: {  	v14 =	vperm.xlane v15, v2;
	(erf) = vpow2.f32 v9;
	v9 =	vld [tilespmem:s21+$0x0]  }
0x172: {  	v24 =	vperm.xlane v15, v4;
	v17 =	vunpack.i.u.bf16.f32 v12;
	v12 =	vunpack.i.l.bf16.f32 v12  }
0x173: {  	v16 =	vld [tilespmem:s21+$0xFFFFFFF0];
	v22 =	vmul.f32 v14, v17;
	v17 =	vunpack.i.l.bf16.f32 v10;
	v13 =	vmul.f32 v13, v12  }
0x174: {  	v21 =	vld [tilespmem:s17+$0xFFFFFFF0];
	v10 =	vunpack.i.u.bf16.f32 v10;
	v12 =	vmul.f32 v20, v17;
	v20 =	vperm.xlane v15, v3  }
0x175: {  	s17 =	simm.s32 $0x6CE0;
	v14 =	vpop (erf);
	v10 =	vmul.f32 v23, v10;
	v17 =	vperm.xlane v15, v5  }
0x176: {  	s21 =	simm.s32 $0x4DF0;
	[tilespmem:s17+$0x80] =	vst v14;
	v9 =	vadd.f32 v9, v11;
	v11 =	vperm.xlane v15, v7;
	v25 =	vperm.xlane v14, v7  }
0x177: {  	v28 =	vperm.xlane v14, v1;
	v29 =	vperm.xlane v14, v2;
	v23 =	vld [tilespmem:s21+$0x0];
	[tilespmem:s20+$0xFFFFFF80] =	vst v22  }
0x178: {  	v57 =	vperm.xlane v14, v4;
	v41 =	vperm.xlane v14, v5;
	[tilespmem:s20+$0x20] =	vst v12  }
0x179: {  	v43 =	vperm.xlane v14, v6;
	v22 =	vperm.xlane v18, v5;
	[tilespmem:s20+$0x30] =	vst v10;
	v10 =	vadd.f32 v16, v21  }
0x17a: {  	v12 =	vperm.xlane v15, v6;
	v16 =	vmul.f32 $2.000000030e-01, v9;
	v21 =	vld [tilespmem:s15+$0x20]  }
0x17b: {  	vm10 =	vge.f32 v9, $0.0e+00;
	v15 =	vperm.xlane v15, v8;
	v27 =	vmul.f32 $2.000000030e-01, v10  }
0x17c: {  	v26 =	vpop (erf);
	v9 =	vsel vm10, v9, v16;
	vm11 =	vge.f32 v10, $0.0e+00;
	v16 =	vunpack.i.l.bf16.f32 v23  }
0x17d: {  	[tilespmem:s17+$0xFFFFFFF0] =	vst v26;
	v9 =	vmul.f32 $1.442695020e+00, v9;
	v23 =	vunpack.i.u.bf16.f32 v23;
	v16 =	vmul.f32 v28, v16  }
0x17e: {  	[tilespmem:s20+$0xFFFFFF70] =	vst v13;
	v30 =	vld [tilespmem:s21+$0xFFFFFFC0];
	v10 =	vsel vm11, v10, v27;
	v23 =	vmul.f32 v29, v23;
	v28 =	vperm.xlane v18, v6  }
0x17f: {  	(erf) = vpow2.f32 v9;
	v9 =	vld [tilespmem:s15+$0xFFFFFFD0];
	v10 =	vmul.f32 $1.442695020e+00, v10;
	v13 =	vunpack.i.l.bf16.f32 v21  }
0x180: {  	v29 =	vperm.xlane v26, v3;
	[tilespmem:s17+$0x0] =	vst v16;
	v13 =	vmul.f32 v22, v13  }
0x181: {  	v16 =	vunpack.i.u.bf16.f32 v21;
	v21 =	vperm.xlane v26, v2;
	[tilespmem:s17+$0x10] =	vst v23;
	v22 =	vperm.xlane v26, v1  }
0x182: {  	s22 =	simm.s32 $0x61A0;
	(erf) = vpow2.f32 v10;
	v16 =	vmul.f32 v28, v16;
	v27 =	vld [tilespmem:s21+$0x10]  }
0x183: {  	s23 =	simm.s32 $0x66A0;
	v31 =	vld [tilespmem:s22+$0x0];
	v23 =	vunpack.i.u.bf16.f32 v30;
	[tilespmem:s20+$0x40] =	vst v13;
	v13 =	vunpack.i.l.bf16.f32 v30;
	v30 =	vperm.xlane v26, v4  }
0x184: {  	v55 =	vld [tilespmem:s23+$0xFFFFFFF0];
	v21 =	vmul.f32 v21, v23;
	[tilespmem:s20+$0x50] =	vst v16;
	v22 =	vmul.f32 v22, v13;
	v10 =	vunpack.i.l.bf16.f32 v9  }
0x185: {  	v9 =	vunpack.i.u.bf16.f32 v9;
	v13 =	vperm.xlane v26, v5;
	v28 =	vld [tilespmem:s15+$0x30];
	v54 =	vmul.f32 v20, v10  }
0x186: {  	v20 =	vld [tilespmem:s23+$0x0];
	v24 =	vmul.f32 v24, v9;
	v9 =	vperm.xlane v14, v3  }
0x187: {  	v16 =	vperm.xlane v26, v6;
	v10 =	vperm.xlane v18, v8;
	v18 =	vld [tilespmem:s22+$0xFFFFFFF0];
	v56 =	vunpack.i.l.bf16.f32 v27  }
0x188: {  	v14 =	vperm.xlane v14, v8;
	v27 =	vunpack.i.u.bf16.f32 v27;
	v23 =	vpop (erf);
	v9 =	vmul.f32 v9, v56  }
0x189: {  	v27 =	vmul.f32 v57, v27;
	v38 =	vperm.xlane v23, v1  }
0x18a: {  	s5 =	simm.s32 $0x6E00;
	v39 =	vperm.xlane v23, v2;
	v46 =	vperm.xlane v23, v3  }
0x18b: {  	s22 =	simm.s32 $0x4E70;
	[tilespmem:s5+$0x80] =	vst v23;
	v49 =	vperm.xlane v23, v4;
	v40 =	vperm.xlane v23, v6;
	v58 =	vunpack.i.u.bf16.f32 v28  }
0x18c: {  	v31 =	vadd.f32 v20, v31;
	v60 =	vld [tilespmem:s22+$0x0];
	[tilespmem:s17+$0x20] =	vst v9;
	v9 =	vperm.xlane v26, v8;
	v18 =	vadd.f32 v55, v18  }
0x18d: {  	[tilespmem:s17+$0x30] =	vst v27;
	v59 =	vmul.f32 v10, v58;
	v10 =	vperm.xlane v26, v7;
	v26 =	vunpack.i.l.bf16.f32 v28  }
0x18e: {  	[tilespmem:s17+$0xFFFFFF80] =	vst v21;
	v27 =	vmul.f32 $2.000000030e-01, v31;
	v19 =	vmul.f32 v19, v26;
	v26 =	vld [tilespmem:s21+$0x20]  }
0x18f: {  	[tilespmem:s17+$0xFFFFFF70] =	vst v22;
	v20 =	vperm.xlane v23, v7;
	v28 =	vpop (erf);
	vm12 =	vge.f32 v31, $0.0e+00;
	v63 =	vmul.f32 $2.000000030e-01, v18  }
0x190: {  	v42 =	vld [tilespmem:s21+$0xFFFFFFD0];
	v61 =	vperm.xlane v28, v1;
	[tilespmem:s5+$0xFFFFFFF0] =	vst v28;
	vm13 =	vge.f32 v18, $0.0e+00;
	v21 =	vsel vm12, v31, v27  }
0x191: {  	v27 =	vld [tilespmem:s22+$0xFFFFFFC0];
	v18 =	vsel vm13, v18, v63;
	v31 =	vunpack.i.l.bf16.f32 v60;
	v21 =	vmul.f32 $1.442695020e+00, v21  }
0x192: {  	[tilespmem:s20+$0xFFFFFF90] =	vst v54;
	v22 =	vunpack.i.u.bf16.f32 v60;
	v18 =	vmul.f32 $1.442695020e+00, v18;
	v31 =	vmul.f32 v38, v31  }
0x193: {  	[tilespmem:s20+$0xFFFFFFA0] =	vst v24;
	v22 =	vmul.f32 v39, v22;
	v24 =	vunpack.i.l.bf16.f32 v26;
	(erf) = vpow2.f32 v21  }
0x194: {  	v62 =	vperm.xlane v28, v2;
	v21 =	vunpack.i.u.bf16.f32 v26;
	[tilespmem:s5+$0x0] =	vst v31;
	v24 =	vmul.f32 v41, v24  }
0x195: {  	[tilespmem:s5+$0x10] =	vst v22;
	v21 =	vmul.f32 v43, v21;
	v31 =	vld [tilespmem:s15+$0xFFFFFFE0];
	(erf) = vpow2.f32 v18  }
0x196: {  	s31 =	simm.s32 $0x61C0;
	[tilespmem:s20+$0x70] =	vst v59;
	v18 =	vunpack.i.u.bf16.f32 v42;
	v26 =	vunpack.i.u.bf16.f32 v27;
	v22 =	vunpack.i.l.bf16.f32 v27;
	v27 =	vld [tilespmem:s22+$0x10]  }
0x197: {  	v45 =	vld [tilespmem:s31+$0x0];
	s13 =	simm.s32 $0x66C0;
	v32 =	vperm.xlane v28, v3;
	v30 =	vmul.f32 v30, v18;
	[tilespmem:s17+$0x40] =	vst v24  }
0x198: {  	v18 =	vld [tilespmem:s13+$0x0];
	v26 =	vmul.f32 v62, v26;
	v22 =	vmul.f32 v61, v22;
	[tilespmem:s17+$0x50] =	vst v21  }
0x199: {  	v59 =	vperm.xlane v23, v5;
	[tilespmem:s20+$0x60] =	vst v19;
	v19 =	vperm.xlane v28, v6;
	v21 =	vunpack.i.l.bf16.f32 v42;
	v44 =	vld [tilespmem:s21+$0x30]  }
0x19a: {  	v47 =	vld [tilespmem:s13+$0xFFFFFFF0];
	v24 =	vperm.xlane v28, v4;
	v29 =	vmul.f32 v29, v21;
	[tilespmem:s5+$0xFFFFFF80] =	vst v26;
	v26 =	vunpack.i.l.bf16.f32 v31  }
0x19b: {  	v21 =	vperm.xlane v28, v5;
	[tilespmem:s5+$0xFFFFFF70] =	vst v22;
	v48 =	vunpack.i.l.bf16.f32 v27;
	v26 =	vmul.f32 v17, v26;
	v17 =	vld [tilespmem:s31+$0xFFFFFFF0]  }
0x19c: {  	s23 =	simm.s32 $0x6F20;
	[tilespmem:s17+$0xFFFFFF90] =	vst v29;
	v31 =	vunpack.i.u.bf16.f32 v31;
	v27 =	vunpack.i.u.bf16.f32 v27;
	v29 =	vmul.f32 v46, v48;
	v22 =	vpop (erf)  }
0x19d: {  	s11 =	simm.s32 $0x4EF0;
	v31 =	vmul.f32 v12, v31;
	v27 =	vmul.f32 v49, v27;
	[tilespmem:s23+$0x80] =	vst v22  }
0x19e: {  	v12 =	vperm.xlane v28, v8;
	v50 =	vunpack.i.u.bf16.f32 v44;
	[tilespmem:s5+$0x20] =	vst v29;
	v29 =	vadd.f32 v18, v45;
	v51 =	vld [tilespmem:s11+$0x0]  }
0x19f: {  	v35 =	vmul.f32 v14, v50;
	v14 =	vperm.xlane v28, v7;
	[tilespmem:s5+$0x30] =	vst v27  }
0x1a0: {  	[tilespmem:s17+$0xFFFFFFA0] =	vst v30;
	v18 =	vperm.xlane v22, v7;
	v52 =	vld [tilespmem:s22+$0x20];
	v28 =	vadd.f32 v47, v17;
	v30 =	vmul.f32 $2.000000030e-01, v29;
	v17 =	vpop (erf)  }
0x1a1: {  	v27 =	vunpack.i.l.bf16.f32 v44;
	v55 =	vperm.xlane v22, v1;
	vm14 =	vge.f32 v29, $0.0e+00;
	[tilespmem:s23+$0xFFFFFFF0] =	vst v17  }
0x1a2: {  	[tilespmem:s20+$0xFFFFFFB0] =	vst v26;
	v56 =	vperm.xlane v22, v2;
	v25 =	vmul.f32 v25, v27;
	v29 =	vsel vm14, v29, v30;
	v30 =	vld [tilespmem:s11+$0xFFFFFFC0]  }
0x1a3: {  	[tilespmem:s20+$0xFFFFFFC0] =	vst v31;
	v27 =	vperm.xlane v17, v1;
	v53 =	vperm.xlane v17, v2;
	v26 =	vunpack.i.l.bf16.f32 v51  }
0x1a4: {  	v57 =	vld [tilespmem:s22+$0xFFFFFFD0];
	[tilespmem:s17+$0x70] =	vst v35;
	v29 =	vmul.f32 $1.442695020e+00, v29;
	v31 =	vunpack.i.u.bf16.f32 v51;
	v58 =	vmul.f32 v55, v26  }
0x1a5: {  	[tilespmem:s17+$0x60] =	vst v25;
	v54 =	vmul.f32 $2.000000030e-01, v28;
	v60 =	vunpack.i.l.bf16.f32 v52;
	v31 =	vmul.f32 v56, v31  }
0x1a6: {  	v25 =	vunpack.i.u.bf16.f32 v52;
	v26 =	vld [tilespmem:s21+$0xFFFFFFE0];
	(erf) = vpow2.f32 v29;
	v29 =	vmul.f32 v59, v60;
	[tilespmem:s23+$0x0] =	vst v58  }
0x1a7: {  	vm15 =	vge.f32 v28, $0.0e+00;
	v61 =	vunpack.i.u.bf16.f32 v30;
	[tilespmem:s23+$0x10] =	vst v31;
	v31 =	vmul.f32 v40, v25  }
0x1a8: {  	v28 =	vsel vm15, v28, v54;
	v30 =	vunpack.i.l.bf16.f32 v30;
	[tilespmem:s5+$0x40] =	vst v29;
	v25 =	vld [tilespmem:s15+$0xFFFFFFF0];
	v62 =	vmul.f32 v53, v61  }
0x1a9: {  	v33 =	vunpack.i.u.bf16.f32 v57;
	v35 =	vmul.f32 $1.442695020e+00, v28;
	v27 =	vmul.f32 v27, v30;
	[tilespmem:s5+$0x50] =	vst v31;
	v31 =	vld [tilespmem:s11+$0x10]  }
0x1aa: {  	s29 =	simm.s32 $0x8;
	v63 =	vunpack.i.l.bf16.f32 v57;
	v29 =	vperm.xlane v17, v4;
	v30 =	vperm.xlane v17, v3;
	[tilespmem:s23+$0xFFFFFF80] =	vst v62;
	v28 =	vld [tilespmem:s22+$0x30]  }
0x1ab: {  	s0 =	simm.s32 $0x61E0;
	s14 =	simm.s32 $0x6F20;
	v34 =	vmul.f32 v32, v63;
	(erf) = vpow2.f32 v35;
	s15 =	simm.s32 $0x4EF0;
	[tilespmem:s23+$0xFFFFFF70] =	vst v27;
	v32 =	vunpack.i.u.bf16.f32 v26  }
.LBB2_5:
0x1ac: {  	v35 =	vld [tilespmem:s0+$0x0];
	s13 =	sadd.s32 $0x20, s13;
	v36 =	vperm.xlane v17, v5;
	v33 =	vmul.f32 v24, v33;
	v26 =	vunpack.i.l.bf16.f32 v26;
	v27 =	vmovc v30;
	v24 =	vmovc v29  }
0x1ad: {  	v30 =	vperm.xlane v17, v6;
	v37 =	vperm.xlane v22, v3;
	v29 =	vld [tilespmem:s13+$0x0];
	[tilespmem:s5+$0xFFFFFF90] =	vst v34;
	v34 =	vunpack.i.u.bf16.f32 v25  }
0x1ae: {  	v23 =	vperm.xlane v23, v8;
	v38 =	vld [tilespmem:s13+$0xFFFFFFF0];
	v39 =	vunpack.i.l.bf16.f32 v31;
	[tilespmem:s5+$0xFFFFFFA0] =	vst v33;
	v33 =	vmul.f32 v13, v26;
	v13 =	vmovc v21  }
0x1af: {  	s23 =	sadd.s32 $0x120, s23;
	v40 =	vld [tilespmem:s0+$0xFFFFFFF0];
	v41 =	vpop (erf);
	v26 =	vmul.f32 v37, v39;
	v37 =	vperm.xlane v22, v4;
	v42 =	vunpack.i.u.bf16.f32 v28  }
0x1b0: {  	v32 =	vmul.f32 v16, v32;
	v31 =	vunpack.i.u.bf16.f32 v31;
	v21 =	vmovc v36;
	[tilespmem:s23+$0x80] =	vst v41;
	v39 =	vld [tilespmem:s11+$0xFFFFFFD0];
	v23 =	vmul.f32 v23, v42  }
0x1b1: {  	v16 =	vmovc v19;
	v25 =	vunpack.i.l.bf16.f32 v25;
	v36 =	vperm.xlane v17, v7;
	s11 =	sadd.s32 $0x80, s11;
	[tilespmem:s14+$0x20] =	vst v26;
	v31 =	vmul.f32 v37, v31;
	v26 =	vld [tilespmem:s22+$0xFFFFFFE0]  }
0x1b2: {  	v42 =	vperm.xlane v17, v8;
	v37 =	vperm.xlane v41, v7;
	v29 =	vadd.f32 v29, v35;
	v35 =	vld [tilespmem:s11+$0x0];
	[tilespmem:s5+$0x70] =	vst v23  }
0x1b3: {  	v11 =	vmul.f32 v11, v25;
	v15 =	vmul.f32 v15, v34;
	v19 =	vmovc v30;
	v43 =	vunpack.i.l.bf16.f32 v28;
	[tilespmem:s14+$0x30] =	vst v31  }
0x1b4: {  	s29 =	sadd.s32 $0x2, s29;
	v20 =	vmul.f32 v20, v43;
	v28 =	vadd.f32 v38, v40;
	v25 =	vmul.f32 $2.000000030e-01, v29;
	v17 =	vpop (erf);
	v30 =	vld [tilespmem:s15+$0x20];
	[tilespmem:s17+$0xFFFFFFB0] =	vst v33  }
0x1b5: {  	p1 =	slt.u32 s29, $0x4E;
	vm0 =	vge.f32 v29, $0.0e+00;
	v23 =	vmovc v22;
	[tilespmem:s23+$0xFFFFFFF0] =	vst v17;
	v31 =	vperm.xlane v17, v1;
	v33 =	vperm.xlane v17, v2  }
0x1b6: {  	v38 =	vperm.xlane v41, v1;
	v22 =	vmovc v41;
	v34 =	vmul.f32 $2.000000030e-01, v28;
	v25 =	vsel vm0, v29, v25;
	v29 =	vld [tilespmem:s11+$0xFFFFFFC0];
	[tilespmem:s17+$0xFFFFFFC0] =	vst v32  }
0x1b7: {  	v41 =	vperm.xlane v22, v2;
	v32 =	vmul.f32 $1.442695020e+00, v25;
	v40 =	vunpack.i.l.bf16.f32 v35;
	v25 =	vld [tilespmem:s21+$0xFFFFFFF0];
	[tilespmem:s20+$0xFFFFFFD0] =	vst v11;
	v11 =	vmovc v10;
	v10 =	vmovc v14;
	s21 =	smov.u32 s22;
	s22 =	smov.u32 s15;
	s15 =	smov.u32 s11  }
0x1b8: {  	v35 =	vunpack.i.u.bf16.f32 v35;
	v14 =	vmovc v36;
	v38 =	vmul.f32 v38, v40;
	v40 =	vperm.xlane v23, v5;
	[tilespmem:s20+$0xFFFFFFE0] =	vst v15;
	s20 =	smov.u32 s17;
	s17 =	smov.u32 s5;
	s5 =	smov.u32 s14  }
0x1b9: {  	v36 =	vperm.xlane v23, v6;
	v35 =	vmul.f32 v41, v35;
	s14 =	smov.u32 s23;
	v41 =	vunpack.i.l.bf16.f32 v30;
	[tilespmem:s17+$0x60] =	vst v20;
	v20 =	vmovc v18  }
0x1ba: {  	v15 =	vmovc v9;
	v30 =	vunpack.i.u.bf16.f32 v30;
	v18 =	vmovc v37;
	(erf) = vpow2.f32 v32;
	[tilespmem:s23+$0x0] =	vst v38;
	v32 =	vmul.f32 v40, v41  }
.Ltmp1:
0x1bb: {  	vm0 =	vge.f32 v28, $0.0e+00;
	v9 =	vmovc v12;
	v12 =	vmovc v42;
	v30 =	vmul.f32 v36, v30;
	v37 =	vunpack.i.u.bf16.f32 v29;
	[tilespmem:s23+$0x10] =	vst v35;
	(pc) =	sbr.rel @p1 .LBB2_5-.Ltmp1, $4  }
0x1bc: {  	v28 =	vsel vm0, v28, v34;
	v29 =	vunpack.i.l.bf16.f32 v29;
	v34 =	vmul.f32 v33, v37;
	[tilespmem:s5+$0x40] =	vst v32  }
0x1bd: {  	v32 =	vmul.f32 $1.442695020e+00, v28;
	v35 =	vmul.f32 v31, v29;
	v33 =	vunpack.i.u.bf16.f32 v39;
	v31 =	vld [tilespmem:s11+$0x10];
	[tilespmem:s5+$0x50] =	vst v30  }
0x1be: {  	v29 =	vperm.xlane v17, v4;
	v30 =	vperm.xlane v17, v3;
	[tilespmem:s23+$0xFFFFFF80] =	vst v34;
	v34 =	vunpack.i.l.bf16.f32 v39;
	v28 =	vld [tilespmem:s22+$0x30]  }
0x1bf: {  	s0 =	sadd.s32 $0x20, s0;
	(erf) = vpow2.f32 v32;
	[tilespmem:s23+$0xFFFFFF70] =	vst v35;
	v34 =	vmul.f32 v27, v34;
	v32 =	vunpack.i.u.bf16.f32 v26  }
0x1c0: {  	_ =	sdelay $0x2  }
0x1c1: {  	s13 =	sadd.s32 $0x120, s23;
	v27 =	vpop (erf)  }
0x1c2: {  	s0 =	sadd.s32 $0x80, s11;
	[tilespmem:s13+$0x80] =	vst v27  }
0x1c3: {  	v24 =	vmul.f32 v24, v33;
	v35 =	vld [tilespmem:s0+$0x0];
	_ =	sdelay $0x1  }
0x1c4: {  	v56 =	vperm.xlane v22, v3  }
0x1c5: {  	v36 =	vperm.xlane v22, v4;
	[tilespmem:s5+$0xFFFFFF90] =	vst v34;
	v57 =	vunpack.i.l.bf16.f32 v31  }
0x1c6: {  	[tilespmem:s5+$0xFFFFFFA0] =	vst v24;
	v58 =	vunpack.i.u.bf16.f32 v31;
	v33 =	vmul.f32 v56, v57;
	v59 =	vperm.xlane v27, v1;
	v24 =	vpop (erf)  }
0x1c7: {  	v31 =	vmul.f32 v36, v58;
	v37 =	vperm.xlane v27, v2;
	[tilespmem:s13+$0xFFFFFFF0] =	vst v24;
	v60 =	vunpack.i.l.bf16.f32 v35  }
0x1c8: {  	[tilespmem:s14+$0x20] =	vst v33;
	v61 =	vld [tilespmem:s0+$0xFFFFFFC0];
	v35 =	vunpack.i.u.bf16.f32 v35;
	v34 =	vmul.f32 v59, v60  }
0x1c9: {  	[tilespmem:s14+$0x30] =	vst v31;
	v63 =	vmul.f32 v37, v35  }
0x1ca: {  	v23 =	vperm.xlane v23, v8;
	v26 =	vunpack.i.l.bf16.f32 v26;
	v16 =	vmul.f32 v16, v32;
	v37 =	vld [tilespmem:s15+$0x20];
	[tilespmem:s13+$0x0] =	vst v34  }
0x1cb: {  	v13 =	vmul.f32 v13, v26;
	v62 =	vunpack.i.u.bf16.f32 v28;
	[tilespmem:s13+$0x10] =	vst v63  }
0x1cc: {  	v38 =	vunpack.i.l.bf16.f32 v25;
	[tilespmem:s17+$0xFFFFFFC0] =	vst v16;
	v23 =	vmul.f32 v23, v62;
	v39 =	vperm.xlane v24, v2;
	v31 =	vld [tilespmem:s0+$0x10]  }
0x1cd: {  	v11 =	vmul.f32 v11, v38;
	[tilespmem:s17+$0xFFFFFFB0] =	vst v13;
	v40 =	vperm.xlane v24, v1;
	v41 =	vunpack.i.u.bf16.f32 v61  }
0x1ce: {  	v42 =	vperm.xlane v22, v5;
	[tilespmem:s5+$0x70] =	vst v23;
	v43 =	vunpack.i.l.bf16.f32 v61;
	v23 =	vmul.f32 v39, v41  }
0x1cf: {  	v45 =	vld [tilespmem:s11+$0xFFFFFFD0];
	[tilespmem:s20+$0xFFFFFFD0] =	vst v11;
	v11 =	vunpack.i.l.bf16.f32 v37;
	v13 =	vmul.f32 v40, v43  }
0x1d0: {  	v53 =	vunpack.i.u.bf16.f32 v25;
	v47 =	vperm.xlane v27, v3;
	v11 =	vmul.f32 v42, v11;
	[tilespmem:s13+$0xFFFFFF80] =	vst v23  }
0x1d1: {  	v15 =	vmul.f32 v15, v53;
	v50 =	vperm.xlane v27, v4;
	[tilespmem:s13+$0xFFFFFF70] =	vst v13;
	v49 =	vunpack.i.l.bf16.f32 v31  }
0x1d2: {  	[tilespmem:s14+$0x40] =	vst v11;
	v51 =	vld [tilespmem:s0+$0xFFFFFFD0];
	v52 =	vunpack.i.u.bf16.f32 v31;
	v11 =	vmul.f32 v47, v49  }
0x1d3: {  	v54 =	vunpack.i.l.bf16.f32 v28;
	[tilespmem:s20+$0xFFFFFFE0] =	vst v15;
	v16 =	vmul.f32 v50, v52  }
0x1d4: {  	v44 =	vperm.xlane v22, v6;
	v20 =	vmul.f32 v20, v54;
	v57 =	vunpack.i.u.bf16.f32 v45;
	v63 =	vld [tilespmem:s21+$0xFFFFFFF0];
	[tilespmem:s13+$0x20] =	vst v11  }
0x1d5: {  	v15 =	vmul.f32 v29, v57;
	v46 =	vunpack.i.u.bf16.f32 v37;
	v11 =	vld [tilespmem:s22+$0xFFFFFFE0];
	[tilespmem:s13+$0x30] =	vst v16  }
0x1d6: {  	v56 =	vunpack.i.l.bf16.f32 v45;
	[tilespmem:s5+$0x60] =	vst v20;
	v58 =	vperm.xlane v24, v3;
	v48 =	vmul.f32 v44, v46;
	v59 =	vld [tilespmem:s0+$0x20]  }
0x1d7: {  	[tilespmem:s14+$0xFFFFFFA0] =	vst v15;
	v60 =	vperm.xlane v24, v4;
	v23 =	vmul.f32 v30, v56;
	v61 =	vunpack.i.l.bf16.f32 v51  }
0x1d8: {  	[tilespmem:s14+$0x50] =	vst v48;
	v13 =	vunpack.i.u.bf16.f32 v51;
	v16 =	vmul.f32 v58, v61  }
0x1d9: {  	v43 =	vunpack.i.l.bf16.f32 v63;
	v55 =	vld [tilespmem:s15+$0x30];
	[tilespmem:s14+$0xFFFFFF90] =	vst v23;
	v13 =	vmul.f32 v60, v13  }
0x1da: {  	v35 =	vperm.xlane v27, v5;
	v10 =	vmul.f32 v10, v43;
	v34 =	vld [tilespmem:s15+$0xFFFFFFE0];
	v33 =	vunpack.i.l.bf16.f32 v11;
	[tilespmem:s13+$0xFFFFFF90] =	vst v16  }
0x1db: {  	v38 =	vperm.xlane v27, v6;
	[tilespmem:s13+$0xFFFFFFA0] =	vst v13;
	v36 =	vmul.f32 v21, v33;
	v37 =	vunpack.i.l.bf16.f32 v59  }
0x1dc: {  	[tilespmem:s17+$0xFFFFFFD0] =	vst v10;
	v39 =	vunpack.i.u.bf16.f32 v59;
	v41 =	vld [tilespmem:s0+$0xFFFFFFE0];
	v40 =	vmul.f32 v35, v37  }
0x1dd: {  	v62 =	vperm.xlane v22, v8;
	v11 =	vunpack.i.u.bf16.f32 v11;
	v13 =	vmul.f32 v38, v39;
	[tilespmem:s5+$0xFFFFFFB0] =	vst v36  }
0x1de: {  	v44 =	vperm.xlane v17, v6;
	v32 =	vunpack.i.u.bf16.f32 v55;
	v11 =	vmul.f32 v19, v11;
	[tilespmem:s13+$0x40] =	vst v40  }
0x1df: {  	v42 =	vperm.xlane v17, v5;
	v15 =	vmul.f32 v62, v32;
	v47 =	vunpack.i.u.bf16.f32 v34;
	[tilespmem:s13+$0x50] =	vst v13  }
0x1e0: {  	v46 =	vperm.xlane v24, v5;
	v45 =	vunpack.i.l.bf16.f32 v34;
	v10 =	vmul.f32 v44, v47;
	[tilespmem:s5+$0xFFFFFFC0] =	vst v11;
	v11 =	vld [tilespmem:s0+$0x30]  }
0x1e1: {  	v48 =	vperm.xlane v24, v6;
	[tilespmem:s14+$0x70] =	vst v15;
	v13 =	vmul.f32 v42, v45;
	v49 =	vld [tilespmem:s22+$0xFFFFFFF0];
	v50 =	vunpack.i.l.bf16.f32 v41  }
0x1e2: {  	[tilespmem:s14+$0xFFFFFFC0] =	vst v10;
	v51 =	vunpack.i.u.bf16.f32 v41;
	v15 =	vmul.f32 v46, v50  }
0x1e3: {  	v52 =	vunpack.i.u.bf16.f32 v63;
	[tilespmem:s14+$0xFFFFFFB0] =	vst v13;
	v10 =	vmul.f32 v48, v51  }
0x1e4: {  	v54 =	vperm.xlane v27, v8;
	v9 =	vmul.f32 v9, v52;
	v53 =	vunpack.i.l.bf16.f32 v55;
	v55 =	vld [tilespmem:s15+$0xFFFFFFF0];
	[tilespmem:s13+$0xFFFFFFB0] =	vst v15  }
0x1e5: {  	v13 =	vmul.f32 v18, v53;
	[tilespmem:s13+$0xFFFFFFC0] =	vst v10;
	v56 =	vunpack.i.u.bf16.f32 v11  }
0x1e6: {  	[tilespmem:s17+$0xFFFFFFE0] =	vst v9;
	v10 =	vunpack.i.l.bf16.f32 v49;
	v57 =	vld [tilespmem:s0+$0xFFFFFFF0];
	v9 =	vmul.f32 v54, v56  }
0x1e7: {  	v58 =	vperm.xlane v27, v7;
	[tilespmem:s14+$0x60] =	vst v13;
	v59 =	vunpack.i.u.bf16.f32 v49;
	v10 =	vmul.f32 v14, v10  }
0x1e8: {  	v60 =	vperm.xlane v17, v7;
	[tilespmem:s13+$0x70] =	vst v9;
	v9 =	vunpack.i.l.bf16.f32 v11;
	v11 =	vmul.f32 v12, v59  }
0x1e9: {  	v61 =	vperm.xlane v17, v8;
	[tilespmem:s5+$0xFFFFFFD0] =	vst v10;
	v10 =	vunpack.i.l.bf16.f32 v55;
	v9 =	vmul.f32 v58, v9  }
0x1ea: {  	s16 =	sadd.s32 $0x1, s16;
	v62 =	vperm.xlane v24, v7;
	v10 =	vmul.f32 v60, v10;
	[tilespmem:s5+$0xFFFFFFE0] =	vst v11;
	v11 =	vunpack.i.u.bf16.f32 v55  }
0x1eb: {  	p1 =	sne.s32 s16, $0x7D;
	v63 =	vperm.xlane v24, v8;
	[tilespmem:s13+$0x60] =	vst v9;
	v9 =	vmul.f32 v61, v11;
	v11 =	vunpack.i.l.bf16.f32 v57  }
.Ltmp2:
0x1ec: {  	[tilespmem:s14+$0xFFFFFFD0] =	vst v10;
	v10 =	vunpack.i.u.bf16.f32 v57;
	v11 =	vmul.f32 v62, v11;
	(pc) =	sbr.rel @p1 .LBB2_2-.Ltmp2, $4  }
0x1ed: {  	[tilespmem:s14+$0xFFFFFFE0] =	vst v9;
	v9 =	vmul.f32 v63, v10  }
0x1ee: {  	[tilespmem:s13+$0xFFFFFFD0] =	vst v11  }
0x1ef: {  	[tilespmem:s13+$0xFFFFFFE0] =	vst v9  }
0x1f0: {  	[spmem:s3] =	stream.indirect.scatter.add.f32 [tilespmem:s12], [sflag:$0x3], $0x90, s4, s24, $0xb8;
	[tilespmem:$0x1F7C0] =	vst v63  }
0x1f1: {  	_ =	swait.ge [sflag:s10], $0x2D00  }
0x1f2: {  	[sflag:s10] =	ssyncset.done $0x0  }
0x1f3: {  	[sflag:s10] =	ssyncadd.s32 $0xFFFFD300  }
0x1f4: {  	[bflag:$0x0] =	sbarrier.arrive $0xFFFF  }
0x1f5: {  	s16 =	rddreg [dreg:$0x7]  }
0x1f6: {  	s0 =	rddreg [dreg:$0xe]  }
0x1f7: {  	s11 =	simm.s32 $0x4;
	s5 =	rddreg [dreg:$0x12]  }
0x1f8: {  	[hbm:s0], [sflag:s16] =	dma.local [spmem:s5], $0x2BE0  }
0x1f9: {  	_ =	swait.ge [sflag:s11], $0x2BE0  }
0x1fa: {  	[sflag:s11] =	ssyncset.done $0x0;
	s0 =	rddreg [dreg:$0xf]  }
0x1fb: {  	s5 =	rddreg [dreg:$0x13];
	[sflag:s11] =	ssyncadd.s32 $0xFFFFD420  }
0x1fc: {  	[hbm:s0], [sflag:s16] =	dma.local @!p0 [spmem:s5], $0x120  }
0x1fd: {  	s0 =	simm.s32 @!p0 $0x4  }
0x1fe: {  	_ =	swait.ge @!p0 [sflag:s0], $0x120  }
0x1ff: {  	s13 =	rddreg [dreg:$0x11]  }
0x200: {  	s31 =	rddreg [dreg:$0x10];
	s13 =	sadd.s32 $0x1, s13  }
0x201: {  	p1 =	sne.s32 s13, s31  }
.Ltmp3:
0x202: {  	_ = 	snop;
	(pc) =	sbr.rel @p1 .LBB2_1-.Ltmp3, $3  }
0x203: {  	_ =	sdelay $0x1  }
0x204: {  	[sflag:s0] =	ssyncset.done @!p0 $0x0  }
0x205: {  	[sflag:s0] =	ssyncadd.s32 @!p0 $0xFFFFFEE0  }
0x206: {  	_ =	sfence.sel $0x180000  }
0x207: {  	[bflag:$0x0] =	sbarrier.arrive $0xFFFF  }
0x208: {  	_ =	strace $0x90000047  }
0x209: {  	s0 =	stileid.u32;
	[bflag:$0x2] =	sbarrier.arrive $0xFFFF  }
0x20a: {  	p0 =	sne.s32 s0, $0x0;
	s0 =	rddreg [dreg:$0x4]  }
0x20b: {  	s0 =	sadd.s32 @!p0 $0x100000, s0  }
0x20c: {  	[sflag:s0] =	ssyncadd.tile.s32 @!p0 $0x1;
	_ =	shalt  }
.Lfunc_end2:
_tile_overlayer_lowered:
.L_overlay_start_2:
0x20d: {  	(tag) =	ssettag $0x2  }
0x20e: {  	s0 =	rddreg [dreg:$0x0];
	s2 =	stileid.u32  }
0x20f: {  	s1 =	rddreg [dreg:$0x1];
	p0 =	sne.s32 s2, $0x0  }
0x210: {  	s3 =	rddreg [dreg:$0x2];
	[bflag:$0x3] =	sbarrier.arrive $0xFFFF;
	s2 =	simm.s32 @!p0 $0x1C04  }
0x211: {  	[timem:s3], [sflag:s2] =	dma.local @!p0 [hbm:s0], s1  }
0x212: {  	s0 =	simm.s32 @!p0 $0x4  }
0x213: {  	_ =	swait.ge @!p0 [sflag:s0], s1  }
0x214: {  	s1 =	ssub.s32 @!p0 $0x0, s1;
	[sflag:s0] =	ssyncset.done @!p0 $0x0  }
0x215: {  	[sflag:s0] =	ssyncadd.s32 @!p0 s1  }
0x216: {  	[bflag:$0x3] =	sbarrier.arrive $0xFFFF  }
0x217: {  	_ =	shalt  }

</sc_bundles>
